<compile_context>
chip_gen: v7x
topology: tpu7x:2x2x1
jax: 0.10.2.dev20260603
libtpu: 0.0.44.dev20260713+nightly
codegen_flags: <defaults>
</compile_context>

<pallas_src>
import functools

import jax
import jax.numpy as jnp
from jax import lax
from jax.experimental import pallas as pl
from jax.experimental.pallas import tpu as pltpu
from jax.experimental.pallas import tpu_sc as plsc

MAXLEN = 200
EMBED = 64
BATCH = 1024

NC = 2
NS = 16
NW = NC * NS
LANES = 16

BTILE = 128
NBT = BATCH // BTILE
NUNITS = MAXLEN * NBT
PER_WORKER = NUNITS // NW

NBUF = 4
NGRP = 48 // NBUF


def _body(idx_hbm, table_hbm, pos_hbm, out_hbm,
          idx_v, gath0, gath1, gath2, gath3, ob0, ob1, pos_v,
          g0, g1, g2, g3, o0, o1, psem):
    wid = lax.axis_index("s") * NC + lax.axis_index("c")
    ubase = wid * PER_WORKER

    gath = (gath0, gath1, gath2, gath3)
    obuf = (ob0, ob1)
    gsem = (g0, g1, g2, g3)
    osem = (o0, o1)

    pltpu.sync_copy(idx_hbm.at[pl.ds(ubase * BTILE, PER_WORKER * BTILE)],
                    idx_v)
    pos_cp = pltpu.async_copy(pos_hbm, pos_v, psem)

    iota = lax.iota(jnp.int32, LANES)
    dhv = [(iota + c * LANES) // 8 for c in range(EMBED // LANES)]
    dlv = [(iota + c * LANES) % 8 for c in range(EMBED // LANES)]

    def fetch(u, b):
        i = u - ubase
        pltpu.async_copy(table_hbm.at[idx_v.at[pl.ds(i * BTILE, BTILE)]],
                         gath[b], gsem[b])

    def wait_gather(b):
        pltpu.make_async_copy(table_hbm.at[idx_v.at[pl.ds(0, BTILE)]],
                              gath[b], gsem[b]).wait()

    def flush(u, b):
        t = u // NBT
        bt = u % NBT
        pltpu.async_copy(obuf[b].at[:, :, pl.ds(0, BTILE)],
                         out_hbm.at[t, :, bt], osem[b])

    def wait_out(b):
        pltpu.make_async_copy(obuf[b].at[:, :, pl.ds(0, BTILE)],
                              out_hbm.at[0, :, 0], osem[b]).wait()

    def transpose_add(u, gi, oi):
        t = u // NBT
        gb = gath[gi]
        ob = obuf[oi]
        prow = [pos_v[t, pl.ds(c * LANES, LANES)]
                for c in range(EMBED // LANES)]

        @plsc.parallel_loop(0, BTILE, unroll=4)
        def b_body(r):
            rsp = jnp.full((LANES,), r, jnp.int32)
            for c in range(EMBED // LANES):
                vals = gb[r, pl.ds(c * LANES, LANES)] + prow[c]
                plsc.store_scatter(ob, [dhv[c], dlv[c], rsp], vals)

    for j in range(NBUF):
        fetch(ubase + j, j)
    pos_cp.wait()

    def grp_body(g, carry):
        for j in range(NBUF):
            u = ubase + g * NBUF + j
            ob = j % 2
            wait_gather(j)

            if j < 2:
                @pl.when(g > 0)
                def _():
                    wait_out(ob)
            else:
                wait_out(ob)

            transpose_add(u, j, ob)
            flush(u, ob)

            @pl.when(u + NBUF < ubase + PER_WORKER)
            def _():
                fetch(u + NBUF, j)
        return carry

    lax.fori_loop(0, NGRP, grp_body, 0)

    for j in range(PER_WORKER - NBUF * NGRP):
        u = ubase + NBUF * NGRP + j
        wait_gather(j)
        wait_out(j % 2)
        transpose_add(u, j, j % 2)
        flush(u, j % 2)
    for b in range(2):
        wait_out(b)


@jax.jit
def kernel(inputs, token_emb, pos_emb):
    idx_t = jnp.swapaxes(inputs, 0, 1).astype(jnp.int32).reshape(-1)
    mesh = plsc.VectorSubcoreMesh(core_axis_name="c", subcore_axis_name="s")
    run = functools.partial(
        pl.kernel,
        out_type=jax.ShapeDtypeStruct((MAXLEN, 8, NBT, 8, BTILE), jnp.float32),
        mesh=mesh,
        scratch_types=[
            pltpu.VMEM((PER_WORKER * BTILE,), jnp.int32),
            pltpu.VMEM((BTILE, EMBED), jnp.float32),
            pltpu.VMEM((BTILE, EMBED), jnp.float32),
            pltpu.VMEM((BTILE, EMBED), jnp.float32),
            pltpu.VMEM((BTILE, EMBED), jnp.float32),
            pltpu.VMEM((8, 8, BTILE + 1), jnp.float32),
            pltpu.VMEM((8, 8, BTILE + 1), jnp.float32),
            pltpu.VMEM((MAXLEN, EMBED), jnp.float32),
            pltpu.SemaphoreType.DMA,
            pltpu.SemaphoreType.DMA,
            pltpu.SemaphoreType.DMA,
            pltpu.SemaphoreType.DMA,
            pltpu.SemaphoreType.DMA,
            pltpu.SemaphoreType.DMA,
            pltpu.SemaphoreType.DMA,
        ],
        compiler_params=pltpu.CompilerParams(
            use_tc_tiling_on_sc=False, needs_layout_passes=False),
    )(_body)
    out5 = run(idx_t, token_emb, pos_emb)
    return jnp.transpose(out5, (2, 4, 0, 1, 3)).reshape(BATCH, MAXLEN, EMBED)

# --- scband reference (transcript-rebuilt; emitter-appended) ---
"""Pipeline reference for scband-token-and-position-embedding-44444321579301 (READ-ONLY COPY).

The authoritative reference and input builder live on the scoring server;
editing this copy changes nothing except your own understanding.
"""

import jax, jax.numpy as jnp
import numpy as np

VOCAB = 100000
MAXLEN = 200
EMBED = 64
BATCH = 1024


def setup_inputs(seed: int = 0) -> dict:
    key = jax.random.key(seed)
    k1, k2, k3 = jax.random.split(key, 3)
    inputs = jax.random.randint(k1, (BATCH, MAXLEN), 0, VOCAB, dtype=jnp.int64 if jax.config.jax_enable_x64 else jnp.int32)
    token_emb = jax.random.normal(k2, (VOCAB, EMBED), dtype=jnp.float32) * 0.02
    pos_emb = jax.random.normal(k3, (MAXLEN, EMBED), dtype=jnp.float32) * 0.02
    return {"inputs": inputs, "token_emb": token_emb, "pos_emb": pos_emb}


def reference(inputs, token_emb, pos_emb):
    # maxlen = tf.shape(inputs)[-1]
    maxlen = inputs.shape[-1]
    positions = jnp.arange(0, maxlen, 1)
    # position embedding lookup: [maxlen, embed]
    position_embeddings = jnp.take(pos_emb, positions, axis=0)
    # token embedding lookup: [batch, maxlen, embed]
    token_embeddings = jnp.take(token_emb, inputs, axis=0)
    # broadcast add over batch dim
    embeddings = token_embeddings + position_embeddings
    return embeddings

if __name__ == "__main__":
    import jax
    _d = setup_inputs()
    print(jax.jit(kernel)(*tuple(_d.values())))

</pallas_src>

<mosaic_0001>
#map = affine_map<(d0, d1) -> (0)>
#map1 = affine_map<(d0, d1) -> (0, 0)>
#map2 = affine_map<(d0, d1) -> (0, 0, 0, 0, 0)>
module attributes {stable_mosaic.version = 14 : i64} {
  func.func @_body(%arg0: i32, %arg1: i32, %arg2: memref<204800xi32, #tpu.memory_space<hbm>>, %arg3: memref<100000x64xf32, #tpu.memory_space<hbm>>, %arg4: memref<200x64xf32, #tpu.memory_space<hbm>>, %arg5: memref<200x8x8x8x128xf32, #tpu.memory_space<hbm>>, %arg6: memref<6400xi32, #tpu.memory_space<vmem>>, %arg7: memref<128x64xf32, #tpu.memory_space<vmem>>, %arg8: memref<128x64xf32, #tpu.memory_space<vmem>>, %arg9: memref<128x64xf32, #tpu.memory_space<vmem>>, %arg10: memref<128x64xf32, #tpu.memory_space<vmem>>, %arg11: memref<8x8x129xf32, #tpu.memory_space<vmem>>, %arg12: memref<8x8x129xf32, #tpu.memory_space<vmem>>, %arg13: memref<200x64xf32, #tpu.memory_space<vmem>>, %arg14: memref<!tpu.dma_semaphore, #tpu.memory_space<semaphore_mem>>, %arg15: memref<!tpu.dma_semaphore, #tpu.memory_space<semaphore_mem>>, %arg16: memref<!tpu.dma_semaphore, #tpu.memory_space<semaphore_mem>>, %arg17: memref<!tpu.dma_semaphore, #tpu.memory_space<semaphore_mem>>, %arg18: memref<!tpu.dma_semaphore, #tpu.memory_space<semaphore_mem>>, %arg19: memref<!tpu.dma_semaphore, #tpu.memory_space<semaphore_mem>>, %arg20: memref<!tpu.dma_semaphore, #tpu.memory_space<semaphore_mem>>) attributes {dimension_semantics = [#tpu.dimension_semantics<core_parallel>, #tpu.dimension_semantics<subcore_parallel>], iteration_bounds = array<i64: 2, 16>, scalar_prefetch = 0 : i64, scratch_operands = 15 : i64, tpu.core_type = #tpu.core_type<sc_vector_subcore>, window_params = [{transform_indices = #map}, {transform_indices = #map1}, {transform_indices = #map1}, {transform_indices = #map2}]} {
    %mul3A = arith.constant 2 : i32
    %mul3A_0 = arith.muli %arg1, %mul3A : i32
    %add3A = arith.addi %mul3A_0, %arg0 : i32
    %mul3A_1 = arith.constant 50 : i32
    %mul3A_2 = arith.muli %add3A, %mul3A_1 : i32
    %mul3A_3 = arith.constant 128 : i32
    %mul3A_4 = arith.muli %mul3A_2, %mul3A_3 : i32
    "tpu.region"() ({
      %run_scoped3A = tpu.sem_alloc : memref<!tpu.dma_semaphore, #tpu.memory_space<semaphore_mem>>
      %dma_start3A_560 = tpu.memref_slice %arg2[%mul3A_4] : memref<204800xi32, #tpu.memory_space<hbm>> -> memref<6400xi32, #tpu.memory_space<hbm>>
      %dma_start3A_561 = tpu.memref_slice %arg2[%mul3A_4] : memref<204800xi32, #tpu.memory_space<hbm>> -> memref<6400xi32, #tpu.memory_space<hbm>>
      tpu.enqueue_dma source(%dma_start3A_561 : memref<6400xi32, #tpu.memory_space<hbm>>) target(%arg6 : memref<6400xi32, #tpu.memory_space<vmem>>) target_semaphore(%run_scoped3A : memref<!tpu.dma_semaphore, #tpu.memory_space<semaphore_mem>>)
      %dma_wait3A_562 = tpu.memref_slice %arg2[%mul3A_4] : memref<204800xi32, #tpu.memory_space<hbm>> -> memref<6400xi32, #tpu.memory_space<hbm>>
      %dma_wait3A_563 = tpu.memref_slice %arg2[%mul3A_4] : memref<204800xi32, #tpu.memory_space<hbm>> -> memref<6400xi32, #tpu.memory_space<hbm>>
      tpu.wait_dma2 semaphore(%run_scoped3A : memref<!tpu.dma_semaphore, #tpu.memory_space<semaphore_mem>>) src(%dma_wait3A_563 : memref<6400xi32, #tpu.memory_space<hbm>>) dst(%arg6 : memref<6400xi32, #tpu.memory_space<vmem>>)
      tpu.yield
    }) : () -> ()
    tpu.enqueue_dma source(%arg4 : memref<200x64xf32, #tpu.memory_space<hbm>>) target(%arg13 : memref<200x64xf32, #tpu.memory_space<vmem>>) target_semaphore(%arg20 : memref<!tpu.dma_semaphore, #tpu.memory_space<semaphore_mem>>)
    %iota3A = tpu.iota {dimensions = array<i32: 0>} : vector<16xi32>
    %add3A_5 = arith.constant 0 : i32
    %add3A_6 = vector.broadcast %add3A_5 : i32 to vector<16xi32>
    %add3A_7 = arith.addi %iota3A, %add3A_6 : vector<16xi32>
    %jit3A = arith.constant 8 : i32
    %div3A = vector.broadcast %jit3A : i32 to vector<16xi32>
    %div3A_8 = arith.divsi %add3A_7, %div3A : vector<16xi32>
    %sign3A = arith.constant 0 : i32
    %sign3A_9 = vector.broadcast %sign3A : i32 to vector<16xi32>
    %sign3A_10 = arith.cmpi sgt, %add3A_7, %sign3A_9 : vector<16xi32>
    %sign3A_11 = arith.extui %sign3A_10 : vector<16xi1> to vector<16xi32>
    %sign3A_12 = arith.constant 0 : i32
    %sign3A_13 = vector.broadcast %sign3A_12 : i32 to vector<16xi32>
    %sign3A_14 = arith.cmpi slt, %add3A_7, %sign3A_13 : vector<16xi32>
    %sign3A_15 = arith.extui %sign3A_14 : vector<16xi1> to vector<16xi32>
    %sign3A_16 = arith.subi %sign3A_11, %sign3A_15 : vector<16xi32>
    %sign3A_17 = arith.constant 0 : i32
    %sign3A_18 = arith.cmpi sgt, %jit3A, %sign3A_17 : i32
    %sign3A_19 = arith.extui %sign3A_18 : i1 to i32
    %sign3A_20 = arith.constant 0 : i32
    %sign3A_21 = arith.cmpi slt, %jit3A, %sign3A_20 : i32
    %sign3A_22 = arith.extui %sign3A_21 : i1 to i32
    %sign3A_23 = arith.subi %sign3A_19, %sign3A_22 : i32
    %ne3A = vector.broadcast %sign3A_23 : i32 to vector<16xi32>
    %ne3A_24 = arith.cmpi ne, %sign3A_16, %ne3A : vector<16xi32>
    %rem3A = vector.broadcast %jit3A : i32 to vector<16xi32>
    %rem3A_25 = arith.remsi %add3A_7, %rem3A : vector<16xi32>
    %ne3A_26 = arith.constant 0 : i32
    %ne3A_27 = vector.broadcast %ne3A_26 : i32 to vector<16xi32>
    %ne3A_28 = arith.cmpi ne, %rem3A_25, %ne3A_27 : vector<16xi32>
    %and3A = arith.andi %ne3A_24, %ne3A_28 : vector<16xi1>
    %sub3A = arith.constant 1 : i32
    %sub3A_29 = vector.broadcast %sub3A : i32 to vector<16xi32>
    %sub3A_30 = arith.subi %div3A_8, %sub3A_29 : vector<16xi32>
    %select_n3A = arith.select %and3A, %sub3A_30, %div3A_8 : vector<16xi1>, vector<16xi32>
    %add3A_31 = arith.constant 16 : i32
    %add3A_32 = vector.broadcast %add3A_31 : i32 to vector<16xi32>
    %add3A_33 = arith.addi %iota3A, %add3A_32 : vector<16xi32>
    %jit3A_34 = arith.constant 8 : i32
    %div3A_35 = vector.broadcast %jit3A_34 : i32 to vector<16xi32>
    %div3A_36 = arith.divsi %add3A_33, %div3A_35 : vector<16xi32>
    %sign3A_37 = arith.constant 0 : i32
    %sign3A_38 = vector.broadcast %sign3A_37 : i32 to vector<16xi32>
    %sign3A_39 = arith.cmpi sgt, %add3A_33, %sign3A_38 : vector<16xi32>
    %sign3A_40 = arith.extui %sign3A_39 : vector<16xi1> to vector<16xi32>
    %sign3A_41 = arith.constant 0 : i32
    %sign3A_42 = vector.broadcast %sign3A_41 : i32 to vector<16xi32>
    %sign3A_43 = arith.cmpi slt, %add3A_33, %sign3A_42 : vector<16xi32>
    %sign3A_44 = arith.extui %sign3A_43 : vector<16xi1> to vector<16xi32>
    %sign3A_45 = arith.subi %sign3A_40, %sign3A_44 : vector<16xi32>
    %sign3A_46 = arith.constant 0 : i32
    %sign3A_47 = arith.cmpi sgt, %jit3A_34, %sign3A_46 : i32
    %sign3A_48 = arith.extui %sign3A_47 : i1 to i32
    %sign3A_49 = arith.constant 0 : i32
    %sign3A_50 = arith.cmpi slt, %jit3A_34, %sign3A_49 : i32
    %sign3A_51 = arith.extui %sign3A_50 : i1 to i32
    %sign3A_52 = arith.subi %sign3A_48, %sign3A_51 : i32
    %ne3A_53 = vector.broadcast %sign3A_52 : i32 to vector<16xi32>
    %ne3A_54 = arith.cmpi ne, %sign3A_45, %ne3A_53 : vector<16xi32>
    %rem3A_55 = vector.broadcast %jit3A_34 : i32 to vector<16xi32>
    %rem3A_56 = arith.remsi %add3A_33, %rem3A_55 : vector<16xi32>
    %ne3A_57 = arith.constant 0 : i32
    %ne3A_58 = vector.broadcast %ne3A_57 : i32 to vector<16xi32>
    %ne3A_59 = arith.cmpi ne, %rem3A_56, %ne3A_58 : vector<16xi32>
    %and3A_60 = arith.andi %ne3A_54, %ne3A_59 : vector<16xi1>
    %sub3A_61 = arith.constant 1 : i32
    %sub3A_62 = vector.broadcast %sub3A_61 : i32 to vector<16xi32>
    %sub3A_63 = arith.subi %div3A_36, %sub3A_62 : vector<16xi32>
    %select_n3A_64 = arith.select %and3A_60, %sub3A_63, %div3A_36 : vector<16xi1>, vector<16xi32>
    %add3A_65 = arith.constant 32 : i32
    %add3A_66 = vector.broadcast %add3A_65 : i32 to vector<16xi32>
    %add3A_67 = arith.addi %iota3A, %add3A_66 : vector<16xi32>
    %jit3A_68 = arith.constant 8 : i32
    %div3A_69 = vector.broadcast %jit3A_68 : i32 to vector<16xi32>
    %div3A_70 = arith.divsi %add3A_67, %div3A_69 : vector<16xi32>
    %sign3A_71 = arith.constant 0 : i32
    %sign3A_72 = vector.broadcast %sign3A_71 : i32 to vector<16xi32>
    %sign3A_73 = arith.cmpi sgt, %add3A_67, %sign3A_72 : vector<16xi32>
    %sign3A_74 = arith.extui %sign3A_73 : vector<16xi1> to vector<16xi32>
    %sign3A_75 = arith.constant 0 : i32
    %sign3A_76 = vector.broadcast %sign3A_75 : i32 to vector<16xi32>
    %sign3A_77 = arith.cmpi slt, %add3A_67, %sign3A_76 : vector<16xi32>
    %sign3A_78 = arith.extui %sign3A_77 : vector<16xi1> to vector<16xi32>
    %sign3A_79 = arith.subi %sign3A_74, %sign3A_78 : vector<16xi32>
    %sign3A_80 = arith.constant 0 : i32
    %sign3A_81 = arith.cmpi sgt, %jit3A_68, %sign3A_80 : i32
    %sign3A_82 = arith.extui %sign3A_81 : i1 to i32
    %sign3A_83 = arith.constant 0 : i32
    %sign3A_84 = arith.cmpi slt, %jit3A_68, %sign3A_83 : i32
    %sign3A_85 = arith.extui %sign3A_84 : i1 to i32
    %sign3A_86 = arith.subi %sign3A_82, %sign3A_85 : i32
    %ne3A_87 = vector.broadcast %sign3A_86 : i32 to vector<16xi32>
    %ne3A_88 = arith.cmpi ne, %sign3A_79, %ne3A_87 : vector<16xi32>
    %rem3A_89 = vector.broadcast %jit3A_68 : i32 to vector<16xi32>
    %rem3A_90 = arith.remsi %add3A_67, %rem3A_89 : vector<16xi32>
    %ne3A_91 = arith.constant 0 : i32
    %ne3A_92 = vector.broadcast %ne3A_91 : i32 to vector<16xi32>
    %ne3A_93 = arith.cmpi ne, %rem3A_90, %ne3A_92 : vector<16xi32>
    %and3A_94 = arith.andi %ne3A_88, %ne3A_93 : vector<16xi1>
    %sub3A_95 = arith.constant 1 : i32
    %sub3A_96 = vector.broadcast %sub3A_95 : i32 to vector<16xi32>
    %sub3A_97 = arith.subi %div3A_70, %sub3A_96 : vector<16xi32>
    %select_n3A_98 = arith.select %and3A_94, %sub3A_97, %div3A_70 : vector<16xi1>, vector<16xi32>
    %add3A_99 = arith.constant 48 : i32
    %add3A_100 = vector.broadcast %add3A_99 : i32 to vector<16xi32>
    %add3A_101 = arith.addi %iota3A, %add3A_100 : vector<16xi32>
    %jit3A_102 = arith.constant 8 : i32
    %div3A_103 = vector.broadcast %jit3A_102 : i32 to vector<16xi32>
    %div3A_104 = arith.divsi %add3A_101, %div3A_103 : vector<16xi32>
    %sign3A_105 = arith.constant 0 : i32
    %sign3A_106 = vector.broadcast %sign3A_105 : i32 to vector<16xi32>
    %sign3A_107 = arith.cmpi sgt, %add3A_101, %sign3A_106 : vector<16xi32>
    %sign3A_108 = arith.extui %sign3A_107 : vector<16xi1> to vector<16xi32>
    %sign3A_109 = arith.constant 0 : i32
    %sign3A_110 = vector.broadcast %sign3A_109 : i32 to vector<16xi32>
    %sign3A_111 = arith.cmpi slt, %add3A_101, %sign3A_110 : vector<16xi32>
    %sign3A_112 = arith.extui %sign3A_111 : vector<16xi1> to vector<16xi32>
    %sign3A_113 = arith.subi %sign3A_108, %sign3A_112 : vector<16xi32>
    %sign3A_114 = arith.constant 0 : i32
    %sign3A_115 = arith.cmpi sgt, %jit3A_102, %sign3A_114 : i32
    %sign3A_116 = arith.extui %sign3A_115 : i1 to i32
    %sign3A_117 = arith.constant 0 : i32
    %sign3A_118 = arith.cmpi slt, %jit3A_102, %sign3A_117 : i32
    %sign3A_119 = arith.extui %sign3A_118 : i1 to i32
    %sign3A_120 = arith.subi %sign3A_116, %sign3A_119 : i32
    %ne3A_121 = vector.broadcast %sign3A_120 : i32 to vector<16xi32>
    %ne3A_122 = arith.cmpi ne, %sign3A_113, %ne3A_121 : vector<16xi32>
    %rem3A_123 = vector.broadcast %jit3A_102 : i32 to vector<16xi32>
    %rem3A_124 = arith.remsi %add3A_101, %rem3A_123 : vector<16xi32>
    %ne3A_125 = arith.constant 0 : i32
    %ne3A_126 = vector.broadcast %ne3A_125 : i32 to vector<16xi32>
    %ne3A_127 = arith.cmpi ne, %rem3A_124, %ne3A_126 : vector<16xi32>
    %and3A_128 = arith.andi %ne3A_122, %ne3A_127 : vector<16xi1>
    %sub3A_129 = arith.constant 1 : i32
    %sub3A_130 = vector.broadcast %sub3A_129 : i32 to vector<16xi32>
    %sub3A_131 = arith.subi %div3A_104, %sub3A_130 : vector<16xi32>
    %select_n3A_132 = arith.select %and3A_128, %sub3A_131, %div3A_104 : vector<16xi1>, vector<16xi32>
    %add3A_133 = arith.constant 0 : i32
    %add3A_134 = vector.broadcast %add3A_133 : i32 to vector<16xi32>
    %add3A_135 = arith.addi %iota3A, %add3A_134 : vector<16xi32>
    %jit3A_136 = arith.constant 8 : i32
    %eq3A = arith.constant 0 : i32
    %eq3A_137 = arith.cmpi eq, %jit3A_136, %eq3A : i32
    %jit3A_138 = arith.constant 1 : i32
    %select_n3A_139 = arith.select %eq3A_137, %jit3A_138, %jit3A_136 : i32
    %rem3A_140 = vector.broadcast %select_n3A_139 : i32 to vector<16xi32>
    %rem3A_141 = arith.remsi %add3A_135, %rem3A_140 : vector<16xi32>
    %ne3A_142 = arith.constant 0 : i32
    %ne3A_143 = vector.broadcast %ne3A_142 : i32 to vector<16xi32>
    %ne3A_144 = arith.cmpi ne, %rem3A_141, %ne3A_143 : vector<16xi32>
    %lt3A = arith.constant 0 : i32
    %lt3A_145 = vector.broadcast %lt3A : i32 to vector<16xi32>
    %lt3A_146 = arith.cmpi slt, %rem3A_141, %lt3A_145 : vector<16xi32>
    %lt3A_147 = arith.constant 0 : i32
    %lt3A_148 = arith.cmpi slt, %select_n3A_139, %lt3A_147 : i32
    %ne3A_149 = vector.broadcast %lt3A_148 : i1 to vector<16xi1>
    %ne3A_150 = vector.broadcast %ne3A_149 : vector<16xi1> to vector<16xi1>
    %ne3A_151 = arith.xori %lt3A_146, %ne3A_150 : vector<16xi1>
    %and3A_152 = arith.andi %ne3A_151, %ne3A_144 : vector<16xi1>
    %add3A_153 = vector.broadcast %select_n3A_139 : i32 to vector<16xi32>
    %add3A_154 = arith.addi %rem3A_141, %add3A_153 : vector<16xi32>
    %select_n3A_155 = arith.select %and3A_152, %add3A_154, %rem3A_141 : vector<16xi1>, vector<16xi32>
    %add3A_156 = arith.constant 16 : i32
    %add3A_157 = vector.broadcast %add3A_156 : i32 to vector<16xi32>
    %add3A_158 = arith.addi %iota3A, %add3A_157 : vector<16xi32>
    %jit3A_159 = arith.constant 8 : i32
    %eq3A_160 = arith.constant 0 : i32
    %eq3A_161 = arith.cmpi eq, %jit3A_159, %eq3A_160 : i32
    %jit3A_162 = arith.constant 1 : i32
    %select_n3A_163 = arith.select %eq3A_161, %jit3A_162, %jit3A_159 : i32
    %rem3A_164 = vector.broadcast %select_n3A_163 : i32 to vector<16xi32>
    %rem3A_165 = arith.remsi %add3A_158, %rem3A_164 : vector<16xi32>
    %ne3A_166 = arith.constant 0 : i32
    %ne3A_167 = vector.broadcast %ne3A_166 : i32 to vector<16xi32>
    %ne3A_168 = arith.cmpi ne, %rem3A_165, %ne3A_167 : vector<16xi32>
    %lt3A_169 = arith.constant 0 : i32
    %lt3A_170 = vector.broadcast %lt3A_169 : i32 to vector<16xi32>
    %lt3A_171 = arith.cmpi slt, %rem3A_165, %lt3A_170 : vector<16xi32>
    %lt3A_172 = arith.constant 0 : i32
    %lt3A_173 = arith.cmpi slt, %select_n3A_163, %lt3A_172 : i32
    %ne3A_174 = vector.broadcast %lt3A_173 : i1 to vector<16xi1>
    %ne3A_175 = vector.broadcast %ne3A_174 : vector<16xi1> to vector<16xi1>
    %ne3A_176 = arith.xori %lt3A_171, %ne3A_175 : vector<16xi1>
    %and3A_177 = arith.andi %ne3A_176, %ne3A_168 : vector<16xi1>
    %add3A_178 = vector.broadcast %select_n3A_163 : i32 to vector<16xi32>
    %add3A_179 = arith.addi %rem3A_165, %add3A_178 : vector<16xi32>
    %select_n3A_180 = arith.select %and3A_177, %add3A_179, %rem3A_165 : vector<16xi1>, vector<16xi32>
    %add3A_181 = arith.constant 32 : i32
    %add3A_182 = vector.broadcast %add3A_181 : i32 to vector<16xi32>
    %add3A_183 = arith.addi %iota3A, %add3A_182 : vector<16xi32>
    %jit3A_184 = arith.constant 8 : i32
    %eq3A_185 = arith.constant 0 : i32
    %eq3A_186 = arith.cmpi eq, %jit3A_184, %eq3A_185 : i32
    %jit3A_187 = arith.constant 1 : i32
    %select_n3A_188 = arith.select %eq3A_186, %jit3A_187, %jit3A_184 : i32
    %rem3A_189 = vector.broadcast %select_n3A_188 : i32 to vector<16xi32>
    %rem3A_190 = arith.remsi %add3A_183, %rem3A_189 : vector<16xi32>
    %ne3A_191 = arith.constant 0 : i32
    %ne3A_192 = vector.broadcast %ne3A_191 : i32 to vector<16xi32>
    %ne3A_193 = arith.cmpi ne, %rem3A_190, %ne3A_192 : vector<16xi32>
    %lt3A_194 = arith.constant 0 : i32
    %lt3A_195 = vector.broadcast %lt3A_194 : i32 to vector<16xi32>
    %lt3A_196 = arith.cmpi slt, %rem3A_190, %lt3A_195 : vector<16xi32>
    %lt3A_197 = arith.constant 0 : i32
    %lt3A_198 = arith.cmpi slt, %select_n3A_188, %lt3A_197 : i32
    %ne3A_199 = vector.broadcast %lt3A_198 : i1 to vector<16xi1>
    %ne3A_200 = vector.broadcast %ne3A_199 : vector<16xi1> to vector<16xi1>
    %ne3A_201 = arith.xori %lt3A_196, %ne3A_200 : vector<16xi1>
    %and3A_202 = arith.andi %ne3A_201, %ne3A_193 : vector<16xi1>
    %add3A_203 = vector.broadcast %select_n3A_188 : i32 to vector<16xi32>
    %add3A_204 = arith.addi %rem3A_190, %add3A_203 : vector<16xi32>
    %select_n3A_205 = arith.select %and3A_202, %add3A_204, %rem3A_190 : vector<16xi1>, vector<16xi32>
    %add3A_206 = arith.constant 48 : i32
    %add3A_207 = vector.broadcast %add3A_206 : i32 to vector<16xi32>
    %add3A_208 = arith.addi %iota3A, %add3A_207 : vector<16xi32>
    %jit3A_209 = arith.constant 8 : i32
    %eq3A_210 = arith.constant 0 : i32
    %eq3A_211 = arith.cmpi eq, %jit3A_209, %eq3A_210 : i32
    %jit3A_212 = arith.constant 1 : i32
    %select_n3A_213 = arith.select %eq3A_211, %jit3A_212, %jit3A_209 : i32
    %rem3A_214 = vector.broadcast %select_n3A_213 : i32 to vector<16xi32>
    %rem3A_215 = arith.remsi %add3A_208, %rem3A_214 : vector<16xi32>
    %ne3A_216 = arith.constant 0 : i32
    %ne3A_217 = vector.broadcast %ne3A_216 : i32 to vector<16xi32>
    %ne3A_218 = arith.cmpi ne, %rem3A_215, %ne3A_217 : vector<16xi32>
    %lt3A_219 = arith.constant 0 : i32
    %lt3A_220 = vector.broadcast %lt3A_219 : i32 to vector<16xi32>
    %lt3A_221 = arith.cmpi slt, %rem3A_215, %lt3A_220 : vector<16xi32>
    %lt3A_222 = arith.constant 0 : i32
    %lt3A_223 = arith.cmpi slt, %select_n3A_213, %lt3A_222 : i32
    %ne3A_224 = vector.broadcast %lt3A_223 : i1 to vector<16xi1>
    %ne3A_225 = vector.broadcast %ne3A_224 : vector<16xi1> to vector<16xi1>
    %ne3A_226 = arith.xori %lt3A_221, %ne3A_225 : vector<16xi1>
    %and3A_227 = arith.andi %ne3A_226, %ne3A_218 : vector<16xi1>
    %add3A_228 = vector.broadcast %select_n3A_213 : i32 to vector<16xi32>
    %add3A_229 = arith.addi %rem3A_215, %add3A_228 : vector<16xi32>
    %select_n3A_230 = arith.select %and3A_227, %add3A_229, %rem3A_215 : vector<16xi1>, vector<16xi32>
    %add3A_231 = arith.constant 0 : i32
    %add3A_232 = arith.addi %mul3A_2, %add3A_231 : i32
    %sub3A_233 = arith.subi %add3A_232, %mul3A_2 : i32
    %mul3A_234 = arith.constant 128 : i32
    %mul3A_235 = arith.muli %sub3A_233, %mul3A_234 : i32
    %dma_start3A = tpu.memref_slice %arg6[%mul3A_235] : memref<6400xi32, #tpu.memory_space<vmem>> -> memref<128xi32, #tpu.memory_space<vmem>>
    %dma_start3A_236 = arith.constant 0 : i32
    %dma_start3A_237 = arith.constant 0 : i32
    %dma_start3A_238 = tpu.memref_slice %arg3[%dma_start3A_236, %dma_start3A_237] : memref<100000x64xf32, #tpu.memory_space<hbm>> -> memref<100000x64xf32, #tpu.memory_space<hbm>>
    tpu.enqueue_indirect_dma source(%dma_start3A_238 : memref<100000x64xf32, #tpu.memory_space<hbm>>) target(%arg7 : memref<128x64xf32, #tpu.memory_space<vmem>>) offsets(%dma_start3A : memref<128xi32, #tpu.memory_space<vmem>>) semaphore(%arg14 : memref<!tpu.dma_semaphore, #tpu.memory_space<semaphore_mem>>)
    %add3A_239 = arith.constant 1 : i32
    %add3A_240 = arith.addi %mul3A_2, %add3A_239 : i32
    %sub3A_241 = arith.subi %add3A_240, %mul3A_2 : i32
    %mul3A_242 = arith.constant 128 : i32
    %mul3A_243 = arith.muli %sub3A_241, %mul3A_242 : i32
    %dma_start3A_244 = tpu.memref_slice %arg6[%mul3A_243] : memref<6400xi32, #tpu.memory_space<vmem>> -> memref<128xi32, #tpu.memory_space<vmem>>
    %dma_start3A_245 = arith.constant 0 : i32
    %dma_start3A_246 = arith.constant 0 : i32
    %dma_start3A_247 = tpu.memref_slice %arg3[%dma_start3A_245, %dma_start3A_246] : memref<100000x64xf32, #tpu.memory_space<hbm>> -> memref<100000x64xf32, #tpu.memory_space<hbm>>
    tpu.enqueue_indirect_dma source(%dma_start3A_247 : memref<100000x64xf32, #tpu.memory_space<hbm>>) target(%arg8 : memref<128x64xf32, #tpu.memory_space<vmem>>) offsets(%dma_start3A_244 : memref<128xi32, #tpu.memory_space<vmem>>) semaphore(%arg15 : memref<!tpu.dma_semaphore, #tpu.memory_space<semaphore_mem>>)
    %add3A_248 = arith.constant 2 : i32
    %add3A_249 = arith.addi %mul3A_2, %add3A_248 : i32
    %sub3A_250 = arith.subi %add3A_249, %mul3A_2 : i32
    %mul3A_251 = arith.constant 128 : i32
    %mul3A_252 = arith.muli %sub3A_250, %mul3A_251 : i32
    %dma_start3A_253 = tpu.memref_slice %arg6[%mul3A_252] : memref<6400xi32, #tpu.memory_space<vmem>> -> memref<128xi32, #tpu.memory_space<vmem>>
    %dma_start3A_254 = arith.constant 0 : i32
    %dma_start3A_255 = arith.constant 0 : i32
    %dma_start3A_256 = tpu.memref_slice %arg3[%dma_start3A_254, %dma_start3A_255] : memref<100000x64xf32, #tpu.memory_space<hbm>> -> memref<100000x64xf32, #tpu.memory_space<hbm>>
    tpu.enqueue_indirect_dma source(%dma_start3A_256 : memref<100000x64xf32, #tpu.memory_space<hbm>>) target(%arg9 : memref<128x64xf32, #tpu.memory_space<vmem>>) offsets(%dma_start3A_253 : memref<128xi32, #tpu.memory_space<vmem>>) semaphore(%arg16 : memref<!tpu.dma_semaphore, #tpu.memory_space<semaphore_mem>>)
    %add3A_257 = arith.constant 3 : i32
    %add3A_258 = arith.addi %mul3A_2, %add3A_257 : i32
    %sub3A_259 = arith.subi %add3A_258, %mul3A_2 : i32
    %mul3A_260 = arith.constant 128 : i32
    %mul3A_261 = arith.muli %sub3A_259, %mul3A_260 : i32
    %dma_start3A_262 = tpu.memref_slice %arg6[%mul3A_261] : memref<6400xi32, #tpu.memory_space<vmem>> -> memref<128xi32, #tpu.memory_space<vmem>>
    %dma_start3A_263 = arith.constant 0 : i32
    %dma_start3A_264 = arith.constant 0 : i32
    %dma_start3A_265 = tpu.memref_slice %arg3[%dma_start3A_263, %dma_start3A_264] : memref<100000x64xf32, #tpu.memory_space<hbm>> -> memref<100000x64xf32, #tpu.memory_space<hbm>>
    tpu.enqueue_indirect_dma source(%dma_start3A_265 : memref<100000x64xf32, #tpu.memory_space<hbm>>) target(%arg10 : memref<128x64xf32, #tpu.memory_space<vmem>>) offsets(%dma_start3A_262 : memref<128xi32, #tpu.memory_space<vmem>>) semaphore(%arg17 : memref<!tpu.dma_semaphore, #tpu.memory_space<semaphore_mem>>)
    tpu.wait_dma2 semaphore(%arg20 : memref<!tpu.dma_semaphore, #tpu.memory_space<semaphore_mem>>) src(%arg4 : memref<200x64xf32, #tpu.memory_space<hbm>>) dst(%arg13 : memref<200x64xf32, #tpu.memory_space<vmem>>)
    %scan3A = arith.constant 0 : i32
    %scan3A_266 = arith.constant 0 : i32
    %scan3A_267 = arith.constant 12 : i32
    %scan3A_268 = arith.addi %scan3A_266, %scan3A_267 : i32
    %scan3A_269 = arith.constant 1 : i32
    scf.for %scan3A_560 = %scan3A_266 to %scan3A_268 step %scan3A_269  : i32 {
      %mul3A_561 = arith.constant 4 : i32
      %mul3A_562 = arith.muli %scan3A_560, %mul3A_561 : i32
      %add3A_563 = arith.addi %mul3A_2, %mul3A_562 : i32
      %add3A_564 = arith.constant 0 : i32
      %add3A_565 = arith.addi %add3A_563, %add3A_564 : i32
      %dma_wait3A_566 = arith.constant 0 : i32
      %dma_wait3A_567 = tpu.memref_slice %arg6[%dma_wait3A_566] : memref<6400xi32, #tpu.memory_space<vmem>> -> memref<128xi32, #tpu.memory_space<vmem>>
      %dma_wait3A_568 = arith.constant 0 : i32
      %dma_wait3A_569 = arith.constant 0 : i32
      %dma_wait3A_570 = tpu.memref_slice %arg3[%dma_wait3A_568, %dma_wait3A_569] : memref<100000x64xf32, #tpu.memory_space<hbm>> -> memref<100000x64xf32, #tpu.memory_space<hbm>>
      tpu.wait_indirect_dma semaphore(%arg14 : memref<!tpu.dma_semaphore, #tpu.memory_space<semaphore_mem>>) src(%dma_wait3A_570 : memref<100000x64xf32, #tpu.memory_space<hbm>>) dst(%arg7 : memref<128x64xf32, #tpu.memory_space<vmem>>)
      %gt3A = arith.constant 0 : i32
      %gt3A_571 = arith.cmpi sgt, %scan3A_560, %gt3A : i32
      %convert_element_type3A = arith.extui %gt3A_571 : i1 to i32
      %cond3A = arith.constant 0 : i32
      %cond3A_572 = arith.cmpi ne, %convert_element_type3A, %cond3A : i32
      scf.if %cond3A_572 {
        %dma_wait3A_1068 = arith.constant 0 : i32
        %dma_wait3A_1069 = arith.constant 0 : i32
        %dma_wait3A_1070 = arith.constant 0 : i32
        %dma_wait3A_1071 = arith.constant 0 : i32
        %dma_wait3A_1072 = arith.constant 0 : i32
        %dma_wait3A_1073 = tpu.memref_slice %arg11[%dma_wait3A_1070, %dma_wait3A_1071, %dma_wait3A_1072] : memref<8x8x129xf32, #tpu.memory_space<vmem>> -> memref<8x8x128xf32, #tpu.memory_space<vmem>>
        %dma_wait3A_1074 = arith.constant 0 : i32
        %dma_wait3A_1075 = arith.constant 0 : i32
        %dma_wait3A_1076 = arith.constant 0 : i32
        %dma_wait3A_1077 = tpu.memref_slice %arg5[%dma_wait3A_1068, %dma_wait3A_1074, %dma_wait3A_1069, %dma_wait3A_1075, %dma_wait3A_1076] : memref<200x8x8x8x128xf32, #tpu.memory_space<hbm>> -> memref<1x8x1x8x128xf32, #tpu.memory_space<hbm>>
        %dma_wait3A_1078 = tpu.memref_squeeze %dma_wait3A_1077 : memref<1x8x1x8x128xf32, #tpu.memory_space<hbm>> -> memref<8x8x128xf32, #tpu.memory_space<hbm>>
        %dma_wait3A_1079 = arith.constant 0 : i32
        %dma_wait3A_1080 = arith.constant 0 : i32
        %dma_wait3A_1081 = arith.constant 0 : i32
        %dma_wait3A_1082 = tpu.memref_slice %arg5[%dma_wait3A_1068, %dma_wait3A_1079, %dma_wait3A_1069, %dma_wait3A_1080, %dma_wait3A_1081] : memref<200x8x8x8x128xf32, #tpu.memory_space<hbm>> -> memref<1x8x1x8x128xf32, #tpu.memory_space<hbm>>
        %dma_wait3A_1083 = tpu.memref_squeeze %dma_wait3A_1082 : memref<1x8x1x8x128xf32, #tpu.memory_space<hbm>> -> memref<8x8x128xf32, #tpu.memory_space<hbm>>
        %dma_wait3A_1084 = arith.constant 0 : i32
        %dma_wait3A_1085 = arith.constant 0 : i32
        %dma_wait3A_1086 = arith.constant 0 : i32
        %dma_wait3A_1087 = tpu.memref_slice %arg11[%dma_wait3A_1084, %dma_wait3A_1085, %dma_wait3A_1086] : memref<8x8x129xf32, #tpu.memory_space<vmem>> -> memref<8x8x128xf32, #tpu.memory_space<vmem>>
        tpu.wait_dma2 semaphore(%arg18 : memref<!tpu.dma_semaphore, #tpu.memory_space<semaphore_mem>>) src(%dma_wait3A_1087 : memref<8x8x128xf32, #tpu.memory_space<vmem>>) dst(%dma_wait3A_1083 : memref<8x8x128xf32, #tpu.memory_space<hbm>>)
      } else {
      }
      %jit3A_573 = arith.constant 8 : i32
      %div3A_574 = arith.divsi %add3A_565, %jit3A_573 : i32
      %sign3A_575 = arith.constant 0 : i32
      %sign3A_576 = arith.cmpi sgt, %add3A_565, %sign3A_575 : i32
      %sign3A_577 = arith.extui %sign3A_576 : i1 to i32
      %sign3A_578 = arith.constant 0 : i32
      %sign3A_579 = arith.cmpi slt, %add3A_565, %sign3A_578 : i32
      %sign3A_580 = arith.extui %sign3A_579 : i1 to i32
      %sign3A_581 = arith.subi %sign3A_577, %sign3A_580 : i32
      %sign3A_582 = arith.constant 0 : i32
      %sign3A_583 = arith.cmpi sgt, %jit3A_573, %sign3A_582 : i32
      %sign3A_584 = arith.extui %sign3A_583 : i1 to i32
      %sign3A_585 = arith.constant 0 : i32
      %sign3A_586 = arith.cmpi slt, %jit3A_573, %sign3A_585 : i32
      %sign3A_587 = arith.extui %sign3A_586 : i1 to i32
      %sign3A_588 = arith.subi %sign3A_584, %sign3A_587 : i32
      %ne3A_589 = arith.cmpi ne, %sign3A_581, %sign3A_588 : i32
      %rem3A_590 = arith.remsi %add3A_565, %jit3A_573 : i32
      %ne3A_591 = arith.constant 0 : i32
      %ne3A_592 = arith.cmpi ne, %rem3A_590, %ne3A_591 : i32
      %and3A_593 = arith.andi %ne3A_589, %ne3A_592 : i1
      %sub3A_594 = arith.constant 1 : i32
      %sub3A_595 = arith.subi %div3A_574, %sub3A_594 : i32
      %select_n3A_596 = arith.select %and3A_593, %sub3A_595, %div3A_574 : i32
      %get3A_597 = arith.index_cast %select_n3A_596 : i32 to index
      %get3A_598 = arith.constant 0 : index
      %get3A_599 = tpu.vector_load %arg13[%get3A_597, %get3A_598] {strides = array<i32>} : memref<200x64xf32, #tpu.memory_space<vmem>>, vector<16xf32>,
      %get3A_600 = arith.index_cast %select_n3A_596 : i32 to index
      %get3A_601 = arith.constant 16 : index
      %get3A_602 = tpu.vector_load %arg13[%get3A_600, %get3A_601] {strides = array<i32>} : memref<200x64xf32, #tpu.memory_space<vmem>>, vector<16xf32>,
      %get3A_603 = arith.index_cast %select_n3A_596 : i32 to index
      %get3A_604 = arith.constant 32 : index
      %get3A_605 = tpu.vector_load %arg13[%get3A_603, %get3A_604] {strides = array<i32>} : memref<200x64xf32, #tpu.memory_space<vmem>>, vector<16xf32>,
      %get3A_606 = arith.index_cast %select_n3A_596 : i32 to index
      %get3A_607 = arith.constant 48 : index
      %get3A_608 = tpu.vector_load %arg13[%get3A_606, %get3A_607] {strides = array<i32>} : memref<200x64xf32, #tpu.memory_space<vmem>>, vector<16xf32>,
      %parallel_loop3A_609 = arith.constant 0 : i32
      %parallel_loop3A_610 = arith.constant 128 : i32
      %parallel_loop3A_611 = arith.constant 1 : i32
      scf.for %parallel_loop3A_1068 = %parallel_loop3A_609 to %parallel_loop3A_610 step %parallel_loop3A_611  : i32 {
        %parallel_loop3A_1069 = vector.broadcast %parallel_loop3A_1068 : i32 to vector<16xi32>
        %parallel_loop3A_1070 = arith.index_cast %parallel_loop3A_1068 : i32 to index
        %parallel_loop3A_1071 = arith.constant 0 : index
        %parallel_loop3A_1072 = tpu.vector_load %arg7[%parallel_loop3A_1070, %parallel_loop3A_1071] {strides = array<i32>} : memref<128x64xf32, #tpu.memory_space<vmem>>, vector<16xf32>,
        %parallel_loop3A_1073 = arith.addf %parallel_loop3A_1072, %get3A_599 : vector<16xf32>
        tpu.vector_store_idx %arg11[%select_n3A, %select_n3A_155, %parallel_loop3A_1069], %parallel_loop3A_1073 : memref<8x8x129xf32, #tpu.memory_space<vmem>>[vector<16xi32>, vector<16xi32>, vector<16xi32>], vector<16xf32>,
        %parallel_loop3A_1074 = arith.index_cast %parallel_loop3A_1068 : i32 to index
        %parallel_loop3A_1075 = arith.constant 16 : index
        %parallel_loop3A_1076 = tpu.vector_load %arg7[%parallel_loop3A_1074, %parallel_loop3A_1075] {strides = array<i32>} : memref<128x64xf32, #tpu.memory_space<vmem>>, vector<16xf32>,
        %parallel_loop3A_1077 = arith.addf %parallel_loop3A_1076, %get3A_602 : vector<16xf32>
        tpu.vector_store_idx %arg11[%select_n3A_64, %select_n3A_180, %parallel_loop3A_1069], %parallel_loop3A_1077 : memref<8x8x129xf32, #tpu.memory_space<vmem>>[vector<16xi32>, vector<16xi32>, vector<16xi32>], vector<16xf32>,
        %parallel_loop3A_1078 = arith.index_cast %parallel_loop3A_1068 : i32 to index
        %parallel_loop3A_1079 = arith.constant 32 : index
        %parallel_loop3A_1080 = tpu.vector_load %arg7[%parallel_loop3A_1078, %parallel_loop3A_1079] {strides = array<i32>} : memref<128x64xf32, #tpu.memory_space<vmem>>, vector<16xf32>,
        %parallel_loop3A_1081 = arith.addf %parallel_loop3A_1080, %get3A_605 : vector<16xf32>
        tpu.vector_store_idx %arg11[%select_n3A_98, %select_n3A_205, %parallel_loop3A_1069], %parallel_loop3A_1081 : memref<8x8x129xf32, #tpu.memory_space<vmem>>[vector<16xi32>, vector<16xi32>, vector<16xi32>], vector<16xf32>,
        %parallel_loop3A_1082 = arith.index_cast %parallel_loop3A_1068 : i32 to index
        %parallel_loop3A_1083 = arith.constant 48 : index
        %parallel_loop3A_1084 = tpu.vector_load %arg7[%parallel_loop3A_1082, %parallel_loop3A_1083] {strides = array<i32>} : memref<128x64xf32, #tpu.memory_space<vmem>>, vector<16xf32>,
        %parallel_loop3A_1085 = arith.addf %parallel_loop3A_1084, %get3A_608 : vector<16xf32>
        tpu.vector_store_idx %arg11[%select_n3A_132, %select_n3A_230, %parallel_loop3A_1069], %parallel_loop3A_1085 : memref<8x8x129xf32, #tpu.memory_space<vmem>>[vector<16xi32>, vector<16xi32>, vector<16xi32>], vector<16xf32>,
      } {sc.loop_unroll_factor = 4 : i64, sc.parallel_access}
      %jit3A_612 = arith.constant 8 : i32
      %div3A_613 = arith.divsi %add3A_565, %jit3A_612 : i32
      %sign3A_614 = arith.constant 0 : i32
      %sign3A_615 = arith.cmpi sgt, %add3A_565, %sign3A_614 : i32
      %sign3A_616 = arith.extui %sign3A_615 : i1 to i32
      %sign3A_617 = arith.constant 0 : i32
      %sign3A_618 = arith.cmpi slt, %add3A_565, %sign3A_617 : i32
      %sign3A_619 = arith.extui %sign3A_618 : i1 to i32
      %sign3A_620 = arith.subi %sign3A_616, %sign3A_619 : i32
      %sign3A_621 = arith.constant 0 : i32
      %sign3A_622 = arith.cmpi sgt, %jit3A_612, %sign3A_621 : i32
      %sign3A_623 = arith.extui %sign3A_622 : i1 to i32
      %sign3A_624 = arith.constant 0 : i32
      %sign3A_625 = arith.cmpi slt, %jit3A_612, %sign3A_624 : i32
      %sign3A_626 = arith.extui %sign3A_625 : i1 to i32
      %sign3A_627 = arith.subi %sign3A_623, %sign3A_626 : i32
      %ne3A_628 = arith.cmpi ne, %sign3A_620, %sign3A_627 : i32
      %rem3A_629 = arith.remsi %add3A_565, %jit3A_612 : i32
      %ne3A_630 = arith.constant 0 : i32
      %ne3A_631 = arith.cmpi ne, %rem3A_629, %ne3A_630 : i32
      %and3A_632 = arith.andi %ne3A_628, %ne3A_631 : i1
      %sub3A_633 = arith.constant 1 : i32
      %sub3A_634 = arith.subi %div3A_613, %sub3A_633 : i32
      %select_n3A_635 = arith.select %and3A_632, %sub3A_634, %div3A_613 : i32
      %jit3A_636 = arith.constant 8 : i32
      %eq3A_637 = arith.constant 0 : i32
      %eq3A_638 = arith.cmpi eq, %jit3A_636, %eq3A_637 : i32
      %jit3A_639 = arith.constant 1 : i32
      %select_n3A_640 = arith.select %eq3A_638, %jit3A_639, %jit3A_636 : i32
      %rem3A_641 = arith.remsi %add3A_565, %select_n3A_640 : i32
      %ne3A_642 = arith.constant 0 : i32
      %ne3A_643 = arith.cmpi ne, %rem3A_641, %ne3A_642 : i32
      %lt3A_644 = arith.constant 0 : i32
      %lt3A_645 = arith.cmpi slt, %rem3A_641, %lt3A_644 : i32
      %lt3A_646 = arith.constant 0 : i32
      %lt3A_647 = arith.cmpi slt, %select_n3A_640, %lt3A_646 : i32
      %ne3A_648 = arith.xori %lt3A_645, %lt3A_647 : i1
      %and3A_649 = arith.andi %ne3A_648, %ne3A_643 : i1
      %add3A_650 = arith.addi %rem3A_641, %select_n3A_640 : i32
      %select_n3A_651 = arith.select %and3A_649, %add3A_650, %rem3A_641 : i32
      %dma_start3A_652 = arith.constant 0 : i32
      %dma_start3A_653 = arith.constant 0 : i32
      %dma_start3A_654 = arith.constant 0 : i32
      %dma_start3A_655 = tpu.memref_slice %arg11[%dma_start3A_652, %dma_start3A_653, %dma_start3A_654] : memref<8x8x129xf32, #tpu.memory_space<vmem>> -> memref<8x8x128xf32, #tpu.memory_space<vmem>>
      %dma_start3A_656 = arith.constant 0 : i32
      %dma_start3A_657 = arith.constant 0 : i32
      %dma_start3A_658 = arith.constant 0 : i32
      %dma_start3A_659 = tpu.memref_slice %arg5[%select_n3A_635, %dma_start3A_656, %select_n3A_651, %dma_start3A_657, %dma_start3A_658] : memref<200x8x8x8x128xf32, #tpu.memory_space<hbm>> -> memref<1x8x1x8x128xf32, #tpu.memory_space<hbm>>
      %dma_start3A_660 = tpu.memref_squeeze %dma_start3A_659 : memref<1x8x1x8x128xf32, #tpu.memory_space<hbm>> -> memref<8x8x128xf32, #tpu.memory_space<hbm>>
      %dma_start3A_661 = arith.constant 0 : i32
      %dma_start3A_662 = arith.constant 0 : i32
      %dma_start3A_663 = arith.constant 0 : i32
      %dma_start3A_664 = tpu.memref_slice %arg5[%select_n3A_635, %dma_start3A_661, %select_n3A_651, %dma_start3A_662, %dma_start3A_663] : memref<200x8x8x8x128xf32, #tpu.memory_space<hbm>> -> memref<1x8x1x8x128xf32, #tpu.memory_space<hbm>>
      %dma_start3A_665 = tpu.memref_squeeze %dma_start3A_664 : memref<1x8x1x8x128xf32, #tpu.memory_space<hbm>> -> memref<8x8x128xf32, #tpu.memory_space<hbm>>
      %dma_start3A_666 = arith.constant 0 : i32
      %dma_start3A_667 = arith.constant 0 : i32
      %dma_start3A_668 = arith.constant 0 : i32
      %dma_start3A_669 = tpu.memref_slice %arg11[%dma_start3A_666, %dma_start3A_667, %dma_start3A_668] : memref<8x8x129xf32, #tpu.memory_space<vmem>> -> memref<8x8x128xf32, #tpu.memory_space<vmem>>
      tpu.enqueue_dma source(%dma_start3A_669 : memref<8x8x128xf32, #tpu.memory_space<vmem>>) target(%dma_start3A_665 : memref<8x8x128xf32, #tpu.memory_space<hbm>>) target_semaphore(%arg18 : memref<!tpu.dma_semaphore, #tpu.memory_space<semaphore_mem>>)
      %add3A_670 = arith.constant 4 : i32
      %add3A_671 = arith.addi %add3A_565, %add3A_670 : i32
      %add3A_672 = arith.constant 50 : i32
      %add3A_673 = arith.addi %mul3A_2, %add3A_672 : i32
      %lt3A_674 = arith.cmpi slt, %add3A_671, %add3A_673 : i32
      %convert_element_type3A_675 = arith.extui %lt3A_674 : i1 to i32
      %cond3A_676 = arith.constant 0 : i32
      %cond3A_677 = arith.cmpi ne, %convert_element_type3A_675, %cond3A_676 : i32
      scf.if %cond3A_677 {
        %add3A_1068 = arith.constant 4 : i32
        %add3A_1069 = arith.addi %add3A_565, %add3A_1068 : i32
        %sub3A_1070 = arith.subi %add3A_1069, %mul3A_2 : i32
        %mul3A_1071 = arith.constant 128 : i32
        %mul3A_1072 = arith.muli %sub3A_1070, %mul3A_1071 : i32
        %dma_start3A_1073 = tpu.memref_slice %arg6[%mul3A_1072] : memref<6400xi32, #tpu.memory_space<vmem>> -> memref<128xi32, #tpu.memory_space<vmem>>
        %dma_start3A_1074 = arith.constant 0 : i32
        %dma_start3A_1075 = arith.constant 0 : i32
        %dma_start3A_1076 = tpu.memref_slice %arg3[%dma_start3A_1074, %dma_start3A_1075] : memref<100000x64xf32, #tpu.memory_space<hbm>> -> memref<100000x64xf32, #tpu.memory_space<hbm>>
        tpu.enqueue_indirect_dma source(%dma_start3A_1076 : memref<100000x64xf32, #tpu.memory_space<hbm>>) target(%arg7 : memref<128x64xf32, #tpu.memory_space<vmem>>) offsets(%dma_start3A_1073 : memref<128xi32, #tpu.memory_space<vmem>>) semaphore(%arg14 : memref<!tpu.dma_semaphore, #tpu.memory_space<semaphore_mem>>)
      } else {
      }
      %mul3A_678 = arith.constant 4 : i32
      %mul3A_679 = arith.muli %scan3A_560, %mul3A_678 : i32
      %add3A_680 = arith.addi %mul3A_2, %mul3A_679 : i32
      %add3A_681 = arith.constant 1 : i32
      %add3A_682 = arith.addi %add3A_680, %add3A_681 : i32
      %dma_wait3A_683 = arith.constant 0 : i32
      %dma_wait3A_684 = tpu.memref_slice %arg6[%dma_wait3A_683] : memref<6400xi32, #tpu.memory_space<vmem>> -> memref<128xi32, #tpu.memory_space<vmem>>
      %dma_wait3A_685 = arith.constant 0 : i32
      %dma_wait3A_686 = arith.constant 0 : i32
      %dma_wait3A_687 = tpu.memref_slice %arg3[%dma_wait3A_685, %dma_wait3A_686] : memref<100000x64xf32, #tpu.memory_space<hbm>> -> memref<100000x64xf32, #tpu.memory_space<hbm>>
      tpu.wait_indirect_dma semaphore(%arg15 : memref<!tpu.dma_semaphore, #tpu.memory_space<semaphore_mem>>) src(%dma_wait3A_687 : memref<100000x64xf32, #tpu.memory_space<hbm>>) dst(%arg8 : memref<128x64xf32, #tpu.memory_space<vmem>>)
      %gt3A_688 = arith.constant 0 : i32
      %gt3A_689 = arith.cmpi sgt, %scan3A_560, %gt3A_688 : i32
      %convert_element_type3A_690 = arith.extui %gt3A_689 : i1 to i32
      %cond3A_691 = arith.constant 0 : i32
      %cond3A_692 = arith.cmpi ne, %convert_element_type3A_690, %cond3A_691 : i32
      scf.if %cond3A_692 {
        %dma_wait3A_1068 = arith.constant 0 : i32
        %dma_wait3A_1069 = arith.constant 0 : i32
        %dma_wait3A_1070 = arith.constant 0 : i32
        %dma_wait3A_1071 = arith.constant 0 : i32
        %dma_wait3A_1072 = arith.constant 0 : i32
        %dma_wait3A_1073 = tpu.memref_slice %arg12[%dma_wait3A_1070, %dma_wait3A_1071, %dma_wait3A_1072] : memref<8x8x129xf32, #tpu.memory_space<vmem>> -> memref<8x8x128xf32, #tpu.memory_space<vmem>>
        %dma_wait3A_1074 = arith.constant 0 : i32
        %dma_wait3A_1075 = arith.constant 0 : i32
        %dma_wait3A_1076 = arith.constant 0 : i32
        %dma_wait3A_1077 = tpu.memref_slice %arg5[%dma_wait3A_1068, %dma_wait3A_1074, %dma_wait3A_1069, %dma_wait3A_1075, %dma_wait3A_1076] : memref<200x8x8x8x128xf32, #tpu.memory_space<hbm>> -> memref<1x8x1x8x128xf32, #tpu.memory_space<hbm>>
        %dma_wait3A_1078 = tpu.memref_squeeze %dma_wait3A_1077 : memref<1x8x1x8x128xf32, #tpu.memory_space<hbm>> -> memref<8x8x128xf32, #tpu.memory_space<hbm>>
        %dma_wait3A_1079 = arith.constant 0 : i32
        %dma_wait3A_1080 = arith.constant 0 : i32
        %dma_wait3A_1081 = arith.constant 0 : i32
        %dma_wait3A_1082 = tpu.memref_slice %arg5[%dma_wait3A_1068, %dma_wait3A_1079, %dma_wait3A_1069, %dma_wait3A_1080, %dma_wait3A_1081] : memref<200x8x8x8x128xf32, #tpu.memory_space<hbm>> -> memref<1x8x1x8x128xf32, #tpu.memory_space<hbm>>
        %dma_wait3A_1083 = tpu.memref_squeeze %dma_wait3A_1082 : memref<1x8x1x8x128xf32, #tpu.memory_space<hbm>> -> memref<8x8x128xf32, #tpu.memory_space<hbm>>
        %dma_wait3A_1084 = arith.constant 0 : i32
        %dma_wait3A_1085 = arith.constant 0 : i32
        %dma_wait3A_1086 = arith.constant 0 : i32
        %dma_wait3A_1087 = tpu.memref_slice %arg12[%dma_wait3A_1084, %dma_wait3A_1085, %dma_wait3A_1086] : memref<8x8x129xf32, #tpu.memory_space<vmem>> -> memref<8x8x128xf32, #tpu.memory_space<vmem>>
        tpu.wait_dma2 semaphore(%arg19 : memref<!tpu.dma_semaphore, #tpu.memory_space<semaphore_mem>>) src(%dma_wait3A_1087 : memref<8x8x128xf32, #tpu.memory_space<vmem>>) dst(%dma_wait3A_1083 : memref<8x8x128xf32, #tpu.memory_space<hbm>>)
      } else {
      }
      %jit3A_693 = arith.constant 8 : i32
      %div3A_694 = arith.divsi %add3A_682, %jit3A_693 : i32
      %sign3A_695 = arith.constant 0 : i32
      %sign3A_696 = arith.cmpi sgt, %add3A_682, %sign3A_695 : i32
      %sign3A_697 = arith.extui %sign3A_696 : i1 to i32
      %sign3A_698 = arith.constant 0 : i32
      %sign3A_699 = arith.cmpi slt, %add3A_682, %sign3A_698 : i32
      %sign3A_700 = arith.extui %sign3A_699 : i1 to i32
      %sign3A_701 = arith.subi %sign3A_697, %sign3A_700 : i32
      %sign3A_702 = arith.constant 0 : i32
      %sign3A_703 = arith.cmpi sgt, %jit3A_693, %sign3A_702 : i32
      %sign3A_704 = arith.extui %sign3A_703 : i1 to i32
      %sign3A_705 = arith.constant 0 : i32
      %sign3A_706 = arith.cmpi slt, %jit3A_693, %sign3A_705 : i32
      %sign3A_707 = arith.extui %sign3A_706 : i1 to i32
      %sign3A_708 = arith.subi %sign3A_704, %sign3A_707 : i32
      %ne3A_709 = arith.cmpi ne, %sign3A_701, %sign3A_708 : i32
      %rem3A_710 = arith.remsi %add3A_682, %jit3A_693 : i32
      %ne3A_711 = arith.constant 0 : i32
      %ne3A_712 = arith.cmpi ne, %rem3A_710, %ne3A_711 : i32
      %and3A_713 = arith.andi %ne3A_709, %ne3A_712 : i1
      %sub3A_714 = arith.constant 1 : i32
      %sub3A_715 = arith.subi %div3A_694, %sub3A_714 : i32
      %select_n3A_716 = arith.select %and3A_713, %sub3A_715, %div3A_694 : i32
      %get3A_717 = arith.index_cast %select_n3A_716 : i32 to index
      %get3A_718 = arith.constant 0 : index
      %get3A_719 = tpu.vector_load %arg13[%get3A_717, %get3A_718] {strides = array<i32>} : memref<200x64xf32, #tpu.memory_space<vmem>>, vector<16xf32>,
      %get3A_720 = arith.index_cast %select_n3A_716 : i32 to index
      %get3A_721 = arith.constant 16 : index
      %get3A_722 = tpu.vector_load %arg13[%get3A_720, %get3A_721] {strides = array<i32>} : memref<200x64xf32, #tpu.memory_space<vmem>>, vector<16xf32>,
      %get3A_723 = arith.index_cast %select_n3A_716 : i32 to index
      %get3A_724 = arith.constant 32 : index
      %get3A_725 = tpu.vector_load %arg13[%get3A_723, %get3A_724] {strides = array<i32>} : memref<200x64xf32, #tpu.memory_space<vmem>>, vector<16xf32>,
      %get3A_726 = arith.index_cast %select_n3A_716 : i32 to index
      %get3A_727 = arith.constant 48 : index
      %get3A_728 = tpu.vector_load %arg13[%get3A_726, %get3A_727] {strides = array<i32>} : memref<200x64xf32, #tpu.memory_space<vmem>>, vector<16xf32>,
      %parallel_loop3A_729 = arith.constant 0 : i32
      %parallel_loop3A_730 = arith.constant 128 : i32
      %parallel_loop3A_731 = arith.constant 1 : i32
      scf.for %parallel_loop3A_1068 = %parallel_loop3A_729 to %parallel_loop3A_730 step %parallel_loop3A_731  : i32 {
        %parallel_loop3A_1069 = vector.broadcast %parallel_loop3A_1068 : i32 to vector<16xi32>
        %parallel_loop3A_1070 = arith.index_cast %parallel_loop3A_1068 : i32 to index
        %parallel_loop3A_1071 = arith.constant 0 : index
        %parallel_loop3A_1072 = tpu.vector_load %arg8[%parallel_loop3A_1070, %parallel_loop3A_1071] {strides = array<i32>} : memref<128x64xf32, #tpu.memory_space<vmem>>, vector<16xf32>,
        %parallel_loop3A_1073 = arith.addf %parallel_loop3A_1072, %get3A_719 : vector<16xf32>
        tpu.vector_store_idx %arg12[%select_n3A, %select_n3A_155, %parallel_loop3A_1069], %parallel_loop3A_1073 : memref<8x8x129xf32, #tpu.memory_space<vmem>>[vector<16xi32>, vector<16xi32>, vector<16xi32>], vector<16xf32>,
        %parallel_loop3A_1074 = arith.index_cast %parallel_loop3A_1068 : i32 to index
        %parallel_loop3A_1075 = arith.constant 16 : index
        %parallel_loop3A_1076 = tpu.vector_load %arg8[%parallel_loop3A_1074, %parallel_loop3A_1075] {strides = array<i32>} : memref<128x64xf32, #tpu.memory_space<vmem>>, vector<16xf32>,
        %parallel_loop3A_1077 = arith.addf %parallel_loop3A_1076, %get3A_722 : vector<16xf32>
        tpu.vector_store_idx %arg12[%select_n3A_64, %select_n3A_180, %parallel_loop3A_1069], %parallel_loop3A_1077 : memref<8x8x129xf32, #tpu.memory_space<vmem>>[vector<16xi32>, vector<16xi32>, vector<16xi32>], vector<16xf32>,
        %parallel_loop3A_1078 = arith.index_cast %parallel_loop3A_1068 : i32 to index
        %parallel_loop3A_1079 = arith.constant 32 : index
        %parallel_loop3A_1080 = tpu.vector_load %arg8[%parallel_loop3A_1078, %parallel_loop3A_1079] {strides = array<i32>} : memref<128x64xf32, #tpu.memory_space<vmem>>, vector<16xf32>,
        %parallel_loop3A_1081 = arith.addf %parallel_loop3A_1080, %get3A_725 : vector<16xf32>
        tpu.vector_store_idx %arg12[%select_n3A_98, %select_n3A_205, %parallel_loop3A_1069], %parallel_loop3A_1081 : memref<8x8x129xf32, #tpu.memory_space<vmem>>[vector<16xi32>, vector<16xi32>, vector<16xi32>], vector<16xf32>,
        %parallel_loop3A_1082 = arith.index_cast %parallel_loop3A_1068 : i32 to index
        %parallel_loop3A_1083 = arith.constant 48 : index
        %parallel_loop3A_1084 = tpu.vector_load %arg8[%parallel_loop3A_1082, %parallel_loop3A_1083] {strides = array<i32>} : memref<128x64xf32, #tpu.memory_space<vmem>>, vector<16xf32>,
        %parallel_loop3A_1085 = arith.addf %parallel_loop3A_1084, %get3A_728 : vector<16xf32>
        tpu.vector_store_idx %arg12[%select_n3A_132, %select_n3A_230, %parallel_loop3A_1069], %parallel_loop3A_1085 : memref<8x8x129xf32, #tpu.memory_space<vmem>>[vector<16xi32>, vector<16xi32>, vector<16xi32>], vector<16xf32>,
      } {sc.loop_unroll_factor = 4 : i64, sc.parallel_access}
      %jit3A_732 = arith.constant 8 : i32
      %div3A_733 = arith.divsi %add3A_682, %jit3A_732 : i32
      %sign3A_734 = arith.constant 0 : i32
      %sign3A_735 = arith.cmpi sgt, %add3A_682, %sign3A_734 : i32
      %sign3A_736 = arith.extui %sign3A_735 : i1 to i32
      %sign3A_737 = arith.constant 0 : i32
      %sign3A_738 = arith.cmpi slt, %add3A_682, %sign3A_737 : i32
      %sign3A_739 = arith.extui %sign3A_738 : i1 to i32
      %sign3A_740 = arith.subi %sign3A_736, %sign3A_739 : i32
      %sign3A_741 = arith.constant 0 : i32
      %sign3A_742 = arith.cmpi sgt, %jit3A_732, %sign3A_741 : i32
      %sign3A_743 = arith.extui %sign3A_742 : i1 to i32
      %sign3A_744 = arith.constant 0 : i32
      %sign3A_745 = arith.cmpi slt, %jit3A_732, %sign3A_744 : i32
      %sign3A_746 = arith.extui %sign3A_745 : i1 to i32
      %sign3A_747 = arith.subi %sign3A_743, %sign3A_746 : i32
      %ne3A_748 = arith.cmpi ne, %sign3A_740, %sign3A_747 : i32
      %rem3A_749 = arith.remsi %add3A_682, %jit3A_732 : i32
      %ne3A_750 = arith.constant 0 : i32
      %ne3A_751 = arith.cmpi ne, %rem3A_749, %ne3A_750 : i32
      %and3A_752 = arith.andi %ne3A_748, %ne3A_751 : i1
      %sub3A_753 = arith.constant 1 : i32
      %sub3A_754 = arith.subi %div3A_733, %sub3A_753 : i32
      %select_n3A_755 = arith.select %and3A_752, %sub3A_754, %div3A_733 : i32
      %jit3A_756 = arith.constant 8 : i32
      %eq3A_757 = arith.constant 0 : i32
      %eq3A_758 = arith.cmpi eq, %jit3A_756, %eq3A_757 : i32
      %jit3A_759 = arith.constant 1 : i32
      %select_n3A_760 = arith.select %eq3A_758, %jit3A_759, %jit3A_756 : i32
      %rem3A_761 = arith.remsi %add3A_682, %select_n3A_760 : i32
      %ne3A_762 = arith.constant 0 : i32
      %ne3A_763 = arith.cmpi ne, %rem3A_761, %ne3A_762 : i32
      %lt3A_764 = arith.constant 0 : i32
      %lt3A_765 = arith.cmpi slt, %rem3A_761, %lt3A_764 : i32
      %lt3A_766 = arith.constant 0 : i32
      %lt3A_767 = arith.cmpi slt, %select_n3A_760, %lt3A_766 : i32
      %ne3A_768 = arith.xori %lt3A_765, %lt3A_767 : i1
      %and3A_769 = arith.andi %ne3A_768, %ne3A_763 : i1
      %add3A_770 = arith.addi %rem3A_761, %select_n3A_760 : i32
      %select_n3A_771 = arith.select %and3A_769, %add3A_770, %rem3A_761 : i32
      %dma_start3A_772 = arith.constant 0 : i32
      %dma_start3A_773 = arith.constant 0 : i32
      %dma_start3A_774 = arith.constant 0 : i32
      %dma_start3A_775 = tpu.memref_slice %arg12[%dma_start3A_772, %dma_start3A_773, %dma_start3A_774] : memref<8x8x129xf32, #tpu.memory_space<vmem>> -> memref<8x8x128xf32, #tpu.memory_space<vmem>>
      %dma_start3A_776 = arith.constant 0 : i32
      %dma_start3A_777 = arith.constant 0 : i32
      %dma_start3A_778 = arith.constant 0 : i32
      %dma_start3A_779 = tpu.memref_slice %arg5[%select_n3A_755, %dma_start3A_776, %select_n3A_771, %dma_start3A_777, %dma_start3A_778] : memref<200x8x8x8x128xf32, #tpu.memory_space<hbm>> -> memref<1x8x1x8x128xf32, #tpu.memory_space<hbm>>
      %dma_start3A_780 = tpu.memref_squeeze %dma_start3A_779 : memref<1x8x1x8x128xf32, #tpu.memory_space<hbm>> -> memref<8x8x128xf32, #tpu.memory_space<hbm>>
      %dma_start3A_781 = arith.constant 0 : i32
      %dma_start3A_782 = arith.constant 0 : i32
      %dma_start3A_783 = arith.constant 0 : i32
      %dma_start3A_784 = tpu.memref_slice %arg5[%select_n3A_755, %dma_start3A_781, %select_n3A_771, %dma_start3A_782, %dma_start3A_783] : memref<200x8x8x8x128xf32, #tpu.memory_space<hbm>> -> memref<1x8x1x8x128xf32, #tpu.memory_space<hbm>>
      %dma_start3A_785 = tpu.memref_squeeze %dma_start3A_784 : memref<1x8x1x8x128xf32, #tpu.memory_space<hbm>> -> memref<8x8x128xf32, #tpu.memory_space<hbm>>
      %dma_start3A_786 = arith.constant 0 : i32
      %dma_start3A_787 = arith.constant 0 : i32
      %dma_start3A_788 = arith.constant 0 : i32
      %dma_start3A_789 = tpu.memref_slice %arg12[%dma_start3A_786, %dma_start3A_787, %dma_start3A_788] : memref<8x8x129xf32, #tpu.memory_space<vmem>> -> memref<8x8x128xf32, #tpu.memory_space<vmem>>
      tpu.enqueue_dma source(%dma_start3A_789 : memref<8x8x128xf32, #tpu.memory_space<vmem>>) target(%dma_start3A_785 : memref<8x8x128xf32, #tpu.memory_space<hbm>>) target_semaphore(%arg19 : memref<!tpu.dma_semaphore, #tpu.memory_space<semaphore_mem>>)
      %add3A_790 = arith.constant 4 : i32
      %add3A_791 = arith.addi %add3A_682, %add3A_790 : i32
      %add3A_792 = arith.constant 50 : i32
      %add3A_793 = arith.addi %mul3A_2, %add3A_792 : i32
      %lt3A_794 = arith.cmpi slt, %add3A_791, %add3A_793 : i32
      %convert_element_type3A_795 = arith.extui %lt3A_794 : i1 to i32
      %cond3A_796 = arith.constant 0 : i32
      %cond3A_797 = arith.cmpi ne, %convert_element_type3A_795, %cond3A_796 : i32
      scf.if %cond3A_797 {
        %add3A_1068 = arith.constant 4 : i32
        %add3A_1069 = arith.addi %add3A_682, %add3A_1068 : i32
        %sub3A_1070 = arith.subi %add3A_1069, %mul3A_2 : i32
        %mul3A_1071 = arith.constant 128 : i32
        %mul3A_1072 = arith.muli %sub3A_1070, %mul3A_1071 : i32
        %dma_start3A_1073 = tpu.memref_slice %arg6[%mul3A_1072] : memref<6400xi32, #tpu.memory_space<vmem>> -> memref<128xi32, #tpu.memory_space<vmem>>
        %dma_start3A_1074 = arith.constant 0 : i32
        %dma_start3A_1075 = arith.constant 0 : i32
        %dma_start3A_1076 = tpu.memref_slice %arg3[%dma_start3A_1074, %dma_start3A_1075] : memref<100000x64xf32, #tpu.memory_space<hbm>> -> memref<100000x64xf32, #tpu.memory_space<hbm>>
        tpu.enqueue_indirect_dma source(%dma_start3A_1076 : memref<100000x64xf32, #tpu.memory_space<hbm>>) target(%arg8 : memref<128x64xf32, #tpu.memory_space<vmem>>) offsets(%dma_start3A_1073 : memref<128xi32, #tpu.memory_space<vmem>>) semaphore(%arg15 : memref<!tpu.dma_semaphore, #tpu.memory_space<semaphore_mem>>)
      } else {
      }
      %mul3A_798 = arith.constant 4 : i32
      %mul3A_799 = arith.muli %scan3A_560, %mul3A_798 : i32
      %add3A_800 = arith.addi %mul3A_2, %mul3A_799 : i32
      %add3A_801 = arith.constant 2 : i32
      %add3A_802 = arith.addi %add3A_800, %add3A_801 : i32
      %dma_wait3A_803 = arith.constant 0 : i32
      %dma_wait3A_804 = tpu.memref_slice %arg6[%dma_wait3A_803] : memref<6400xi32, #tpu.memory_space<vmem>> -> memref<128xi32, #tpu.memory_space<vmem>>
      %dma_wait3A_805 = arith.constant 0 : i32
      %dma_wait3A_806 = arith.constant 0 : i32
      %dma_wait3A_807 = tpu.memref_slice %arg3[%dma_wait3A_805, %dma_wait3A_806] : memref<100000x64xf32, #tpu.memory_space<hbm>> -> memref<100000x64xf32, #tpu.memory_space<hbm>>
      tpu.wait_indirect_dma semaphore(%arg16 : memref<!tpu.dma_semaphore, #tpu.memory_space<semaphore_mem>>) src(%dma_wait3A_807 : memref<100000x64xf32, #tpu.memory_space<hbm>>) dst(%arg9 : memref<128x64xf32, #tpu.memory_space<vmem>>)
      %dma_wait3A_808 = arith.constant 0 : i32
      %dma_wait3A_809 = arith.constant 0 : i32
      %dma_wait3A_810 = arith.constant 0 : i32
      %dma_wait3A_811 = arith.constant 0 : i32
      %dma_wait3A_812 = arith.constant 0 : i32
      %dma_wait3A_813 = tpu.memref_slice %arg11[%dma_wait3A_810, %dma_wait3A_811, %dma_wait3A_812] : memref<8x8x129xf32, #tpu.memory_space<vmem>> -> memref<8x8x128xf32, #tpu.memory_space<vmem>>
      %dma_wait3A_814 = arith.constant 0 : i32
      %dma_wait3A_815 = arith.constant 0 : i32
      %dma_wait3A_816 = arith.constant 0 : i32
      %dma_wait3A_817 = tpu.memref_slice %arg5[%dma_wait3A_808, %dma_wait3A_814, %dma_wait3A_809, %dma_wait3A_815, %dma_wait3A_816] : memref<200x8x8x8x128xf32, #tpu.memory_space<hbm>> -> memref<1x8x1x8x128xf32, #tpu.memory_space<hbm>>
      %dma_wait3A_818 = tpu.memref_squeeze %dma_wait3A_817 : memref<1x8x1x8x128xf32, #tpu.memory_space<hbm>> -> memref<8x8x128xf32, #tpu.memory_space<hbm>>
      %dma_wait3A_819 = arith.constant 0 : i32
      %dma_wait3A_820 = arith.constant 0 : i32
      %dma_wait3A_821 = arith.constant 0 : i32
      %dma_wait3A_822 = tpu.memref_slice %arg5[%dma_wait3A_808, %dma_wait3A_819, %dma_wait3A_809, %dma_wait3A_820, %dma_wait3A_821] : memref<200x8x8x8x128xf32, #tpu.memory_space<hbm>> -> memref<1x8x1x8x128xf32, #tpu.memory_space<hbm>>
      %dma_wait3A_823 = tpu.memref_squeeze %dma_wait3A_822 : memref<1x8x1x8x128xf32, #tpu.memory_space<hbm>> -> memref<8x8x128xf32, #tpu.memory_space<hbm>>
      %dma_wait3A_824 = arith.constant 0 : i32
      %dma_wait3A_825 = arith.constant 0 : i32
      %dma_wait3A_826 = arith.constant 0 : i32
      %dma_wait3A_827 = tpu.memref_slice %arg11[%dma_wait3A_824, %dma_wait3A_825, %dma_wait3A_826] : memref<8x8x129xf32, #tpu.memory_space<vmem>> -> memref<8x8x128xf32, #tpu.memory_space<vmem>>
      tpu.wait_dma2 semaphore(%arg18 : memref<!tpu.dma_semaphore, #tpu.memory_space<semaphore_mem>>) src(%dma_wait3A_827 : memref<8x8x128xf32, #tpu.memory_space<vmem>>) dst(%dma_wait3A_823 : memref<8x8x128xf32, #tpu.memory_space<hbm>>)
      %jit3A_828 = arith.constant 8 : i32
      %div3A_829 = arith.divsi %add3A_802, %jit3A_828 : i32
      %sign3A_830 = arith.constant 0 : i32
      %sign3A_831 = arith.cmpi sgt, %add3A_802, %sign3A_830 : i32
      %sign3A_832 = arith.extui %sign3A_831 : i1 to i32
      %sign3A_833 = arith.constant 0 : i32
      %sign3A_834 = arith.cmpi slt, %add3A_802, %sign3A_833 : i32
      %sign3A_835 = arith.extui %sign3A_834 : i1 to i32
      %sign3A_836 = arith.subi %sign3A_832, %sign3A_835 : i32
      %sign3A_837 = arith.constant 0 : i32
      %sign3A_838 = arith.cmpi sgt, %jit3A_828, %sign3A_837 : i32
      %sign3A_839 = arith.extui %sign3A_838 : i1 to i32
      %sign3A_840 = arith.constant 0 : i32
      %sign3A_841 = arith.cmpi slt, %jit3A_828, %sign3A_840 : i32
      %sign3A_842 = arith.extui %sign3A_841 : i1 to i32
      %sign3A_843 = arith.subi %sign3A_839, %sign3A_842 : i32
      %ne3A_844 = arith.cmpi ne, %sign3A_836, %sign3A_843 : i32
      %rem3A_845 = arith.remsi %add3A_802, %jit3A_828 : i32
      %ne3A_846 = arith.constant 0 : i32
      %ne3A_847 = arith.cmpi ne, %rem3A_845, %ne3A_846 : i32
      %and3A_848 = arith.andi %ne3A_844, %ne3A_847 : i1
      %sub3A_849 = arith.constant 1 : i32
      %sub3A_850 = arith.subi %div3A_829, %sub3A_849 : i32
      %select_n3A_851 = arith.select %and3A_848, %sub3A_850, %div3A_829 : i32
      %get3A_852 = arith.index_cast %select_n3A_851 : i32 to index
      %get3A_853 = arith.constant 0 : index
      %get3A_854 = tpu.vector_load %arg13[%get3A_852, %get3A_853] {strides = array<i32>} : memref<200x64xf32, #tpu.memory_space<vmem>>, vector<16xf32>,
      %get3A_855 = arith.index_cast %select_n3A_851 : i32 to index
      %get3A_856 = arith.constant 16 : index
      %get3A_857 = tpu.vector_load %arg13[%get3A_855, %get3A_856] {strides = array<i32>} : memref<200x64xf32, #tpu.memory_space<vmem>>, vector<16xf32>,
      %get3A_858 = arith.index_cast %select_n3A_851 : i32 to index
      %get3A_859 = arith.constant 32 : index
      %get3A_860 = tpu.vector_load %arg13[%get3A_858, %get3A_859] {strides = array<i32>} : memref<200x64xf32, #tpu.memory_space<vmem>>, vector<16xf32>,
      %get3A_861 = arith.index_cast %select_n3A_851 : i32 to index
      %get3A_862 = arith.constant 48 : index
      %get3A_863 = tpu.vector_load %arg13[%get3A_861, %get3A_862] {strides = array<i32>} : memref<200x64xf32, #tpu.memory_space<vmem>>, vector<16xf32>,
      %parallel_loop3A_864 = arith.constant 0 : i32
      %parallel_loop3A_865 = arith.constant 128 : i32
      %parallel_loop3A_866 = arith.constant 1 : i32
      scf.for %parallel_loop3A_1068 = %parallel_loop3A_864 to %parallel_loop3A_865 step %parallel_loop3A_866  : i32 {
        %parallel_loop3A_1069 = vector.broadcast %parallel_loop3A_1068 : i32 to vector<16xi32>
        %parallel_loop3A_1070 = arith.index_cast %parallel_loop3A_1068 : i32 to index
        %parallel_loop3A_1071 = arith.constant 0 : index
        %parallel_loop3A_1072 = tpu.vector_load %arg9[%parallel_loop3A_1070, %parallel_loop3A_1071] {strides = array<i32>} : memref<128x64xf32, #tpu.memory_space<vmem>>, vector<16xf32>,
        %parallel_loop3A_1073 = arith.addf %parallel_loop3A_1072, %get3A_854 : vector<16xf32>
        tpu.vector_store_idx %arg11[%select_n3A, %select_n3A_155, %parallel_loop3A_1069], %parallel_loop3A_1073 : memref<8x8x129xf32, #tpu.memory_space<vmem>>[vector<16xi32>, vector<16xi32>, vector<16xi32>], vector<16xf32>,
        %parallel_loop3A_1074 = arith.index_cast %parallel_loop3A_1068 : i32 to index
        %parallel_loop3A_1075 = arith.constant 16 : index
        %parallel_loop3A_1076 = tpu.vector_load %arg9[%parallel_loop3A_1074, %parallel_loop3A_1075] {strides = array<i32>} : memref<128x64xf32, #tpu.memory_space<vmem>>, vector<16xf32>,
        %parallel_loop3A_1077 = arith.addf %parallel_loop3A_1076, %get3A_857 : vector<16xf32>
        tpu.vector_store_idx %arg11[%select_n3A_64, %select_n3A_180, %parallel_loop3A_1069], %parallel_loop3A_1077 : memref<8x8x129xf32, #tpu.memory_space<vmem>>[vector<16xi32>, vector<16xi32>, vector<16xi32>], vector<16xf32>,
        %parallel_loop3A_1078 = arith.index_cast %parallel_loop3A_1068 : i32 to index
        %parallel_loop3A_1079 = arith.constant 32 : index
        %parallel_loop3A_1080 = tpu.vector_load %arg9[%parallel_loop3A_1078, %parallel_loop3A_1079] {strides = array<i32>} : memref<128x64xf32, #tpu.memory_space<vmem>>, vector<16xf32>,
        %parallel_loop3A_1081 = arith.addf %parallel_loop3A_1080, %get3A_860 : vector<16xf32>
        tpu.vector_store_idx %arg11[%select_n3A_98, %select_n3A_205, %parallel_loop3A_1069], %parallel_loop3A_1081 : memref<8x8x129xf32, #tpu.memory_space<vmem>>[vector<16xi32>, vector<16xi32>, vector<16xi32>], vector<16xf32>,
        %parallel_loop3A_1082 = arith.index_cast %parallel_loop3A_1068 : i32 to index
        %parallel_loop3A_1083 = arith.constant 48 : index
        %parallel_loop3A_1084 = tpu.vector_load %arg9[%parallel_loop3A_1082, %parallel_loop3A_1083] {strides = array<i32>} : memref<128x64xf32, #tpu.memory_space<vmem>>, vector<16xf32>,
        %parallel_loop3A_1085 = arith.addf %parallel_loop3A_1084, %get3A_863 : vector<16xf32>
        tpu.vector_store_idx %arg11[%select_n3A_132, %select_n3A_230, %parallel_loop3A_1069], %parallel_loop3A_1085 : memref<8x8x129xf32, #tpu.memory_space<vmem>>[vector<16xi32>, vector<16xi32>, vector<16xi32>], vector<16xf32>,
      } {sc.loop_unroll_factor = 4 : i64, sc.parallel_access}
      %jit3A_867 = arith.constant 8 : i32
      %div3A_868 = arith.divsi %add3A_802, %jit3A_867 : i32
      %sign3A_869 = arith.constant 0 : i32
      %sign3A_870 = arith.cmpi sgt, %add3A_802, %sign3A_869 : i32
      %sign3A_871 = arith.extui %sign3A_870 : i1 to i32
      %sign3A_872 = arith.constant 0 : i32
      %sign3A_873 = arith.cmpi slt, %add3A_802, %sign3A_872 : i32
      %sign3A_874 = arith.extui %sign3A_873 : i1 to i32
      %sign3A_875 = arith.subi %sign3A_871, %sign3A_874 : i32
      %sign3A_876 = arith.constant 0 : i32
      %sign3A_877 = arith.cmpi sgt, %jit3A_867, %sign3A_876 : i32
      %sign3A_878 = arith.extui %sign3A_877 : i1 to i32
      %sign3A_879 = arith.constant 0 : i32
      %sign3A_880 = arith.cmpi slt, %jit3A_867, %sign3A_879 : i32
      %sign3A_881 = arith.extui %sign3A_880 : i1 to i32
      %sign3A_882 = arith.subi %sign3A_878, %sign3A_881 : i32
      %ne3A_883 = arith.cmpi ne, %sign3A_875, %sign3A_882 : i32
      %rem3A_884 = arith.remsi %add3A_802, %jit3A_867 : i32
      %ne3A_885 = arith.constant 0 : i32
      %ne3A_886 = arith.cmpi ne, %rem3A_884, %ne3A_885 : i32
      %and3A_887 = arith.andi %ne3A_883, %ne3A_886 : i1
      %sub3A_888 = arith.constant 1 : i32
      %sub3A_889 = arith.subi %div3A_868, %sub3A_888 : i32
      %select_n3A_890 = arith.select %and3A_887, %sub3A_889, %div3A_868 : i32
      %jit3A_891 = arith.constant 8 : i32
      %eq3A_892 = arith.constant 0 : i32
      %eq3A_893 = arith.cmpi eq, %jit3A_891, %eq3A_892 : i32
      %jit3A_894 = arith.constant 1 : i32
      %select_n3A_895 = arith.select %eq3A_893, %jit3A_894, %jit3A_891 : i32
      %rem3A_896 = arith.remsi %add3A_802, %select_n3A_895 : i32
      %ne3A_897 = arith.constant 0 : i32
      %ne3A_898 = arith.cmpi ne, %rem3A_896, %ne3A_897 : i32
      %lt3A_899 = arith.constant 0 : i32
      %lt3A_900 = arith.cmpi slt, %rem3A_896, %lt3A_899 : i32
      %lt3A_901 = arith.constant 0 : i32
      %lt3A_902 = arith.cmpi slt, %select_n3A_895, %lt3A_901 : i32
      %ne3A_903 = arith.xori %lt3A_900, %lt3A_902 : i1
      %and3A_904 = arith.andi %ne3A_903, %ne3A_898 : i1
      %add3A_905 = arith.addi %rem3A_896, %select_n3A_895 : i32
      %select_n3A_906 = arith.select %and3A_904, %add3A_905, %rem3A_896 : i32
      %dma_start3A_907 = arith.constant 0 : i32
      %dma_start3A_908 = arith.constant 0 : i32
      %dma_start3A_909 = arith.constant 0 : i32
      %dma_start3A_910 = tpu.memref_slice %arg11[%dma_start3A_907, %dma_start3A_908, %dma_start3A_909] : memref<8x8x129xf32, #tpu.memory_space<vmem>> -> memref<8x8x128xf32, #tpu.memory_space<vmem>>
      %dma_start3A_911 = arith.constant 0 : i32
      %dma_start3A_912 = arith.constant 0 : i32
      %dma_start3A_913 = arith.constant 0 : i32
      %dma_start3A_914 = tpu.memref_slice %arg5[%select_n3A_890, %dma_start3A_911, %select_n3A_906, %dma_start3A_912, %dma_start3A_913] : memref<200x8x8x8x128xf32, #tpu.memory_space<hbm>> -> memref<1x8x1x8x128xf32, #tpu.memory_space<hbm>>
      %dma_start3A_915 = tpu.memref_squeeze %dma_start3A_914 : memref<1x8x1x8x128xf32, #tpu.memory_space<hbm>> -> memref<8x8x128xf32, #tpu.memory_space<hbm>>
      %dma_start3A_916 = arith.constant 0 : i32
      %dma_start3A_917 = arith.constant 0 : i32
      %dma_start3A_918 = arith.constant 0 : i32
      %dma_start3A_919 = tpu.memref_slice %arg5[%select_n3A_890, %dma_start3A_916, %select_n3A_906, %dma_start3A_917, %dma_start3A_918] : memref<200x8x8x8x128xf32, #tpu.memory_space<hbm>> -> memref<1x8x1x8x128xf32, #tpu.memory_space<hbm>>
      %dma_start3A_920 = tpu.memref_squeeze %dma_start3A_919 : memref<1x8x1x8x128xf32, #tpu.memory_space<hbm>> -> memref<8x8x128xf32, #tpu.memory_space<hbm>>
      %dma_start3A_921 = arith.constant 0 : i32
      %dma_start3A_922 = arith.constant 0 : i32
      %dma_start3A_923 = arith.constant 0 : i32
      %dma_start3A_924 = tpu.memref_slice %arg11[%dma_start3A_921, %dma_start3A_922, %dma_start3A_923] : memref<8x8x129xf32, #tpu.memory_space<vmem>> -> memref<8x8x128xf32, #tpu.memory_space<vmem>>
      tpu.enqueue_dma source(%dma_start3A_924 : memref<8x8x128xf32, #tpu.memory_space<vmem>>) target(%dma_start3A_920 : memref<8x8x128xf32, #tpu.memory_space<hbm>>) target_semaphore(%arg18 : memref<!tpu.dma_semaphore, #tpu.memory_space<semaphore_mem>>)
      %add3A_925 = arith.constant 4 : i32
      %add3A_926 = arith.addi %add3A_802, %add3A_925 : i32
      %add3A_927 = arith.constant 50 : i32
      %add3A_928 = arith.addi %mul3A_2, %add3A_927 : i32
      %lt3A_929 = arith.cmpi slt, %add3A_926, %add3A_928 : i32
      %convert_element_type3A_930 = arith.extui %lt3A_929 : i1 to i32
      %cond3A_931 = arith.constant 0 : i32
      %cond3A_932 = arith.cmpi ne, %convert_element_type3A_930, %cond3A_931 : i32
      scf.if %cond3A_932 {
        %add3A_1068 = arith.constant 4 : i32
        %add3A_1069 = arith.addi %add3A_802, %add3A_1068 : i32
        %sub3A_1070 = arith.subi %add3A_1069, %mul3A_2 : i32
        %mul3A_1071 = arith.constant 128 : i32
        %mul3A_1072 = arith.muli %sub3A_1070, %mul3A_1071 : i32
        %dma_start3A_1073 = tpu.memref_slice %arg6[%mul3A_1072] : memref<6400xi32, #tpu.memory_space<vmem>> -> memref<128xi32, #tpu.memory_space<vmem>>
        %dma_start3A_1074 = arith.constant 0 : i32
        %dma_start3A_1075 = arith.constant 0 : i32
        %dma_start3A_1076 = tpu.memref_slice %arg3[%dma_start3A_1074, %dma_start3A_1075] : memref<100000x64xf32, #tpu.memory_space<hbm>> -> memref<100000x64xf32, #tpu.memory_space<hbm>>
        tpu.enqueue_indirect_dma source(%dma_start3A_1076 : memref<100000x64xf32, #tpu.memory_space<hbm>>) target(%arg9 : memref<128x64xf32, #tpu.memory_space<vmem>>) offsets(%dma_start3A_1073 : memref<128xi32, #tpu.memory_space<vmem>>) semaphore(%arg16 : memref<!tpu.dma_semaphore, #tpu.memory_space<semaphore_mem>>)
      } else {
      }
      %mul3A_933 = arith.constant 4 : i32
      %mul3A_934 = arith.muli %scan3A_560, %mul3A_933 : i32
      %add3A_935 = arith.addi %mul3A_2, %mul3A_934 : i32
      %add3A_936 = arith.constant 3 : i32
      %add3A_937 = arith.addi %add3A_935, %add3A_936 : i32
      %dma_wait3A_938 = arith.constant 0 : i32
      %dma_wait3A_939 = tpu.memref_slice %arg6[%dma_wait3A_938] : memref<6400xi32, #tpu.memory_space<vmem>> -> memref<128xi32, #tpu.memory_space<vmem>>
      %dma_wait3A_940 = arith.constant 0 : i32
      %dma_wait3A_941 = arith.constant 0 : i32
      %dma_wait3A_942 = tpu.memref_slice %arg3[%dma_wait3A_940, %dma_wait3A_941] : memref<100000x64xf32, #tpu.memory_space<hbm>> -> memref<100000x64xf32, #tpu.memory_space<hbm>>
      tpu.wait_indirect_dma semaphore(%arg17 : memref<!tpu.dma_semaphore, #tpu.memory_space<semaphore_mem>>) src(%dma_wait3A_942 : memref<100000x64xf32, #tpu.memory_space<hbm>>) dst(%arg10 : memref<128x64xf32, #tpu.memory_space<vmem>>)
      %dma_wait3A_943 = arith.constant 0 : i32
      %dma_wait3A_944 = arith.constant 0 : i32
      %dma_wait3A_945 = arith.constant 0 : i32
      %dma_wait3A_946 = arith.constant 0 : i32
      %dma_wait3A_947 = arith.constant 0 : i32
      %dma_wait3A_948 = tpu.memref_slice %arg12[%dma_wait3A_945, %dma_wait3A_946, %dma_wait3A_947] : memref<8x8x129xf32, #tpu.memory_space<vmem>> -> memref<8x8x128xf32, #tpu.memory_space<vmem>>
      %dma_wait3A_949 = arith.constant 0 : i32
      %dma_wait3A_950 = arith.constant 0 : i32
      %dma_wait3A_951 = arith.constant 0 : i32
      %dma_wait3A_952 = tpu.memref_slice %arg5[%dma_wait3A_943, %dma_wait3A_949, %dma_wait3A_944, %dma_wait3A_950, %dma_wait3A_951] : memref<200x8x8x8x128xf32, #tpu.memory_space<hbm>> -> memref<1x8x1x8x128xf32, #tpu.memory_space<hbm>>
      %dma_wait3A_953 = tpu.memref_squeeze %dma_wait3A_952 : memref<1x8x1x8x128xf32, #tpu.memory_space<hbm>> -> memref<8x8x128xf32, #tpu.memory_space<hbm>>
      %dma_wait3A_954 = arith.constant 0 : i32
      %dma_wait3A_955 = arith.constant 0 : i32
      %dma_wait3A_956 = arith.constant 0 : i32
      %dma_wait3A_957 = tpu.memref_slice %arg5[%dma_wait3A_943, %dma_wait3A_954, %dma_wait3A_944, %dma_wait3A_955, %dma_wait3A_956] : memref<200x8x8x8x128xf32, #tpu.memory_space<hbm>> -> memref<1x8x1x8x128xf32, #tpu.memory_space<hbm>>
      %dma_wait3A_958 = tpu.memref_squeeze %dma_wait3A_957 : memref<1x8x1x8x128xf32, #tpu.memory_space<hbm>> -> memref<8x8x128xf32, #tpu.memory_space<hbm>>
      %dma_wait3A_959 = arith.constant 0 : i32
      %dma_wait3A_960 = arith.constant 0 : i32
      %dma_wait3A_961 = arith.constant 0 : i32
      %dma_wait3A_962 = tpu.memref_slice %arg12[%dma_wait3A_959, %dma_wait3A_960, %dma_wait3A_961] : memref<8x8x129xf32, #tpu.memory_space<vmem>> -> memref<8x8x128xf32, #tpu.memory_space<vmem>>
      tpu.wait_dma2 semaphore(%arg19 : memref<!tpu.dma_semaphore, #tpu.memory_space<semaphore_mem>>) src(%dma_wait3A_962 : memref<8x8x128xf32, #tpu.memory_space<vmem>>) dst(%dma_wait3A_958 : memref<8x8x128xf32, #tpu.memory_space<hbm>>)
      %jit3A_963 = arith.constant 8 : i32
      %div3A_964 = arith.divsi %add3A_937, %jit3A_963 : i32
      %sign3A_965 = arith.constant 0 : i32
      %sign3A_966 = arith.cmpi sgt, %add3A_937, %sign3A_965 : i32
      %sign3A_967 = arith.extui %sign3A_966 : i1 to i32
      %sign3A_968 = arith.constant 0 : i32
      %sign3A_969 = arith.cmpi slt, %add3A_937, %sign3A_968 : i32
      %sign3A_970 = arith.extui %sign3A_969 : i1 to i32
      %sign3A_971 = arith.subi %sign3A_967, %sign3A_970 : i32
      %sign3A_972 = arith.constant 0 : i32
      %sign3A_973 = arith.cmpi sgt, %jit3A_963, %sign3A_972 : i32
      %sign3A_974 = arith.extui %sign3A_973 : i1 to i32
      %sign3A_975 = arith.constant 0 : i32
      %sign3A_976 = arith.cmpi slt, %jit3A_963, %sign3A_975 : i32
      %sign3A_977 = arith.extui %sign3A_976 : i1 to i32
      %sign3A_978 = arith.subi %sign3A_974, %sign3A_977 : i32
      %ne3A_979 = arith.cmpi ne, %sign3A_971, %sign3A_978 : i32
      %rem3A_980 = arith.remsi %add3A_937, %jit3A_963 : i32
      %ne3A_981 = arith.constant 0 : i32
      %ne3A_982 = arith.cmpi ne, %rem3A_980, %ne3A_981 : i32
      %and3A_983 = arith.andi %ne3A_979, %ne3A_982 : i1
      %sub3A_984 = arith.constant 1 : i32
      %sub3A_985 = arith.subi %div3A_964, %sub3A_984 : i32
      %select_n3A_986 = arith.select %and3A_983, %sub3A_985, %div3A_964 : i32
      %get3A_987 = arith.index_cast %select_n3A_986 : i32 to index
      %get3A_988 = arith.constant 0 : index
      %get3A_989 = tpu.vector_load %arg13[%get3A_987, %get3A_988] {strides = array<i32>} : memref<200x64xf32, #tpu.memory_space<vmem>>, vector<16xf32>,
      %get3A_990 = arith.index_cast %select_n3A_986 : i32 to index
      %get3A_991 = arith.constant 16 : index
      %get3A_992 = tpu.vector_load %arg13[%get3A_990, %get3A_991] {strides = array<i32>} : memref<200x64xf32, #tpu.memory_space<vmem>>, vector<16xf32>,
      %get3A_993 = arith.index_cast %select_n3A_986 : i32 to index
      %get3A_994 = arith.constant 32 : index
      %get3A_995 = tpu.vector_load %arg13[%get3A_993, %get3A_994] {strides = array<i32>} : memref<200x64xf32, #tpu.memory_space<vmem>>, vector<16xf32>,
      %get3A_996 = arith.index_cast %select_n3A_986 : i32 to index
      %get3A_997 = arith.constant 48 : index
      %get3A_998 = tpu.vector_load %arg13[%get3A_996, %get3A_997] {strides = array<i32>} : memref<200x64xf32, #tpu.memory_space<vmem>>, vector<16xf32>,
      %parallel_loop3A_999 = arith.constant 0 : i32
      %parallel_loop3A_1000 = arith.constant 128 : i32
      %parallel_loop3A_1001 = arith.constant 1 : i32
      scf.for %parallel_loop3A_1068 = %parallel_loop3A_999 to %parallel_loop3A_1000 step %parallel_loop3A_1001  : i32 {
        %parallel_loop3A_1069 = vector.broadcast %parallel_loop3A_1068 : i32 to vector<16xi32>
        %parallel_loop3A_1070 = arith.index_cast %parallel_loop3A_1068 : i32 to index
        %parallel_loop3A_1071 = arith.constant 0 : index
        %parallel_loop3A_1072 = tpu.vector_load %arg10[%parallel_loop3A_1070, %parallel_loop3A_1071] {strides = array<i32>} : memref<128x64xf32, #tpu.memory_space<vmem>>, vector<16xf32>,
        %parallel_loop3A_1073 = arith.addf %parallel_loop3A_1072, %get3A_989 : vector<16xf32>
        tpu.vector_store_idx %arg12[%select_n3A, %select_n3A_155, %parallel_loop3A_1069], %parallel_loop3A_1073 : memref<8x8x129xf32, #tpu.memory_space<vmem>>[vector<16xi32>, vector<16xi32>, vector<16xi32>], vector<16xf32>,
        %parallel_loop3A_1074 = arith.index_cast %parallel_loop3A_1068 : i32 to index
        %parallel_loop3A_1075 = arith.constant 16 : index
        %parallel_loop3A_1076 = tpu.vector_load %arg10[%parallel_loop3A_1074, %parallel_loop3A_1075] {strides = array<i32>} : memref<128x64xf32, #tpu.memory_space<vmem>>, vector<16xf32>,
        %parallel_loop3A_1077 = arith.addf %parallel_loop3A_1076, %get3A_992 : vector<16xf32>
        tpu.vector_store_idx %arg12[%select_n3A_64, %select_n3A_180, %parallel_loop3A_1069], %parallel_loop3A_1077 : memref<8x8x129xf32, #tpu.memory_space<vmem>>[vector<16xi32>, vector<16xi32>, vector<16xi32>], vector<16xf32>,
        %parallel_loop3A_1078 = arith.index_cast %parallel_loop3A_1068 : i32 to index
        %parallel_loop3A_1079 = arith.constant 32 : index
        %parallel_loop3A_1080 = tpu.vector_load %arg10[%parallel_loop3A_1078, %parallel_loop3A_1079] {strides = array<i32>} : memref<128x64xf32, #tpu.memory_space<vmem>>, vector<16xf32>,
        %parallel_loop3A_1081 = arith.addf %parallel_loop3A_1080, %get3A_995 : vector<16xf32>
        tpu.vector_store_idx %arg12[%select_n3A_98, %select_n3A_205, %parallel_loop3A_1069], %parallel_loop3A_1081 : memref<8x8x129xf32, #tpu.memory_space<vmem>>[vector<16xi32>, vector<16xi32>, vector<16xi32>], vector<16xf32>,
        %parallel_loop3A_1082 = arith.index_cast %parallel_loop3A_1068 : i32 to index
        %parallel_loop3A_1083 = arith.constant 48 : index
        %parallel_loop3A_1084 = tpu.vector_load %arg10[%parallel_loop3A_1082, %parallel_loop3A_1083] {strides = array<i32>} : memref<128x64xf32, #tpu.memory_space<vmem>>, vector<16xf32>,
        %parallel_loop3A_1085 = arith.addf %parallel_loop3A_1084, %get3A_998 : vector<16xf32>
        tpu.vector_store_idx %arg12[%select_n3A_132, %select_n3A_230, %parallel_loop3A_1069], %parallel_loop3A_1085 : memref<8x8x129xf32, #tpu.memory_space<vmem>>[vector<16xi32>, vector<16xi32>, vector<16xi32>], vector<16xf32>,
      } {sc.loop_unroll_factor = 4 : i64, sc.parallel_access}
      %jit3A_1002 = arith.constant 8 : i32
      %div3A_1003 = arith.divsi %add3A_937, %jit3A_1002 : i32
      %sign3A_1004 = arith.constant 0 : i32
      %sign3A_1005 = arith.cmpi sgt, %add3A_937, %sign3A_1004 : i32
      %sign3A_1006 = arith.extui %sign3A_1005 : i1 to i32
      %sign3A_1007 = arith.constant 0 : i32
      %sign3A_1008 = arith.cmpi slt, %add3A_937, %sign3A_1007 : i32
      %sign3A_1009 = arith.extui %sign3A_1008 : i1 to i32
      %sign3A_1010 = arith.subi %sign3A_1006, %sign3A_1009 : i32
      %sign3A_1011 = arith.constant 0 : i32
      %sign3A_1012 = arith.cmpi sgt, %jit3A_1002, %sign3A_1011 : i32
      %sign3A_1013 = arith.extui %sign3A_1012 : i1 to i32
      %sign3A_1014 = arith.constant 0 : i32
      %sign3A_1015 = arith.cmpi slt, %jit3A_1002, %sign3A_1014 : i32
      %sign3A_1016 = arith.extui %sign3A_1015 : i1 to i32
      %sign3A_1017 = arith.subi %sign3A_1013, %sign3A_1016 : i32
      %ne3A_1018 = arith.cmpi ne, %sign3A_1010, %sign3A_1017 : i32
      %rem3A_1019 = arith.remsi %add3A_937, %jit3A_1002 : i32
      %ne3A_1020 = arith.constant 0 : i32
      %ne3A_1021 = arith.cmpi ne, %rem3A_1019, %ne3A_1020 : i32
      %and3A_1022 = arith.andi %ne3A_1018, %ne3A_1021 : i1
      %sub3A_1023 = arith.constant 1 : i32
      %sub3A_1024 = arith.subi %div3A_1003, %sub3A_1023 : i32
      %select_n3A_1025 = arith.select %and3A_1022, %sub3A_1024, %div3A_1003 : i32
      %jit3A_1026 = arith.constant 8 : i32
      %eq3A_1027 = arith.constant 0 : i32
      %eq3A_1028 = arith.cmpi eq, %jit3A_1026, %eq3A_1027 : i32
      %jit3A_1029 = arith.constant 1 : i32
      %select_n3A_1030 = arith.select %eq3A_1028, %jit3A_1029, %jit3A_1026 : i32
      %rem3A_1031 = arith.remsi %add3A_937, %select_n3A_1030 : i32
      %ne3A_1032 = arith.constant 0 : i32
      %ne3A_1033 = arith.cmpi ne, %rem3A_1031, %ne3A_1032 : i32
      %lt3A_1034 = arith.constant 0 : i32
      %lt3A_1035 = arith.cmpi slt, %rem3A_1031, %lt3A_1034 : i32
      %lt3A_1036 = arith.constant 0 : i32
      %lt3A_1037 = arith.cmpi slt, %select_n3A_1030, %lt3A_1036 : i32
      %ne3A_1038 = arith.xori %lt3A_1035, %lt3A_1037 : i1
      %and3A_1039 = arith.andi %ne3A_1038, %ne3A_1033 : i1
      %add3A_1040 = arith.addi %rem3A_1031, %select_n3A_1030 : i32
      %select_n3A_1041 = arith.select %and3A_1039, %add3A_1040, %rem3A_1031 : i32
      %dma_start3A_1042 = arith.constant 0 : i32
      %dma_start3A_1043 = arith.constant 0 : i32
      %dma_start3A_1044 = arith.constant 0 : i32
      %dma_start3A_1045 = tpu.memref_slice %arg12[%dma_start3A_1042, %dma_start3A_1043, %dma_start3A_1044] : memref<8x8x129xf32, #tpu.memory_space<vmem>> -> memref<8x8x128xf32, #tpu.memory_space<vmem>>
      %dma_start3A_1046 = arith.constant 0 : i32
      %dma_start3A_1047 = arith.constant 0 : i32
      %dma_start3A_1048 = arith.constant 0 : i32
      %dma_start3A_1049 = tpu.memref_slice %arg5[%select_n3A_1025, %dma_start3A_1046, %select_n3A_1041, %dma_start3A_1047, %dma_start3A_1048] : memref<200x8x8x8x128xf32, #tpu.memory_space<hbm>> -> memref<1x8x1x8x128xf32, #tpu.memory_space<hbm>>
      %dma_start3A_1050 = tpu.memref_squeeze %dma_start3A_1049 : memref<1x8x1x8x128xf32, #tpu.memory_space<hbm>> -> memref<8x8x128xf32, #tpu.memory_space<hbm>>
      %dma_start3A_1051 = arith.constant 0 : i32
      %dma_start3A_1052 = arith.constant 0 : i32
      %dma_start3A_1053 = arith.constant 0 : i32
      %dma_start3A_1054 = tpu.memref_slice %arg5[%select_n3A_1025, %dma_start3A_1051, %select_n3A_1041, %dma_start3A_1052, %dma_start3A_1053] : memref<200x8x8x8x128xf32, #tpu.memory_space<hbm>> -> memref<1x8x1x8x128xf32, #tpu.memory_space<hbm>>
      %dma_start3A_1055 = tpu.memref_squeeze %dma_start3A_1054 : memref<1x8x1x8x128xf32, #tpu.memory_space<hbm>> -> memref<8x8x128xf32, #tpu.memory_space<hbm>>
      %dma_start3A_1056 = arith.constant 0 : i32
      %dma_start3A_1057 = arith.constant 0 : i32
      %dma_start3A_1058 = arith.constant 0 : i32
      %dma_start3A_1059 = tpu.memref_slice %arg12[%dma_start3A_1056, %dma_start3A_1057, %dma_start3A_1058] : memref<8x8x129xf32, #tpu.memory_space<vmem>> -> memref<8x8x128xf32, #tpu.memory_space<vmem>>
      tpu.enqueue_dma source(%dma_start3A_1059 : memref<8x8x128xf32, #tpu.memory_space<vmem>>) target(%dma_start3A_1055 : memref<8x8x128xf32, #tpu.memory_space<hbm>>) target_semaphore(%arg19 : memref<!tpu.dma_semaphore, #tpu.memory_space<semaphore_mem>>)
      %add3A_1060 = arith.constant 4 : i32
      %add3A_1061 = arith.addi %add3A_937, %add3A_1060 : i32
      %add3A_1062 = arith.constant 50 : i32
      %add3A_1063 = arith.addi %mul3A_2, %add3A_1062 : i32
      %lt3A_1064 = arith.cmpi slt, %add3A_1061, %add3A_1063 : i32
      %convert_element_type3A_1065 = arith.extui %lt3A_1064 : i1 to i32
      %cond3A_1066 = arith.constant 0 : i32
      %cond3A_1067 = arith.cmpi ne, %convert_element_type3A_1065, %cond3A_1066 : i32
      scf.if %cond3A_1067 {
        %add3A_1068 = arith.constant 4 : i32
        %add3A_1069 = arith.addi %add3A_937, %add3A_1068 : i32
        %sub3A_1070 = arith.subi %add3A_1069, %mul3A_2 : i32
        %mul3A_1071 = arith.constant 128 : i32
        %mul3A_1072 = arith.muli %sub3A_1070, %mul3A_1071 : i32
        %dma_start3A_1073 = tpu.memref_slice %arg6[%mul3A_1072] : memref<6400xi32, #tpu.memory_space<vmem>> -> memref<128xi32, #tpu.memory_space<vmem>>
        %dma_start3A_1074 = arith.constant 0 : i32
        %dma_start3A_1075 = arith.constant 0 : i32
        %dma_start3A_1076 = tpu.memref_slice %arg3[%dma_start3A_1074, %dma_start3A_1075] : memref<100000x64xf32, #tpu.memory_space<hbm>> -> memref<100000x64xf32, #tpu.memory_space<hbm>>
        tpu.enqueue_indirect_dma source(%dma_start3A_1076 : memref<100000x64xf32, #tpu.memory_space<hbm>>) target(%arg10 : memref<128x64xf32, #tpu.memory_space<vmem>>) offsets(%dma_start3A_1073 : memref<128xi32, #tpu.memory_space<vmem>>) semaphore(%arg17 : memref<!tpu.dma_semaphore, #tpu.memory_space<semaphore_mem>>)
      } else {
      }
    }
    %scan3A_270 = arith.constant 12 : i32
    %add3A_271 = arith.constant 48 : i32
    %add3A_272 = arith.addi %mul3A_2, %add3A_271 : i32
    %add3A_273 = arith.constant 0 : i32
    %add3A_274 = arith.addi %add3A_272, %add3A_273 : i32
    %dma_wait3A = arith.constant 0 : i32
    %dma_wait3A_275 = tpu.memref_slice %arg6[%dma_wait3A] : memref<6400xi32, #tpu.memory_space<vmem>> -> memref<128xi32, #tpu.memory_space<vmem>>
    %dma_wait3A_276 = arith.constant 0 : i32
    %dma_wait3A_277 = arith.constant 0 : i32
    %dma_wait3A_278 = tpu.memref_slice %arg3[%dma_wait3A_276, %dma_wait3A_277] : memref<100000x64xf32, #tpu.memory_space<hbm>> -> memref<100000x64xf32, #tpu.memory_space<hbm>>
    tpu.wait_indirect_dma semaphore(%arg14 : memref<!tpu.dma_semaphore, #tpu.memory_space<semaphore_mem>>) src(%dma_wait3A_278 : memref<100000x64xf32, #tpu.memory_space<hbm>>) dst(%arg7 : memref<128x64xf32, #tpu.memory_space<vmem>>)
    %dma_wait3A_279 = arith.constant 0 : i32
    %dma_wait3A_280 = arith.constant 0 : i32
    %dma_wait3A_281 = arith.constant 0 : i32
    %dma_wait3A_282 = arith.constant 0 : i32
    %dma_wait3A_283 = arith.constant 0 : i32
    %dma_wait3A_284 = tpu.memref_slice %arg11[%dma_wait3A_281, %dma_wait3A_282, %dma_wait3A_283] : memref<8x8x129xf32, #tpu.memory_space<vmem>> -> memref<8x8x128xf32, #tpu.memory_space<vmem>>
    %dma_wait3A_285 = arith.constant 0 : i32
    %dma_wait3A_286 = arith.constant 0 : i32
    %dma_wait3A_287 = arith.constant 0 : i32
    %dma_wait3A_288 = tpu.memref_slice %arg5[%dma_wait3A_279, %dma_wait3A_285, %dma_wait3A_280, %dma_wait3A_286, %dma_wait3A_287] : memref<200x8x8x8x128xf32, #tpu.memory_space<hbm>> -> memref<1x8x1x8x128xf32, #tpu.memory_space<hbm>>
    %dma_wait3A_289 = tpu.memref_squeeze %dma_wait3A_288 : memref<1x8x1x8x128xf32, #tpu.memory_space<hbm>> -> memref<8x8x128xf32, #tpu.memory_space<hbm>>
    %dma_wait3A_290 = arith.constant 0 : i32
    %dma_wait3A_291 = arith.constant 0 : i32
    %dma_wait3A_292 = arith.constant 0 : i32
    %dma_wait3A_293 = tpu.memref_slice %arg5[%dma_wait3A_279, %dma_wait3A_290, %dma_wait3A_280, %dma_wait3A_291, %dma_wait3A_292] : memref<200x8x8x8x128xf32, #tpu.memory_space<hbm>> -> memref<1x8x1x8x128xf32, #tpu.memory_space<hbm>>
    %dma_wait3A_294 = tpu.memref_squeeze %dma_wait3A_293 : memref<1x8x1x8x128xf32, #tpu.memory_space<hbm>> -> memref<8x8x128xf32, #tpu.memory_space<hbm>>
    %dma_wait3A_295 = arith.constant 0 : i32
    %dma_wait3A_296 = arith.constant 0 : i32
    %dma_wait3A_297 = arith.constant 0 : i32
    %dma_wait3A_298 = tpu.memref_slice %arg11[%dma_wait3A_295, %dma_wait3A_296, %dma_wait3A_297] : memref<8x8x129xf32, #tpu.memory_space<vmem>> -> memref<8x8x128xf32, #tpu.memory_space<vmem>>
    tpu.wait_dma2 semaphore(%arg18 : memref<!tpu.dma_semaphore, #tpu.memory_space<semaphore_mem>>) src(%dma_wait3A_298 : memref<8x8x128xf32, #tpu.memory_space<vmem>>) dst(%dma_wait3A_294 : memref<8x8x128xf32, #tpu.memory_space<hbm>>)
    %jit3A_299 = arith.constant 8 : i32
    %div3A_300 = arith.divsi %add3A_274, %jit3A_299 : i32
    %sign3A_301 = arith.constant 0 : i32
    %sign3A_302 = arith.cmpi sgt, %add3A_274, %sign3A_301 : i32
    %sign3A_303 = arith.extui %sign3A_302 : i1 to i32
    %sign3A_304 = arith.constant 0 : i32
    %sign3A_305 = arith.cmpi slt, %add3A_274, %sign3A_304 : i32
    %sign3A_306 = arith.extui %sign3A_305 : i1 to i32
    %sign3A_307 = arith.subi %sign3A_303, %sign3A_306 : i32
    %sign3A_308 = arith.constant 0 : i32
    %sign3A_309 = arith.cmpi sgt, %jit3A_299, %sign3A_308 : i32
    %sign3A_310 = arith.extui %sign3A_309 : i1 to i32
    %sign3A_311 = arith.constant 0 : i32
    %sign3A_312 = arith.cmpi slt, %jit3A_299, %sign3A_311 : i32
    %sign3A_313 = arith.extui %sign3A_312 : i1 to i32
    %sign3A_314 = arith.subi %sign3A_310, %sign3A_313 : i32
    %ne3A_315 = arith.cmpi ne, %sign3A_307, %sign3A_314 : i32
    %rem3A_316 = arith.remsi %add3A_274, %jit3A_299 : i32
    %ne3A_317 = arith.constant 0 : i32
    %ne3A_318 = arith.cmpi ne, %rem3A_316, %ne3A_317 : i32
    %and3A_319 = arith.andi %ne3A_315, %ne3A_318 : i1
    %sub3A_320 = arith.constant 1 : i32
    %sub3A_321 = arith.subi %div3A_300, %sub3A_320 : i32
    %select_n3A_322 = arith.select %and3A_319, %sub3A_321, %div3A_300 : i32
    %get3A = arith.index_cast %select_n3A_322 : i32 to index
    %get3A_323 = arith.constant 0 : index
    %get3A_324 = tpu.vector_load %arg13[%get3A, %get3A_323] {strides = array<i32>} : memref<200x64xf32, #tpu.memory_space<vmem>>, vector<16xf32>,
    %get3A_325 = arith.index_cast %select_n3A_322 : i32 to index
    %get3A_326 = arith.constant 16 : index
    %get3A_327 = tpu.vector_load %arg13[%get3A_325, %get3A_326] {strides = array<i32>} : memref<200x64xf32, #tpu.memory_space<vmem>>, vector<16xf32>,
    %get3A_328 = arith.index_cast %select_n3A_322 : i32 to index
    %get3A_329 = arith.constant 32 : index
    %get3A_330 = tpu.vector_load %arg13[%get3A_328, %get3A_329] {strides = array<i32>} : memref<200x64xf32, #tpu.memory_space<vmem>>, vector<16xf32>,
    %get3A_331 = arith.index_cast %select_n3A_322 : i32 to index
    %get3A_332 = arith.constant 48 : index
    %get3A_333 = tpu.vector_load %arg13[%get3A_331, %get3A_332] {strides = array<i32>} : memref<200x64xf32, #tpu.memory_space<vmem>>, vector<16xf32>,
    %parallel_loop3A = arith.constant 0 : i32
    %parallel_loop3A_334 = arith.constant 128 : i32
    %parallel_loop3A_335 = arith.constant 1 : i32
    scf.for %parallel_loop3A_560 = %parallel_loop3A to %parallel_loop3A_334 step %parallel_loop3A_335  : i32 {
      %parallel_loop3A_561 = vector.broadcast %parallel_loop3A_560 : i32 to vector<16xi32>
      %parallel_loop3A_562 = arith.index_cast %parallel_loop3A_560 : i32 to index
      %parallel_loop3A_563 = arith.constant 0 : index
      %parallel_loop3A_564 = tpu.vector_load %arg7[%parallel_loop3A_562, %parallel_loop3A_563] {strides = array<i32>} : memref<128x64xf32, #tpu.memory_space<vmem>>, vector<16xf32>,
      %parallel_loop3A_565 = arith.addf %parallel_loop3A_564, %get3A_324 : vector<16xf32>
      tpu.vector_store_idx %arg11[%select_n3A, %select_n3A_155, %parallel_loop3A_561], %parallel_loop3A_565 : memref<8x8x129xf32, #tpu.memory_space<vmem>>[vector<16xi32>, vector<16xi32>, vector<16xi32>], vector<16xf32>,
      %parallel_loop3A_566 = arith.index_cast %parallel_loop3A_560 : i32 to index
      %parallel_loop3A_567 = arith.constant 16 : index
      %parallel_loop3A_568 = tpu.vector_load %arg7[%parallel_loop3A_566, %parallel_loop3A_567] {strides = array<i32>} : memref<128x64xf32, #tpu.memory_space<vmem>>, vector<16xf32>,
      %parallel_loop3A_569 = arith.addf %parallel_loop3A_568, %get3A_327 : vector<16xf32>
      tpu.vector_store_idx %arg11[%select_n3A_64, %select_n3A_180, %parallel_loop3A_561], %parallel_loop3A_569 : memref<8x8x129xf32, #tpu.memory_space<vmem>>[vector<16xi32>, vector<16xi32>, vector<16xi32>], vector<16xf32>,
      %parallel_loop3A_570 = arith.index_cast %parallel_loop3A_560 : i32 to index
      %parallel_loop3A_571 = arith.constant 32 : index
      %parallel_loop3A_572 = tpu.vector_load %arg7[%parallel_loop3A_570, %parallel_loop3A_571] {strides = array<i32>} : memref<128x64xf32, #tpu.memory_space<vmem>>, vector<16xf32>,
      %parallel_loop3A_573 = arith.addf %parallel_loop3A_572, %get3A_330 : vector<16xf32>
      tpu.vector_store_idx %arg11[%select_n3A_98, %select_n3A_205, %parallel_loop3A_561], %parallel_loop3A_573 : memref<8x8x129xf32, #tpu.memory_space<vmem>>[vector<16xi32>, vector<16xi32>, vector<16xi32>], vector<16xf32>,
      %parallel_loop3A_574 = arith.index_cast %parallel_loop3A_560 : i32 to index
      %parallel_loop3A_575 = arith.constant 48 : index
      %parallel_loop3A_576 = tpu.vector_load %arg7[%parallel_loop3A_574, %parallel_loop3A_575] {strides = array<i32>} : memref<128x64xf32, #tpu.memory_space<vmem>>, vector<16xf32>,
      %parallel_loop3A_577 = arith.addf %parallel_loop3A_576, %get3A_333 : vector<16xf32>
      tpu.vector_store_idx %arg11[%select_n3A_132, %select_n3A_230, %parallel_loop3A_561], %parallel_loop3A_577 : memref<8x8x129xf32, #tpu.memory_space<vmem>>[vector<16xi32>, vector<16xi32>, vector<16xi32>], vector<16xf32>,
    } {sc.loop_unroll_factor = 4 : i64, sc.parallel_access}
    %jit3A_336 = arith.constant 8 : i32
    %div3A_337 = arith.divsi %add3A_274, %jit3A_336 : i32
    %sign3A_338 = arith.constant 0 : i32
    %sign3A_339 = arith.cmpi sgt, %add3A_274, %sign3A_338 : i32
    %sign3A_340 = arith.extui %sign3A_339 : i1 to i32
    %sign3A_341 = arith.constant 0 : i32
    %sign3A_342 = arith.cmpi slt, %add3A_274, %sign3A_341 : i32
    %sign3A_343 = arith.extui %sign3A_342 : i1 to i32
    %sign3A_344 = arith.subi %sign3A_340, %sign3A_343 : i32
    %sign3A_345 = arith.constant 0 : i32
    %sign3A_346 = arith.cmpi sgt, %jit3A_336, %sign3A_345 : i32
    %sign3A_347 = arith.extui %sign3A_346 : i1 to i32
    %sign3A_348 = arith.constant 0 : i32
    %sign3A_349 = arith.cmpi slt, %jit3A_336, %sign3A_348 : i32
    %sign3A_350 = arith.extui %sign3A_349 : i1 to i32
    %sign3A_351 = arith.subi %sign3A_347, %sign3A_350 : i32
    %ne3A_352 = arith.cmpi ne, %sign3A_344, %sign3A_351 : i32
    %rem3A_353 = arith.remsi %add3A_274, %jit3A_336 : i32
    %ne3A_354 = arith.constant 0 : i32
    %ne3A_355 = arith.cmpi ne, %rem3A_353, %ne3A_354 : i32
    %and3A_356 = arith.andi %ne3A_352, %ne3A_355 : i1
    %sub3A_357 = arith.constant 1 : i32
    %sub3A_358 = arith.subi %div3A_337, %sub3A_357 : i32
    %select_n3A_359 = arith.select %and3A_356, %sub3A_358, %div3A_337 : i32
    %jit3A_360 = arith.constant 8 : i32
    %eq3A_361 = arith.constant 0 : i32
    %eq3A_362 = arith.cmpi eq, %jit3A_360, %eq3A_361 : i32
    %jit3A_363 = arith.constant 1 : i32
    %select_n3A_364 = arith.select %eq3A_362, %jit3A_363, %jit3A_360 : i32
    %rem3A_365 = arith.remsi %add3A_274, %select_n3A_364 : i32
    %ne3A_366 = arith.constant 0 : i32
    %ne3A_367 = arith.cmpi ne, %rem3A_365, %ne3A_366 : i32
    %lt3A_368 = arith.constant 0 : i32
    %lt3A_369 = arith.cmpi slt, %rem3A_365, %lt3A_368 : i32
    %lt3A_370 = arith.constant 0 : i32
    %lt3A_371 = arith.cmpi slt, %select_n3A_364, %lt3A_370 : i32
    %ne3A_372 = arith.xori %lt3A_369, %lt3A_371 : i1
    %and3A_373 = arith.andi %ne3A_372, %ne3A_367 : i1
    %add3A_374 = arith.addi %rem3A_365, %select_n3A_364 : i32
    %select_n3A_375 = arith.select %and3A_373, %add3A_374, %rem3A_365 : i32
    %dma_start3A_376 = arith.constant 0 : i32
    %dma_start3A_377 = arith.constant 0 : i32
    %dma_start3A_378 = arith.constant 0 : i32
    %dma_start3A_379 = tpu.memref_slice %arg11[%dma_start3A_376, %dma_start3A_377, %dma_start3A_378] : memref<8x8x129xf32, #tpu.memory_space<vmem>> -> memref<8x8x128xf32, #tpu.memory_space<vmem>>
    %dma_start3A_380 = arith.constant 0 : i32
    %dma_start3A_381 = arith.constant 0 : i32
    %dma_start3A_382 = arith.constant 0 : i32
    %dma_start3A_383 = tpu.memref_slice %arg5[%select_n3A_359, %dma_start3A_380, %select_n3A_375, %dma_start3A_381, %dma_start3A_382] : memref<200x8x8x8x128xf32, #tpu.memory_space<hbm>> -> memref<1x8x1x8x128xf32, #tpu.memory_space<hbm>>
    %dma_start3A_384 = tpu.memref_squeeze %dma_start3A_383 : memref<1x8x1x8x128xf32, #tpu.memory_space<hbm>> -> memref<8x8x128xf32, #tpu.memory_space<hbm>>
    %dma_start3A_385 = arith.constant 0 : i32
    %dma_start3A_386 = arith.constant 0 : i32
    %dma_start3A_387 = arith.constant 0 : i32
    %dma_start3A_388 = tpu.memref_slice %arg5[%select_n3A_359, %dma_start3A_385, %select_n3A_375, %dma_start3A_386, %dma_start3A_387] : memref<200x8x8x8x128xf32, #tpu.memory_space<hbm>> -> memref<1x8x1x8x128xf32, #tpu.memory_space<hbm>>
    %dma_start3A_389 = tpu.memref_squeeze %dma_start3A_388 : memref<1x8x1x8x128xf32, #tpu.memory_space<hbm>> -> memref<8x8x128xf32, #tpu.memory_space<hbm>>
    %dma_start3A_390 = arith.constant 0 : i32
    %dma_start3A_391 = arith.constant 0 : i32
    %dma_start3A_392 = arith.constant 0 : i32
    %dma_start3A_393 = tpu.memref_slice %arg11[%dma_start3A_390, %dma_start3A_391, %dma_start3A_392] : memref<8x8x129xf32, #tpu.memory_space<vmem>> -> memref<8x8x128xf32, #tpu.memory_space<vmem>>
    tpu.enqueue_dma source(%dma_start3A_393 : memref<8x8x128xf32, #tpu.memory_space<vmem>>) target(%dma_start3A_389 : memref<8x8x128xf32, #tpu.memory_space<hbm>>) target_semaphore(%arg18 : memref<!tpu.dma_semaphore, #tpu.memory_space<semaphore_mem>>)
    %add3A_394 = arith.constant 48 : i32
    %add3A_395 = arith.addi %mul3A_2, %add3A_394 : i32
    %add3A_396 = arith.constant 1 : i32
    %add3A_397 = arith.addi %add3A_395, %add3A_396 : i32
    %dma_wait3A_398 = arith.constant 0 : i32
    %dma_wait3A_399 = tpu.memref_slice %arg6[%dma_wait3A_398] : memref<6400xi32, #tpu.memory_space<vmem>> -> memref<128xi32, #tpu.memory_space<vmem>>
    %dma_wait3A_400 = arith.constant 0 : i32
    %dma_wait3A_401 = arith.constant 0 : i32
    %dma_wait3A_402 = tpu.memref_slice %arg3[%dma_wait3A_400, %dma_wait3A_401] : memref<100000x64xf32, #tpu.memory_space<hbm>> -> memref<100000x64xf32, #tpu.memory_space<hbm>>
    tpu.wait_indirect_dma semaphore(%arg15 : memref<!tpu.dma_semaphore, #tpu.memory_space<semaphore_mem>>) src(%dma_wait3A_402 : memref<100000x64xf32, #tpu.memory_space<hbm>>) dst(%arg8 : memref<128x64xf32, #tpu.memory_space<vmem>>)
    %dma_wait3A_403 = arith.constant 0 : i32
    %dma_wait3A_404 = arith.constant 0 : i32
    %dma_wait3A_405 = arith.constant 0 : i32
    %dma_wait3A_406 = arith.constant 0 : i32
    %dma_wait3A_407 = arith.constant 0 : i32
    %dma_wait3A_408 = tpu.memref_slice %arg12[%dma_wait3A_405, %dma_wait3A_406, %dma_wait3A_407] : memref<8x8x129xf32, #tpu.memory_space<vmem>> -> memref<8x8x128xf32, #tpu.memory_space<vmem>>
    %dma_wait3A_409 = arith.constant 0 : i32
    %dma_wait3A_410 = arith.constant 0 : i32
    %dma_wait3A_411 = arith.constant 0 : i32
    %dma_wait3A_412 = tpu.memref_slice %arg5[%dma_wait3A_403, %dma_wait3A_409, %dma_wait3A_404, %dma_wait3A_410, %dma_wait3A_411] : memref<200x8x8x8x128xf32, #tpu.memory_space<hbm>> -> memref<1x8x1x8x128xf32, #tpu.memory_space<hbm>>
    %dma_wait3A_413 = tpu.memref_squeeze %dma_wait3A_412 : memref<1x8x1x8x128xf32, #tpu.memory_space<hbm>> -> memref<8x8x128xf32, #tpu.memory_space<hbm>>
    %dma_wait3A_414 = arith.constant 0 : i32
    %dma_wait3A_415 = arith.constant 0 : i32
    %dma_wait3A_416 = arith.constant 0 : i32
    %dma_wait3A_417 = tpu.memref_slice %arg5[%dma_wait3A_403, %dma_wait3A_414, %dma_wait3A_404, %dma_wait3A_415, %dma_wait3A_416] : memref<200x8x8x8x128xf32, #tpu.memory_space<hbm>> -> memref<1x8x1x8x128xf32, #tpu.memory_space<hbm>>
    %dma_wait3A_418 = tpu.memref_squeeze %dma_wait3A_417 : memref<1x8x1x8x128xf32, #tpu.memory_space<hbm>> -> memref<8x8x128xf32, #tpu.memory_space<hbm>>
    %dma_wait3A_419 = arith.constant 0 : i32
    %dma_wait3A_420 = arith.constant 0 : i32
    %dma_wait3A_421 = arith.constant 0 : i32
    %dma_wait3A_422 = tpu.memref_slice %arg12[%dma_wait3A_419, %dma_wait3A_420, %dma_wait3A_421] : memref<8x8x129xf32, #tpu.memory_space<vmem>> -> memref<8x8x128xf32, #tpu.memory_space<vmem>>
    tpu.wait_dma2 semaphore(%arg19 : memref<!tpu.dma_semaphore, #tpu.memory_space<semaphore_mem>>) src(%dma_wait3A_422 : memref<8x8x128xf32, #tpu.memory_space<vmem>>) dst(%dma_wait3A_418 : memref<8x8x128xf32, #tpu.memory_space<hbm>>)
    %jit3A_423 = arith.constant 8 : i32
    %div3A_424 = arith.divsi %add3A_397, %jit3A_423 : i32
    %sign3A_425 = arith.constant 0 : i32
    %sign3A_426 = arith.cmpi sgt, %add3A_397, %sign3A_425 : i32
    %sign3A_427 = arith.extui %sign3A_426 : i1 to i32
    %sign3A_428 = arith.constant 0 : i32
    %sign3A_429 = arith.cmpi slt, %add3A_397, %sign3A_428 : i32
    %sign3A_430 = arith.extui %sign3A_429 : i1 to i32
    %sign3A_431 = arith.subi %sign3A_427, %sign3A_430 : i32
    %sign3A_432 = arith.constant 0 : i32
    %sign3A_433 = arith.cmpi sgt, %jit3A_423, %sign3A_432 : i32
    %sign3A_434 = arith.extui %sign3A_433 : i1 to i32
    %sign3A_435 = arith.constant 0 : i32
    %sign3A_436 = arith.cmpi slt, %jit3A_423, %sign3A_435 : i32
    %sign3A_437 = arith.extui %sign3A_436 : i1 to i32
    %sign3A_438 = arith.subi %sign3A_434, %sign3A_437 : i32
    %ne3A_439 = arith.cmpi ne, %sign3A_431, %sign3A_438 : i32
    %rem3A_440 = arith.remsi %add3A_397, %jit3A_423 : i32
    %ne3A_441 = arith.constant 0 : i32
    %ne3A_442 = arith.cmpi ne, %rem3A_440, %ne3A_441 : i32
    %and3A_443 = arith.andi %ne3A_439, %ne3A_442 : i1
    %sub3A_444 = arith.constant 1 : i32
    %sub3A_445 = arith.subi %div3A_424, %sub3A_444 : i32
    %select_n3A_446 = arith.select %and3A_443, %sub3A_445, %div3A_424 : i32
    %get3A_447 = arith.index_cast %select_n3A_446 : i32 to index
    %get3A_448 = arith.constant 0 : index
    %get3A_449 = tpu.vector_load %arg13[%get3A_447, %get3A_448] {strides = array<i32>} : memref<200x64xf32, #tpu.memory_space<vmem>>, vector<16xf32>,
    %get3A_450 = arith.index_cast %select_n3A_446 : i32 to index
    %get3A_451 = arith.constant 16 : index
    %get3A_452 = tpu.vector_load %arg13[%get3A_450, %get3A_451] {strides = array<i32>} : memref<200x64xf32, #tpu.memory_space<vmem>>, vector<16xf32>,
    %get3A_453 = arith.index_cast %select_n3A_446 : i32 to index
    %get3A_454 = arith.constant 32 : index
    %get3A_455 = tpu.vector_load %arg13[%get3A_453, %get3A_454] {strides = array<i32>} : memref<200x64xf32, #tpu.memory_space<vmem>>, vector<16xf32>,
    %get3A_456 = arith.index_cast %select_n3A_446 : i32 to index
    %get3A_457 = arith.constant 48 : index
    %get3A_458 = tpu.vector_load %arg13[%get3A_456, %get3A_457] {strides = array<i32>} : memref<200x64xf32, #tpu.memory_space<vmem>>, vector<16xf32>,
    %parallel_loop3A_459 = arith.constant 0 : i32
    %parallel_loop3A_460 = arith.constant 128 : i32
    %parallel_loop3A_461 = arith.constant 1 : i32
    scf.for %parallel_loop3A_560 = %parallel_loop3A_459 to %parallel_loop3A_460 step %parallel_loop3A_461  : i32 {
      %parallel_loop3A_561 = vector.broadcast %parallel_loop3A_560 : i32 to vector<16xi32>
      %parallel_loop3A_562 = arith.index_cast %parallel_loop3A_560 : i32 to index
      %parallel_loop3A_563 = arith.constant 0 : index
      %parallel_loop3A_564 = tpu.vector_load %arg8[%parallel_loop3A_562, %parallel_loop3A_563] {strides = array<i32>} : memref<128x64xf32, #tpu.memory_space<vmem>>, vector<16xf32>,
      %parallel_loop3A_565 = arith.addf %parallel_loop3A_564, %get3A_449 : vector<16xf32>
      tpu.vector_store_idx %arg12[%select_n3A, %select_n3A_155, %parallel_loop3A_561], %parallel_loop3A_565 : memref<8x8x129xf32, #tpu.memory_space<vmem>>[vector<16xi32>, vector<16xi32>, vector<16xi32>], vector<16xf32>,
      %parallel_loop3A_566 = arith.index_cast %parallel_loop3A_560 : i32 to index
      %parallel_loop3A_567 = arith.constant 16 : index
      %parallel_loop3A_568 = tpu.vector_load %arg8[%parallel_loop3A_566, %parallel_loop3A_567] {strides = array<i32>} : memref<128x64xf32, #tpu.memory_space<vmem>>, vector<16xf32>,
      %parallel_loop3A_569 = arith.addf %parallel_loop3A_568, %get3A_452 : vector<16xf32>
      tpu.vector_store_idx %arg12[%select_n3A_64, %select_n3A_180, %parallel_loop3A_561], %parallel_loop3A_569 : memref<8x8x129xf32, #tpu.memory_space<vmem>>[vector<16xi32>, vector<16xi32>, vector<16xi32>], vector<16xf32>,
      %parallel_loop3A_570 = arith.index_cast %parallel_loop3A_560 : i32 to index
      %parallel_loop3A_571 = arith.constant 32 : index
      %parallel_loop3A_572 = tpu.vector_load %arg8[%parallel_loop3A_570, %parallel_loop3A_571] {strides = array<i32>} : memref<128x64xf32, #tpu.memory_space<vmem>>, vector<16xf32>,
      %parallel_loop3A_573 = arith.addf %parallel_loop3A_572, %get3A_455 : vector<16xf32>
      tpu.vector_store_idx %arg12[%select_n3A_98, %select_n3A_205, %parallel_loop3A_561], %parallel_loop3A_573 : memref<8x8x129xf32, #tpu.memory_space<vmem>>[vector<16xi32>, vector<16xi32>, vector<16xi32>], vector<16xf32>,
      %parallel_loop3A_574 = arith.index_cast %parallel_loop3A_560 : i32 to index
      %parallel_loop3A_575 = arith.constant 48 : index
      %parallel_loop3A_576 = tpu.vector_load %arg8[%parallel_loop3A_574, %parallel_loop3A_575] {strides = array<i32>} : memref<128x64xf32, #tpu.memory_space<vmem>>, vector<16xf32>,
      %parallel_loop3A_577 = arith.addf %parallel_loop3A_576, %get3A_458 : vector<16xf32>
      tpu.vector_store_idx %arg12[%select_n3A_132, %select_n3A_230, %parallel_loop3A_561], %parallel_loop3A_577 : memref<8x8x129xf32, #tpu.memory_space<vmem>>[vector<16xi32>, vector<16xi32>, vector<16xi32>], vector<16xf32>,
    } {sc.loop_unroll_factor = 4 : i64, sc.parallel_access}
    %jit3A_462 = arith.constant 8 : i32
    %div3A_463 = arith.divsi %add3A_397, %jit3A_462 : i32
    %sign3A_464 = arith.constant 0 : i32
    %sign3A_465 = arith.cmpi sgt, %add3A_397, %sign3A_464 : i32
    %sign3A_466 = arith.extui %sign3A_465 : i1 to i32
    %sign3A_467 = arith.constant 0 : i32
    %sign3A_468 = arith.cmpi slt, %add3A_397, %sign3A_467 : i32
    %sign3A_469 = arith.extui %sign3A_468 : i1 to i32
    %sign3A_470 = arith.subi %sign3A_466, %sign3A_469 : i32
    %sign3A_471 = arith.constant 0 : i32
    %sign3A_472 = arith.cmpi sgt, %jit3A_462, %sign3A_471 : i32
    %sign3A_473 = arith.extui %sign3A_472 : i1 to i32
    %sign3A_474 = arith.constant 0 : i32
    %sign3A_475 = arith.cmpi slt, %jit3A_462, %sign3A_474 : i32
    %sign3A_476 = arith.extui %sign3A_475 : i1 to i32
    %sign3A_477 = arith.subi %sign3A_473, %sign3A_476 : i32
    %ne3A_478 = arith.cmpi ne, %sign3A_470, %sign3A_477 : i32
    %rem3A_479 = arith.remsi %add3A_397, %jit3A_462 : i32
    %ne3A_480 = arith.constant 0 : i32
    %ne3A_481 = arith.cmpi ne, %rem3A_479, %ne3A_480 : i32
    %and3A_482 = arith.andi %ne3A_478, %ne3A_481 : i1
    %sub3A_483 = arith.constant 1 : i32
    %sub3A_484 = arith.subi %div3A_463, %sub3A_483 : i32
    %select_n3A_485 = arith.select %and3A_482, %sub3A_484, %div3A_463 : i32
    %jit3A_486 = arith.constant 8 : i32
    %eq3A_487 = arith.constant 0 : i32
    %eq3A_488 = arith.cmpi eq, %jit3A_486, %eq3A_487 : i32
    %jit3A_489 = arith.constant 1 : i32
    %select_n3A_490 = arith.select %eq3A_488, %jit3A_489, %jit3A_486 : i32
    %rem3A_491 = arith.remsi %add3A_397, %select_n3A_490 : i32
    %ne3A_492 = arith.constant 0 : i32
    %ne3A_493 = arith.cmpi ne, %rem3A_491, %ne3A_492 : i32
    %lt3A_494 = arith.constant 0 : i32
    %lt3A_495 = arith.cmpi slt, %rem3A_491, %lt3A_494 : i32
    %lt3A_496 = arith.constant 0 : i32
    %lt3A_497 = arith.cmpi slt, %select_n3A_490, %lt3A_496 : i32
    %ne3A_498 = arith.xori %lt3A_495, %lt3A_497 : i1
    %and3A_499 = arith.andi %ne3A_498, %ne3A_493 : i1
    %add3A_500 = arith.addi %rem3A_491, %select_n3A_490 : i32
    %select_n3A_501 = arith.select %and3A_499, %add3A_500, %rem3A_491 : i32
    %dma_start3A_502 = arith.constant 0 : i32
    %dma_start3A_503 = arith.constant 0 : i32
    %dma_start3A_504 = arith.constant 0 : i32
    %dma_start3A_505 = tpu.memref_slice %arg12[%dma_start3A_502, %dma_start3A_503, %dma_start3A_504] : memref<8x8x129xf32, #tpu.memory_space<vmem>> -> memref<8x8x128xf32, #tpu.memory_space<vmem>>
    %dma_start3A_506 = arith.constant 0 : i32
    %dma_start3A_507 = arith.constant 0 : i32
    %dma_start3A_508 = arith.constant 0 : i32
    %dma_start3A_509 = tpu.memref_slice %arg5[%select_n3A_485, %dma_start3A_506, %select_n3A_501, %dma_start3A_507, %dma_start3A_508] : memref<200x8x8x8x128xf32, #tpu.memory_space<hbm>> -> memref<1x8x1x8x128xf32, #tpu.memory_space<hbm>>
    %dma_start3A_510 = tpu.memref_squeeze %dma_start3A_509 : memref<1x8x1x8x128xf32, #tpu.memory_space<hbm>> -> memref<8x8x128xf32, #tpu.memory_space<hbm>>
    %dma_start3A_511 = arith.constant 0 : i32
    %dma_start3A_512 = arith.constant 0 : i32
    %dma_start3A_513 = arith.constant 0 : i32
    %dma_start3A_514 = tpu.memref_slice %arg5[%select_n3A_485, %dma_start3A_511, %select_n3A_501, %dma_start3A_512, %dma_start3A_513] : memref<200x8x8x8x128xf32, #tpu.memory_space<hbm>> -> memref<1x8x1x8x128xf32, #tpu.memory_space<hbm>>
    %dma_start3A_515 = tpu.memref_squeeze %dma_start3A_514 : memref<1x8x1x8x128xf32, #tpu.memory_space<hbm>> -> memref<8x8x128xf32, #tpu.memory_space<hbm>>
    %dma_start3A_516 = arith.constant 0 : i32
    %dma_start3A_517 = arith.constant 0 : i32
    %dma_start3A_518 = arith.constant 0 : i32
    %dma_start3A_519 = tpu.memref_slice %arg12[%dma_start3A_516, %dma_start3A_517, %dma_start3A_518] : memref<8x8x129xf32, #tpu.memory_space<vmem>> -> memref<8x8x128xf32, #tpu.memory_space<vmem>>
    tpu.enqueue_dma source(%dma_start3A_519 : memref<8x8x128xf32, #tpu.memory_space<vmem>>) target(%dma_start3A_515 : memref<8x8x128xf32, #tpu.memory_space<hbm>>) target_semaphore(%arg19 : memref<!tpu.dma_semaphore, #tpu.memory_space<semaphore_mem>>)
    %dma_wait3A_520 = arith.constant 0 : i32
    %dma_wait3A_521 = arith.constant 0 : i32
    %dma_wait3A_522 = arith.constant 0 : i32
    %dma_wait3A_523 = arith.constant 0 : i32
    %dma_wait3A_524 = arith.constant 0 : i32
    %dma_wait3A_525 = tpu.memref_slice %arg11[%dma_wait3A_522, %dma_wait3A_523, %dma_wait3A_524] : memref<8x8x129xf32, #tpu.memory_space<vmem>> -> memref<8x8x128xf32, #tpu.memory_space<vmem>>
    %dma_wait3A_526 = arith.constant 0 : i32
    %dma_wait3A_527 = arith.constant 0 : i32
    %dma_wait3A_528 = arith.constant 0 : i32
    %dma_wait3A_529 = tpu.memref_slice %arg5[%dma_wait3A_520, %dma_wait3A_526, %dma_wait3A_521, %dma_wait3A_527, %dma_wait3A_528] : memref<200x8x8x8x128xf32, #tpu.memory_space<hbm>> -> memref<1x8x1x8x128xf32, #tpu.memory_space<hbm>>
    %dma_wait3A_530 = tpu.memref_squeeze %dma_wait3A_529 : memref<1x8x1x8x128xf32, #tpu.memory_space<hbm>> -> memref<8x8x128xf32, #tpu.memory_space<hbm>>
    %dma_wait3A_531 = arith.constant 0 : i32
    %dma_wait3A_532 = arith.constant 0 : i32
    %dma_wait3A_533 = arith.constant 0 : i32
    %dma_wait3A_534 = tpu.memref_slice %arg5[%dma_wait3A_520, %dma_wait3A_531, %dma_wait3A_521, %dma_wait3A_532, %dma_wait3A_533] : memref<200x8x8x8x128xf32, #tpu.memory_space<hbm>> -> memref<1x8x1x8x128xf32, #tpu.memory_space<hbm>>
    %dma_wait3A_535 = tpu.memref_squeeze %dma_wait3A_534 : memref<1x8x1x8x128xf32, #tpu.memory_space<hbm>> -> memref<8x8x128xf32, #tpu.memory_space<hbm>>
    %dma_wait3A_536 = arith.constant 0 : i32
    %dma_wait3A_537 = arith.constant 0 : i32
    %dma_wait3A_538 = arith.constant 0 : i32
    %dma_wait3A_539 = tpu.memref_slice %arg11[%dma_wait3A_536, %dma_wait3A_537, %dma_wait3A_538] : memref<8x8x129xf32, #tpu.memory_space<vmem>> -> memref<8x8x128xf32, #tpu.memory_space<vmem>>
    tpu.wait_dma2 semaphore(%arg18 : memref<!tpu.dma_semaphore, #tpu.memory_space<semaphore_mem>>) src(%dma_wait3A_539 : memref<8x8x128xf32, #tpu.memory_space<vmem>>) dst(%dma_wait3A_535 : memref<8x8x128xf32, #tpu.memory_space<hbm>>)
    %dma_wait3A_540 = arith.constant 0 : i32
    %dma_wait3A_541 = arith.constant 0 : i32
    %dma_wait3A_542 = arith.constant 0 : i32
    %dma_wait3A_543 = arith.constant 0 : i32
    %dma_wait3A_544 = arith.constant 0 : i32
    %dma_wait3A_545 = tpu.memref_slice %arg12[%dma_wait3A_542, %dma_wait3A_543, %dma_wait3A_544] : memref<8x8x129xf32, #tpu.memory_space<vmem>> -> memref<8x8x128xf32, #tpu.memory_space<vmem>>
    %dma_wait3A_546 = arith.constant 0 : i32
    %dma_wait3A_547 = arith.constant 0 : i32
    %dma_wait3A_548 = arith.constant 0 : i32
    %dma_wait3A_549 = tpu.memref_slice %arg5[%dma_wait3A_540, %dma_wait3A_546, %dma_wait3A_541, %dma_wait3A_547, %dma_wait3A_548] : memref<200x8x8x8x128xf32, #tpu.memory_space<hbm>> -> memref<1x8x1x8x128xf32, #tpu.memory_space<hbm>>
    %dma_wait3A_550 = tpu.memref_squeeze %dma_wait3A_549 : memref<1x8x1x8x128xf32, #tpu.memory_space<hbm>> -> memref<8x8x128xf32, #tpu.memory_space<hbm>>
    %dma_wait3A_551 = arith.constant 0 : i32
    %dma_wait3A_552 = arith.constant 0 : i32
    %dma_wait3A_553 = arith.constant 0 : i32
    %dma_wait3A_554 = tpu.memref_slice %arg5[%dma_wait3A_540, %dma_wait3A_551, %dma_wait3A_541, %dma_wait3A_552, %dma_wait3A_553] : memref<200x8x8x8x128xf32, #tpu.memory_space<hbm>> -> memref<1x8x1x8x128xf32, #tpu.memory_space<hbm>>
    %dma_wait3A_555 = tpu.memref_squeeze %dma_wait3A_554 : memref<1x8x1x8x128xf32, #tpu.memory_space<hbm>> -> memref<8x8x128xf32, #tpu.memory_space<hbm>>
    %dma_wait3A_556 = arith.constant 0 : i32
    %dma_wait3A_557 = arith.constant 0 : i32
    %dma_wait3A_558 = arith.constant 0 : i32
    %dma_wait3A_559 = tpu.memref_slice %arg12[%dma_wait3A_556, %dma_wait3A_557, %dma_wait3A_558] : memref<8x8x129xf32, #tpu.memory_space<vmem>> -> memref<8x8x128xf32, #tpu.memory_space<vmem>>
    tpu.wait_dma2 semaphore(%arg19 : memref<!tpu.dma_semaphore, #tpu.memory_space<semaphore_mem>>) src(%dma_wait3A_559 : memref<8x8x128xf32, #tpu.memory_space<vmem>>) dst(%dma_wait3A_555 : memref<8x8x128xf32, #tpu.memory_space<hbm>>)
    return
  }
}

</mosaic_0001>

<sc_bundles>
// kernel: kernel.3.cloned.1.call-start
scs
__scs_entry_jumppad:
0x0: {  	(pc) =	sbr.rel $0x88, $3  }
0x1: {  	(tag) =	ssettag $0x0;
	lr =	simm.s32 $0x1  }
0x2: {  	[smem:$0x3F9E] =	sst lr;
	_ =	strace $0xD0000000  }
0x3: {  	_ = 	snop  }
0x4: {  	_ = 	snop  }
0x5: {  	_ = 	snop  }
0x6: {  	_ = 	snop  }
0x7: {  	_ = 	snop  }
__scs_overlays_trampoline_lowered:
0x8: {  	[smem:$0x3FAD] =	sst s0  }
0x9: {  	[smem:$0x3FAE] =	sst s1  }
0xa: {  	[smem:$0x3FAF] =	sst s2  }
0xb: {  	[smem:$0x3FB0] =	sst s3  }
0xc: {  	[smem:$0x3FB1] =	sst s4  }
0xd: {  	[smem:$0x3FB2] =	sst s5  }
0xe: {  	[smem:$0x3FB3] =	sst s6  }
0xf: {  	[smem:$0x3FB4] =	sst s7  }
0x10: {  	[smem:$0x3FB5] =	sst s8  }
0x11: {  	[smem:$0x3FB6] =	sst s9;
	s0 =	simm.s32 @!p0 $0x0  }
0x12: {  	s1 =	sld [smem:$0x3F9C];
	s0 =	simm.s32 @p0 $0x1  }
0x13: {  	[smem:$0x3FB7] =	sst s0;
	s0 =	simm.s32 @!p1 $0x0  }
0x14: {  	s2 =	sld [smem:$0x3F9B];
	s0 =	simm.s32 @p1 $0x1  }
0x15: {  	[smem:$0x3FB8] =	sst s0;
	s0 =	simm.s32 @!p2 $0x0  }
0x16: {  	s3 =	sld [smem:$0x3FDB];
	s0 =	simm.s32 @p2 $0x1  }
0x17: {  	s4 =	simm.s32 $0x1BF5;
	[smem:$0x3FBA] =	sst s0  }
0x18: {  	s0 =	sld [smem:$0x3F9D];
	_ =	swait.ge [sflag:s4], $0x0  }
0x19: {  	s7 =	sld [smem:$0x3F9E]  }
0x1a: {  	s8 =	sadd.s32 $0xFFFFE003, lr  }
0x1b: {  	s9 =	sadd.s32 $0xFFFFFEF7, lr;
	s5 =	simm.s32 $0xFFFFFFFF;
	p2 =	slt.u32 s8, $0xFFFFF086  }
0x1c: {  	p1 =	slt.u32 s9, $0xF7A;
	s5 =	simm.s32 @!p2 $0x0  }
0x1d: {  	s5 =	simm.s32 @p1 $0x1;
	p0 =	seq.s32 s7, s2  }
0x1e: {  	s7 =	smul.u32 @!p0 $0xF7A, s2;
	p2 =	seq.s32 @!p0 s5, $0x0  }
0x1f: {  	s9 =	smul.u32 $0xF7A, s1;
	s8 =	simm.s32 @!p0 $0x1BF5;
	p2 =	por !p2, p0  }
0x20: {  	[sflag:s8] =	ssyncset.s32 @!p0 $0xFFFFF086;
	s6 =	sadd.s32 @!p0 s3, s7;
	s7 =	simm.s32 @!p0 $0x108  }
0x21: {  	s3 =	sadd.s32 s3, s9;
	s6 =	sadd.s32 @!p0 $0x88, s6;
	s7 =	simm.s32 @p2 $0x1082  }
0x22: {  	[simem:s7], [sflag:s8] =	dma.local @!p0 [hbm:s6], $0xF7A  }
0x23: {  	s9 =	sor.u32 $0xD0000000, s2;
	s6 =	simm.s32 $0x108;
	_ =	swait.ge @!p0 [sflag:s8], $0x0  }
0x24: {  	s3 =	sadd.s32 $0x88, s3;
	s6 =	simm.s32 @!p1 $0x1082;
	[sflag:s4] =	ssyncset.s32 $0xFFFFF086  }
0x25: {  	[simem:s6], [sflag:s4] =	dma.local [hbm:s3], $0xF7A  }
0x26: {  	[smem:$0x3F9E] =	sst s1;
	(tag) =	ssettag s2;
	_ =	strace s9  }
0x27: {  	s1 =	sld [smem:$0x3FAE]  }
0x28: {  	s2 =	sld [smem:$0x3FAF]  }
0x29: {  	s4 =	sld [smem:$0x3FB1]  }
0x2a: {  	p0 =	seq.s32 s5, $0x0;
	s5 =	sld [smem:$0x3FB2]  }
0x2b: {  	s6 =	sld [smem:$0x3FB3]  }
0x2c: {  	s7 =	sld [smem:$0x3FB4]  }
0x2d: {  	s3 =	simm.s32 $0x108;
	s8 =	sld [smem:$0x3FB5]  }
0x2e: {  	s3 =	simm.s32 @!p0 $0x1082;
	s9 =	sld [smem:$0x3FB6]  }
0x2f: {  	lr =	sadd.s32 s0, s3;
	s0 =	sld [smem:$0x3FAD]  }
0x30: {  	s3 =	sld [smem:$0x3FB0]  }
0x31: {  	[smem:$0x3FB9] =	sst s10  }
0x32: {  	s10 =	sld [smem:$0x3FB7];
	_ =	sdelay $0x3  }
0x33: {  	p0 =	seq.s32 s10, $0x1;
	s10 =	sld [smem:$0x3FB9];
	_ =	sdelay $0x3  }
0x34: {  	[smem:$0x3FB9] =	sst s10  }
0x35: {  	s10 =	sld [smem:$0x3FB8];
	_ =	sdelay $0x3  }
0x36: {  	p1 =	seq.s32 s10, $0x1;
	s10 =	sld [smem:$0x3FB9];
	_ =	sdelay $0x3  }
0x37: {  	[smem:$0x3FB9] =	sst s10  }
0x38: {  	s10 =	sld [smem:$0x3FBA]  }
0x39: {  	_ = 	snop;
	(pc) =	sbr.ind lr, $3  }
0x3a: {  	_ = 	snop  }
0x3b: {  	_ = 	snop  }
0x3c: {  	p2 =	seq.s32 s10, $0x1;
	s10 =	sld [smem:$0x3FB9]  }
0x3d: {  	_ =	shalt  }
0x3e: {  	_ =	shalt  }
0x3f: {  	_ =	shalt  }
0x40: {  	_ =	shalt  }
0x41: {  	_ =	shalt  }
0x42: {  	_ =	shalt  }
0x43: {  	_ =	shalt  }
0x44: {  	_ =	shalt  }
0x45: {  	_ =	shalt  }
0x46: {  	_ =	shalt  }
0x47: {  	_ =	shalt  }
0x48: {  	_ =	shalt  }
0x49: {  	_ =	shalt  }
0x4a: {  	_ =	shalt  }
0x4b: {  	_ =	shalt  }
0x4c: {  	_ =	shalt  }
0x4d: {  	_ =	shalt  }
0x4e: {  	_ =	shalt  }
0x4f: {  	_ =	shalt  }
0x50: {  	_ =	shalt  }
0x51: {  	_ =	shalt  }
0x52: {  	_ =	shalt  }
0x53: {  	_ =	shalt  }
0x54: {  	_ =	shalt  }
0x55: {  	_ =	shalt  }
0x56: {  	_ =	shalt  }
0x57: {  	_ =	shalt  }
0x58: {  	_ =	shalt  }
0x59: {  	_ =	shalt  }
0x5a: {  	_ =	shalt  }
0x5b: {  	_ =	shalt  }
0x5c: {  	_ =	shalt  }
0x5d: {  	_ =	shalt  }
0x5e: {  	_ =	shalt  }
0x5f: {  	_ =	shalt  }
0x60: {  	_ =	shalt  }
0x61: {  	_ =	shalt  }
0x62: {  	_ =	shalt  }
0x63: {  	_ =	shalt  }
0x64: {  	_ =	shalt  }
0x65: {  	_ =	shalt  }
0x66: {  	_ =	shalt  }
0x67: {  	_ =	shalt  }
0x68: {  	_ =	shalt  }
0x69: {  	_ =	shalt  }
0x6a: {  	_ =	shalt  }
0x6b: {  	_ =	shalt  }
0x6c: {  	_ =	shalt  }
0x6d: {  	_ =	shalt  }
0x6e: {  	_ =	shalt  }
0x6f: {  	_ =	shalt  }
0x70: {  	_ =	shalt  }
0x71: {  	_ =	shalt  }
0x72: {  	_ =	shalt  }
0x73: {  	_ =	shalt  }
0x74: {  	_ =	shalt  }
0x75: {  	_ =	shalt  }
0x76: {  	_ =	shalt  }
0x77: {  	_ =	shalt  }
0x78: {  	_ =	shalt  }
0x79: {  	_ =	shalt  }
0x7a: {  	_ =	shalt  }
0x7b: {  	_ =	shalt  }
0x7c: {  	_ =	shalt  }
0x7d: {  	_ =	shalt  }
0x7e: {  	_ =	shalt  }
0x7f: {  	_ =	shalt  }
0x80: {  	_ =	shalt  }
0x81: {  	_ =	shalt  }
0x82: {  	_ =	shalt  }
0x83: {  	_ =	shalt  }
0x84: {  	_ =	shalt  }
0x85: {  	_ =	shalt  }
0x86: {  	_ =	shalt  }
0x87: {  	_ =	shalt  }
.Lfunc_end0:
.L_simem_size_0:
called_computation_lowered:
.L_overlay_start_0:
0x88: {  	s2 =	sld [smem:$0x3FD9]  }
0x89: {  	s3 =	sld [smem:$0x3FFE];
	_ =	sdelay $0x1  }
0x8a: {  	s1 =	srdreg.scid  }
0x8b: {  	s0 =	sand.u32 $0x1, s1  }
0x8c: {  	s17 =	sshll.u32 s0, $0xA;
	s2 =	sadd.s32 s3, s2  }
0x8d: {  	s2 =	sadd.s32 s2, s17  }
0x8e: {  	[smem:$0x3FC5] =	sst s2  }
0x8f: {  	_ = 	snop  }
0x90: {  	s2 =	sld [smem:$0x3FD0];
	(tm) =	ssettm $0x1  }
0x91: {  	s18 =	sld [smem:$0x3FFB];
	_ =	sdelay $0x3  }
0x92: {  	_ =	strace s18  }
0x93: {  	s3 =	sld [smem:$0x3FFC];
	_ =	sdelay $0x3  }
0x94: {  	_ =	strace s3  }
0x95: {  	s3 =	sld [smem:$0x3FFD];
	_ =	sdelay $0x3  }
0x96: {  	_ =	strace s3  }
0x97: {  	_ =	strace $0x8FFFFFFF  }
0x98: {  	s19 =	sld [smem:$0x3FDB];
	_ =	sdelay $0x1  }
0x99: {  	s4 =	simm.s32 $_scs_section_size  }
0x9a: {  	s5 =	simm.s32 $_size__tile_overlayer_lowered;
	s6 =	simm.s32 $_tile_overlayer_lowered  }
0x9b: {  	s22 =	simm.s32 $0x1BFF;
	s21 =	sshll.u32 s6, $0x1;
	s3 =	sadd.s32 s4, s19  }
0x9c: {  	s7 =	simm.s32 $0x0;
	s20 =	sshll.u32 s5, $0x1;
	s5 =	sadd.s32 s21, s3  }
0x9d: {  	[timem:s7], [sflag:s22] =	dma.local [hbm:s5], s20  }
0x9e: {  	_ =	swait.ge [sflag:s22], s20  }
0x9f: {  	s4 =	ssub.s32 $0x0, s20;
	[sflag:s22] =	ssyncset.done $0x0  }
0xa0: {  	[sflag:s22] =	ssyncadd.s32 s4;
	_ =	sdelay $0x1  }
0xa1: {  	s23 =	simm.s32 $0x1B8B  }
0xa2: {  	_ =	swait.ge [sflag:s23], $0x1  }
0xa3: {  	[sflag:s23] =	ssyncset.done $0x0  }
0xa4: {  	s25 =	simm.s32 $0x1B8E;
	s24 =	sld [smem:$0x3FFE];
	[sflag:s23] =	ssyncadd.s32 $0xFFFFFFFF  }
0xa5: {  	s26 =	simm.s32 $execute0_lowered;
	[smem:$0x3FD2] =	sst s25  }
0xa6: {  	s5 =	sshll.u32 s26, $0x1;
	_ =	strace $0x80000046;
	[dreg:$0x1] =	wrdreg $0xFFFFFFFF  }
0xa7: {  	s28 =	simm.s32 $_size_execute0_lowered;
	s3 =	sadd.s32 s3, s5;
	[dreg:$0x0] =	wrdreg $0x0  }
0xa8: {  	s5 =	sshll.u32 s28, $0x1;
	[dreg:$0x2] =	wrdreg s3  }
0xa9: {  	[dreg:$0x3] =	wrdreg s5  }
0xaa: {  	[dreg:$0x4] =	wrdreg $0xC0  }
0xab: {  	_ =	task [dreg:s7], $0x5FFFF  }
0xac: {  	[dreg:$0x1] =	wrdreg $0xFFFFFFFF  }
0xad: {  	[dreg:$0x0] =	wrdreg $0x60  }
0xae: {  	[dreg:$0x2] =	wrdreg s24  }
0xaf: {  	[dreg:$0x3] =	wrdreg s2  }
0xb0: {  	[dreg:$0x4] =	wrdreg $0x9  }
0xb1: {  	_ =	task.clear_ibuf [dreg:s7], $0x5FFFF;
	_ =	strace $0x90000046  }
0xb2: {  	s29 =	simm.s32 $0x9;
	_ =	strace $0x80000048  }
0xb3: {  	_ =	swait.ge [sflag:s29], $0x1  }
0xb4: {  	[sflag:s29] =	ssyncadd.s32 $0xFFFFFFFF  }
0xb5: {  	_ =	strace $0x90000048  }
0xb6: {  	_ =	sfence  }
0xb7: {  	s30 =	sld [smem:$0x0];
	_ =	sdelay $0x2  }
0xb8: {  	s31 =	sshll.u32 s1, $0xD;
	s1 =	sshrl.u32 s1, $0x2  }
0xb9: {  	s3 =	sand.u32 $0x4000, s31;
	s1 =	sadd.s32 s1, s30  }
0xba: {  	s0 =	sor.u32 s3, s0;
	s1 =	sshll.u32 s1, $0x11  }
0xbb: {  	s0 =	sor.u32 s1, s0  }
0xbc: {  	s0 =	sadd.s32 $0x8F2B, s0  }
0xbd: {  	[sflag:s0] =	ssyncadd.remote.s32 $0x1  }
0xbe: {  	_ =	sfence.sel $0xFFFF  }
0xbf: {  	[dreg:$0x0] =	wrdreg $0xFFFFFFFF;
	(pc) =	sbr.abs _section_cstart, $3  }
0xc0: {  	[dreg:$0x1] =	wrdreg $0xFFFFFFFF  }
0xc1: {  	_ =	task.clear_ibuf [dreg:s7], $0x2FFFF;
	_ =	strace $0x9FFFFFFF  }
0xc2: {  	(tm) =	ssettm $0x7FFFFFFF  }
0xc3: {  	_ =	shalt  }
tec
execute0_lowered:
.L_overlay_start_1:
0x0: {  	(tag) =	ssettag $0x1  }
0x1: {  	s0 =	srdreg.scid  }
0x2: {  	s2 =	stileid.u32;
	s1 =	rddreg [dreg:$0x0];
	s16 =	simm.s32 $0x80  }
0x3: {  	s17 =	simm.s32 $0x1900;
	s18 =	simm.s32 $0x3900;
	s28 =	simm.s32 $0xBB00  }
0x4: {  	s29 =	simm.s32 $0x3;
	s30 =	simm.s32 $0x5;
	s31 =	simm.s32 $0x4  }
0x5: {  	s0 =	sand.u32 $0x1, s0;
	s3 =	sshll.u32 s2, $0x1;
	s2 =	rddreg [dreg:$0x1]  }
0x6: {  	s6 =	sor.u32 s0, s3;
	s3 =	simm.s32 $0x0;
	s0 =	ssub.s32 $0x2, s0  }
0x7: {  	s4 =	smul.u32 $0x320, s6;
	[smem:$0x7FF] =	sst s3;
	s8 =	sshrl.u32 s0, $0x1  }
0x8: {  	s5 =	smul.u32 $0x32, s6;
	s6 =	sshll.u32 s6, $0x8;
	_ =	strace $0x80000047  }
0x9: {  	s0 =	ssub.s32 s0, s8;
	s6 =	sand.u32 $0x300, s6;
	s7 =	sadd.s32 s4, s1  }
0xa: {  	s4 =	sadd.s32 $0x7000, s1;
	s1 =	sadd.s32 $0x400, s1;
	s8 =	sadd.s32 $0x32, s5  }
0xb: {  	s21 =	sadd.s32 $0x30, s5;
	s6 =	sadd.s32 s2, s6;
	s11 =	sadd.s32 $0x31, s5  }
0xc: {  	s0 =	smax.u32 s0, $0x1;
	[dreg:$0x3] =	wrdreg s1;
	s20 =	sadd.s32 $0xC00, s7  }
0xd: {  	s22 =	sshll.u32 s21, $0x3;
	s1 =	sshll.u32 s21, $0xA;
	s23 =	sshll.u32 s11, $0x7  }
0xe: {  	s24 =	sshll.u32 s11, $0x3;
	s25 =	sshll.u32 s11, $0xA;
	[dreg:$0x6] =	wrdreg s0  }
0xf: {  	s0 =	simm.s32 $0x0;
	[dreg:$0x4] =	wrdreg s20;
	s1 =	sand.u32 $0x3FE000, s1  }
0x10: {  	v0 =	vlaneseq.u32;
	s7 =	sand.u32 $0x7FC0, s22;
	s11 =	sand.u32 $0x7FC0, s24;
	s26 =	sand.u32 $0x3FE000, s25  }
0x11: {  	v0 =	vmul.u32 $0x88, v0;
	s24 =	simm.s32 $0x1;
	s10 =	sadd.s32 s1, s6;
	s1 =	sand.u32 $0x380, s23  }
0x12: {  	s25 =	simm.s32 $0x9900;
	[dreg:$0x5] =	wrdreg s7;
	s1 =	sadd.s32 s2, s1  }
0x13: {  	v1 =	vadd.s32 $0x880, v0;
	v2 =	vadd.s32 $0x1100, v0;
	v3 =	vadd.s32 $0x1980, v0;
	s12 =	sadd.s32 s26, s1;
	s26 =	simm.s32 $0x2;
	s1 =	simm.s32 $0x6  }
.LBB2_1:
0x14: {  	s6 =	rddreg [dreg:$0x4];
	s14 =	simm.s32 $0x8  }
0x15: {  	[tilespmem:s3], [sflag:$0x8] =	stream.linear.gather [hbm4b:s6+s3], $0x1900, $0x38;
	[tilespmem:$0x10F00] =	vst v63  }
0x16: {  	_ =	swait.ge [sflag:s14], $0x1900  }
0x17: {  	[sflag:s14] =	ssyncset.done $0x0  }
0x18: {  	s7 =	simm.s32 $0xDD00;
	s15 =	rddreg [dreg:$0x3];
	[sflag:s14] =	ssyncadd.s32 $0xFFFFE700  }
0x19: {  	[tilespmem:s7], [sflag:$0x7] =	stream.linear.gather [hbm4b:s15+s3], $0x3200, $0x38;
	[tilespmem:$0x10F00] =	vst v63  }
0x1a: {  	_ = 	snop  }
0x1b: {  	[tilespmem:s17], [sflag:$0x1] =	stream.indirect.gather [hbm4b:s4+s16], $0x40, s3, s16, $0xb8;
	[tilespmem:$0x10F00] =	vst v63  }
0x1c: {  	_ = 	snop  }
0x1d: {  	[tilespmem:s18], [sflag:$0x2] =	stream.indirect.gather [hbm4b:s4+s16], $0x40, s16, s16, $0xb8;
	[tilespmem:$0x10F00] =	vst v63  }
0x1e: {  	s19 =	simm.s32 $0x100;
	s20 =	simm.s32 $0x5900  }
0x1f: {  	[tilespmem:s20], [sflag:$0x3] =	stream.indirect.gather [hbm4b:s4+s16], $0x40, s19, s16, $0xb8;
	[tilespmem:$0x10F00] =	vst v63  }
0x20: {  	s21 =	simm.s32 $0x180;
	s22 =	simm.s32 $0x7900;
	s23 =	simm.s32 $0x7  }
0x21: {  	[tilespmem:s22], [sflag:$0x4] =	stream.indirect.gather [hbm4b:s4+s16], $0x40, s21, s16, $0xb8;
	[tilespmem:$0x10F00] =	vst v63  }
0x22: {  	_ =	swait.ge [sflag:s23], $0x3200  }
0x23: {  	[sflag:s23] =	ssyncset.done $0x0  }
0x24: {  	s15 =	simm.s32 $0x0;
	[sflag:s23] =	ssyncadd.s32 $0xFFFFCE00  }
.LBB2_2:
0x25: {  	_ =	swait.ge [sflag:s24], $0x2000  }
0x26: {  	p0 =	seq.s32 s15, $0x0;
	[sflag:s24] =	ssyncset.done $0x0  }
0x27: {  	s6 =	sshll.u32 s15, $0x2;
	s7 =	simm.s32 @!p0 $0x5;
	[sflag:s24] =	ssyncadd.s32 $0xFFFFE000  }
0x28: {  	s19 =	sadd.s32 s5, s6;
	_ =	swait.ge @!p0 [sflag:s7], $0x2000  }
0x29: {  	s6 =	sshll.u32 s19, $0x3;
	[sflag:s7] =	ssyncset.done @!p0 $0x0  }
0x2a: {  	s20 =	sand.u32 $0x3FFFFFC0, s6;
	[sflag:s7] =	ssyncadd.s32 @!p0 $0xFFFFE000  }
0x2b: {  	s13 =	simm.s32 $0x1980;
	s14 =	simm.s32 $0x3;
	v9 =	vld [tilespmem:s20+$0xDD00]  }
0x2c: {  	v4 =	vmov s14;
	v7 =	vld [tilespmem:s13+$0x40]  }
0x2d: {  	v13 =	vand.u32 $0x7F, v4  }
0x2e: {  	s21 =	simm.s32 $0x0;
	v8 =	vadd.s32 v0, v13;
	v6 =	vld [tilespmem:s20+$0xDD10]  }
0x2f: {  	s22 =	simm.s32 $0x1;
	s23 =	simm.s32 $0x2;
	v4 =	vmov s21;
	v10 =	vld [tilespmem:s13+$0xFFFFFF80]  }
0x30: {  	v14 =	vmov s23;
	v12 =	vand.u32 $0x7C, v4;
	v4 =	vmov s22;
	v11 =	vld [tilespmem:s13+$0xFFFFFFC0]  }
0x31: {  	v15 =	vadd.s32 v0, v12;
	v19 =	vand.u32 $0x7D, v4;
	v16 =	vld [tilespmem:s13+$0x0];
	v7 =	vadd.f32 v7, v9  }
0x32: {  	v20 =	vand.u32 $0x7E, v14;
	v17 =	vadd.s32 v0, v19;
	v5 =	vld [tilespmem:s20+$0xDD20]  }
0x33: {  	v14 =	vadd.s32 v0, v20;
	v4 =	vld [tilespmem:s20+$0xDD30];
	[tilespmem:v8+s25+$0x0] =	vst.idx.msk $0xffff, v7  }
0x34: {  	v7 =	vadd.f32 v10, v9;
	v8 =	vld [tilespmem:s13+$0x50]  }
0x35: {  	v10 =	vadd.f32 v11, v9  }
0x36: {  	v11 =	vadd.s32 v1, v13;
	[tilespmem:v15+s25+$0x0] =	vst.idx.msk $0xffff, v7;
	v7 =	vadd.f32 v16, v9  }
0x37: {  	[tilespmem:v17+s25+$0x0] =	vst.idx.msk $0xffff, v10;
	v15 =	vld [tilespmem:s13+$0xFFFFFF90]  }
0x38: {  	v10 =	vld [tilespmem:s13+$0xFFFFFFD0];
	[tilespmem:v14+s25+$0x0] =	vst.idx.msk $0xffff, v7  }
0x39: {  	v14 =	vld [tilespmem:s13+$0x10];
	v7 =	vadd.f32 v8, v6  }
0x3a: {  	s14 =	simm.s32 $0x7;
	s6 =	simm.s32 $0x1A80;
	v16 =	vadd.s32 v1, v19  }
0x3b: {  	s9 =	simm.s32 $0x4;
	v26 =	vadd.s32 v2, v13;
	v18 =	vld [tilespmem:s6+$0x40];
	v17 =	vadd.s32 v1, v20;
	[tilespmem:v11+s25+$0x0] =	vst.idx.msk $0xffff, v7;
	v7 =	vmov s14  }
0x3c: {  	v21 =	vadd.s32 v1, v12;
	v8 =	vmov s9;
	v7 =	vand.u32 $0x7F, v7;
	v22 =	vld [tilespmem:s13+$0x60]  }
0x3d: {  	s21 =	simm.s32 $0x5;
	v23 =	vld [tilespmem:s6+$0xFFFFFF80];
	v8 =	vand.u32 $0x7C, v8;
	v10 =	vadd.f32 v10, v6;
	v24 =	vadd.s32 v0, v7  }
0x3e: {  	s22 =	simm.s32 $0x6;
	v25 =	vld [tilespmem:s6+$0xFFFFFFC0];
	v15 =	vadd.f32 v15, v6;
	v11 =	vadd.f32 v14, v6;
	v14 =	vmov s21  }
0x3f: {  	v27 =	vadd.s32 v0, v8;
	[tilespmem:v16+s25+$0x0] =	vst.idx.msk $0xffff, v10;
	v16 =	vmov s22;
	v10 =	vand.u32 $0x7D, v14;
	v14 =	vld [tilespmem:s6+$0x0]  }
0x40: {  	[tilespmem:v17+s25+$0x0] =	vst.idx.msk $0xffff, v11;
	v17 =	vadd.s32 v0, v10;
	v11 =	vand.u32 $0x7E, v16;
	v16 =	vadd.f32 v18, v9;
	v18 =	vld [tilespmem:s13+$0xFFFFFFE0]  }
0x41: {  	[tilespmem:v21+s25+$0x0] =	vst.idx.msk $0xffff, v15;
	v15 =	vadd.s32 v0, v11;
	v21 =	vld [tilespmem:s13+$0x20];
	v22 =	vadd.f32 v22, v5  }
0x42: {  	v23 =	vadd.f32 v23, v9;
	[tilespmem:v24+s25+$0x0] =	vst.idx.msk $0xffff, v16;
	v16 =	vld [tilespmem:s13+$0xFFFFFFA0];
	v24 =	vadd.s32 v2, v19  }
0x43: {  	v29 =	vadd.s32 v2, v20;
	v25 =	vadd.f32 v25, v9;
	v28 =	vld [tilespmem:s6+$0x50];
	[tilespmem:v26+s25+$0x0] =	vst.idx.msk $0xffff, v22  }
0x44: {  	[tilespmem:v27+s25+$0x0] =	vst.idx.msk $0xffff, v23;
	v23 =	vadd.s32 v2, v12;
	v14 =	vadd.f32 v14, v9;
	v26 =	vld [tilespmem:s13+$0x70]  }
0x45: {  	v27 =	vld [tilespmem:s6+$0xFFFFFF90];
	[tilespmem:v17+s25+$0x0] =	vst.idx.msk $0xffff, v25;
	v25 =	vadd.s32 v1, v7;
	v18 =	vadd.f32 v18, v5  }
0x46: {  	v31 =	vadd.s32 v3, v13;
	v30 =	vld [tilespmem:s6+$0xFFFFFFD0];
	[tilespmem:v15+s25+$0x0] =	vst.idx.msk $0xffff, v14;
	v14 =	vadd.f32 v21, v5  }
0x47: {  	v22 =	vadd.s32 v1, v8;
	v17 =	vld [tilespmem:s6+$0x10];
	v13 =	vadd.f32 v16, v5;
	[tilespmem:v24+s25+$0x0] =	vst.idx.msk $0xffff, v18  }
0x48: {  	s7 =	simm.s32 $0x8;
	v21 =	vadd.s32 v1, v10;
	[tilespmem:v29+s25+$0x0] =	vst.idx.msk $0xffff, v14;
	v18 =	vadd.f32 v28, v6;
	v16 =	vld [tilespmem:s13+$0xFFFFFFF0]  }
0x49: {  	v24 =	vmov s7;
	v14 =	vadd.s32 v1, v11;
	v15 =	vld [tilespmem:s13+$0x30];
	[tilespmem:v23+s25+$0x0] =	vst.idx.msk $0xffff, v13;
	v63 =	vadd.f32 v26, v4  }
0x4a: {  	s23 =	simm.s32 $0xB;
	s21 =	simm.s32 $0x1B80;
	v19 =	vadd.s32 v3, v19;
	v13 =	vand.u32 $0x7C, v24;
	v24 =	vadd.f32 v27, v6;
	[tilespmem:v25+s25+$0x0] =	vst.idx.msk $0xffff, v18;
	v18 =	vld [tilespmem:s13+$0xFFFFFFB0]  }
0x4b: {  	v20 =	vadd.s32 v3, v20;
	s22 =	sshrl.u32 s19, $0x3;
	v26 =	vmov s23;
	v23 =	vld [tilespmem:s21+$0x40];
	s13 =	simm.s32 $0xC;
	v25 =	vadd.f32 v30, v6;
	[tilespmem:v31+s25+$0x0] =	vst.idx.msk $0xffff, v63  }
.LBB2_3:
0x4c: {  	p1 =	slt.u32 s13, $0x7C;
	s14 =	sadd.s32 $0x1, s7;
	v26 =	vand.u32 $0x7F, v26;
	[tilespmem:v22+s25+$0x0] =	vst.idx.msk $0xffff, v24;
	v17 =	vadd.f32 v17, v6;
	v22 =	vld [tilespmem:s6+$0x60];
	v24 =	vadd.s32 v3, v12  }
0x4d: {  	v30 =	vmovc v11;
	v27 =	vld [tilespmem:s21+$0xFFFFFF80];
	v28 =	vmov s14;
	s14 =	sadd.s32 $0x2, s7;
	v29 =	vadd.s32 v0, v26;
	[tilespmem:v21+s25+$0x0] =	vst.idx.msk $0xffff, v25;
	v16 =	vadd.f32 v16, v4;
	s7 =	smov.u32 s13  }
0x4e: {  	v12 =	vmovc v8;
	v21 =	vld [tilespmem:s21+$0xFFFFFFC0];
	v11 =	vmov s14;
	[tilespmem:v14+s25+$0x0] =	vst.idx.msk $0xffff, v17;
	v14 =	vadd.s32 v2, v7;
	v15 =	vadd.f32 v15, v4  }
0x4f: {  	v17 =	vadd.s32 v0, v13;
	v28 =	vand.u32 $0x7D, v28;
	v25 =	vld [tilespmem:s21+$0x0];
	v31 =	vadd.f32 v18, v4;
	[tilespmem:v19+s25+$0x0] =	vst.idx.msk $0xffff, v16  }
0x50: {  	v16 =	vadd.s32 v0, v28;
	v11 =	vand.u32 $0x7E, v11;
	v18 =	vadd.f32 v23, v9;
	v19 =	vld [tilespmem:s6+$0xFFFFFFE0];
	[tilespmem:v20+s25+$0x0] =	vst.idx.msk $0xffff, v15  }
0x51: {  	v8 =	vmov v13;
	v15 =	vadd.s32 v0, v11;
	v20 =	vld [tilespmem:s6+$0x20];
	v22 =	vadd.f32 v22, v5;
	[tilespmem:v24+s25+$0x0] =	vst.idx.msk $0xffff, v31  }
0x52: {  	v23 =	vadd.s32 v2, v10;
	v13 =	vadd.f32 v27, v9;
	[tilespmem:v29+s25+$0x0] =	vst.idx.msk $0xffff, v18;
	v18 =	vld [tilespmem:s6+$0xFFFFFFA0]  }
0x53: {  	v27 =	vadd.s32 v2, v30;
	v21 =	vadd.f32 v21, v9;
	v24 =	vld [tilespmem:s21+$0x50];
	[tilespmem:v14+s25+$0x0] =	vst.idx.msk $0xffff, v22  }
0x54: {  	[tilespmem:v17+s25+$0x0] =	vst.idx.msk $0xffff, v13;
	v13 =	vadd.f32 v25, v9;
	v25 =	vadd.s32 v2, v12;
	v29 =	vld [tilespmem:s6+$0x70]  }
0x55: {  	v32 =	vadd.s32 v1, v26;
	v31 =	vld [tilespmem:s21+$0xFFFFFF90];
	[tilespmem:v16+s25+$0x0] =	vst.idx.msk $0xffff, v21;
	v14 =	vadd.f32 v19, v5  }
0x56: {  	v34 =	vadd.s32 v3, v7;
	v7 =	vmov v26;
	v33 =	vld [tilespmem:s21+$0xFFFFFFD0];
	[tilespmem:v15+s25+$0x0] =	vst.idx.msk $0xffff, v13;
	v13 =	vadd.f32 v20, v5  }
.Ltmp0:
0x57: {  	v22 =	vadd.s32 v1, v8;
	v17 =	vld [tilespmem:s21+$0x10];
	v15 =	vadd.f32 v18, v5;
	[tilespmem:v23+s25+$0x0] =	vst.idx.msk $0xffff, v14;
	(pc) =	sbr.rel @p1 .LBB2_3-.Ltmp0, $4  }
0x58: {  	v21 =	vadd.s32 v1, v28;
	v18 =	vadd.f32 v24, v6;
	v16 =	vld [tilespmem:s6+$0xFFFFFFF0];
	[tilespmem:v27+s25+$0x0] =	vst.idx.msk $0xffff, v13  }
0x59: {  	v14 =	vadd.s32 v1, v11;
	v13 =	vmov s13;
	[tilespmem:v25+s25+$0x0] =	vst.idx.msk $0xffff, v15;
	v15 =	vld [tilespmem:s6+$0x30];
	v27 =	vadd.f32 v29, v4  }
0x5a: {  	s14 =	sadd.s32 $0x3, s13;
	v19 =	vadd.s32 v3, v10;
	v13 =	vand.u32 $0x7C, v13;
	v24 =	vadd.f32 v31, v6;
	[tilespmem:v32+s25+$0x0] =	vst.idx.msk $0xffff, v18;
	v18 =	vld [tilespmem:s6+$0xFFFFFFB0];
	s6 =	smov.u32 s21;
	s21 =	sadd.s32 $0x100, s21  }
0x5b: {  	v26 =	vmov s14;
	v10 =	vmovc v28;
	v20 =	vadd.s32 v3, v30;
	s13 =	sadd.s32 $0x4, s13;
	v23 =	vld [tilespmem:s21+$0x40];
	v25 =	vadd.f32 v33, v6;
	[tilespmem:v34+s25+$0x0] =	vst.idx.msk $0xffff, v27  }
0x5c: {  	s13 =	sadd.s32 $0x1, s7  }
0x5d: {  	v26 =	vand.u32 $0x7F, v26;
	s9 =	sadd.s32 $0x2, s7;
	v28 =	vld [tilespmem:s21+$0xFFFFFFC0];
	v27 =	vmov s13  }
0x5e: {  	v31 =	vld [tilespmem:s21+$0x0];
	v29 =	vadd.s32 v0, v26;
	v30 =	vmov s9;
	v27 =	vand.u32 $0x7D, v27  }
0x5f: {  	v32 =	vld [tilespmem:s21+$0xFFFFFF80];
	v30 =	vand.u32 $0x7E, v30;
	v33 =	vadd.s32 v0, v27  }
0x60: {  	v34 =	vadd.s32 v0, v30  }
0x61: {  	[tilespmem:v22+s25+$0x0] =	vst.idx.msk $0xffff, v24;
	v44 =	vadd.s32 v0, v13;
	v23 =	vadd.f32 v23, v9  }
0x62: {  	[tilespmem:v21+s25+$0x0] =	vst.idx.msk $0xffff, v25;
	v45 =	vadd.f32 v28, v9  }
0x63: {  	v46 =	vadd.f32 v31, v9;
	[tilespmem:v29+s25+$0x0] =	vst.idx.msk $0xffff, v23  }
0x64: {  	v47 =	vadd.f32 v32, v9;
	v48 =	vld [tilespmem:s21+$0x50];
	[tilespmem:v33+s25+$0x0] =	vst.idx.msk $0xffff, v45  }
0x65: {  	v17 =	vadd.f32 v17, v6;
	v12 =	vadd.s32 v3, v12;
	[tilespmem:v34+s25+$0x0] =	vst.idx.msk $0xffff, v46;
	v21 =	vld [tilespmem:s21+$0xFFFFFFD0]  }
0x66: {  	v16 =	vadd.f32 v16, v4;
	v49 =	vadd.s32 v1, v26;
	[tilespmem:v44+s25+$0x0] =	vst.idx.msk $0xffff, v47;
	v50 =	vld [tilespmem:s21+$0x10]  }
0x67: {  	[tilespmem:v14+s25+$0x0] =	vst.idx.msk $0xffff, v17;
	v51 =	vadd.f32 v15, v4;
	v53 =	vadd.s32 v1, v27;
	v52 =	vld [tilespmem:s21+$0xFFFFFF90]  }
0x68: {  	v54 =	vld [tilespmem:s6+$0x60];
	v18 =	vadd.f32 v18, v4;
	[tilespmem:v19+s25+$0x0] =	vst.idx.msk $0xffff, v16;
	v55 =	vadd.s32 v1, v30  }
0x69: {  	v57 =	vadd.s32 v1, v13;
	v60 =	vld [tilespmem:s6+$0x20];
	[tilespmem:v20+s25+$0x0] =	vst.idx.msk $0xffff, v51;
	v58 =	vadd.f32 v48, v6  }
0x6a: {  	v59 =	vadd.s32 v2, v7;
	v56 =	vld [tilespmem:s6+$0xFFFFFFE0];
	[tilespmem:v12+s25+$0x0] =	vst.idx.msk $0xffff, v18;
	v61 =	vadd.f32 v21, v6  }
0x6b: {  	v62 =	vld [tilespmem:s6+$0xFFFFFFA0];
	v29 =	vadd.s32 v2, v11;
	[tilespmem:v49+s25+$0x0] =	vst.idx.msk $0xffff, v58;
	v28 =	vadd.f32 v50, v6  }
0x6c: {  	v63 =	vadd.s32 v2, v10;
	v31 =	vadd.f32 v52, v6;
	v32 =	vld [tilespmem:s21+$0x60];
	[tilespmem:v53+s25+$0x0] =	vst.idx.msk $0xffff, v61  }
0x6d: {  	v33 =	vadd.f32 v54, v5;
	v34 =	vadd.s32 v2, v8;
	[tilespmem:v55+s25+$0x0] =	vst.idx.msk $0xffff, v28;
	v35 =	vld [tilespmem:s21+$0xFFFFFFE0]  }
0x6e: {  	v37 =	vadd.s32 v2, v26;
	v39 =	vadd.f32 v60, v5;
	[tilespmem:v57+s25+$0x0] =	vst.idx.msk $0xffff, v31;
	v38 =	vld [tilespmem:s21+$0x20]  }
0x6f: {  	v41 =	vadd.s32 v2, v27;
	v36 =	vadd.f32 v56, v5;
	[tilespmem:v59+s25+$0x0] =	vst.idx.msk $0xffff, v33;
	v40 =	vld [tilespmem:s21+$0xFFFFFFA0]  }
0x70: {  	v43 =	vadd.s32 v2, v30;
	v18 =	vadd.f32 v62, v5;
	v42 =	vld [tilespmem:s6+$0x70];
	[tilespmem:v29+s25+$0x0] =	vst.idx.msk $0xffff, v39  }
0x71: {  	v45 =	vadd.s32 v2, v13;
	[tilespmem:v63+s25+$0x0] =	vst.idx.msk $0xffff, v36;
	v47 =	vld [tilespmem:s6+$0x30];
	v44 =	vadd.f32 v32, v5  }
0x72: {  	v46 =	vadd.s32 v3, v7;
	[tilespmem:v34+s25+$0x0] =	vst.idx.msk $0xffff, v18;
	v21 =	vld [tilespmem:s6+$0xFFFFFFF0];
	v9 =	vadd.f32 v35, v5  }
0x73: {  	v18 =	vld [tilespmem:s6+$0xFFFFFFB0];
	v50 =	vadd.s32 v3, v11;
	[tilespmem:v37+s25+$0x0] =	vst.idx.msk $0xffff, v44;
	v49 =	vadd.f32 v38, v5  }
0x74: {  	v48 =	vadd.s32 v3, v10;
	v5 =	vadd.f32 v40, v5;
	v12 =	vld [tilespmem:s21+$0x70];
	[tilespmem:v41+s25+$0x0] =	vst.idx.msk $0xffff, v9  }
0x75: {  	v52 =	vadd.s32 v3, v8;
	v51 =	vadd.f32 v42, v4;
	[tilespmem:v43+s25+$0x0] =	vst.idx.msk $0xffff, v49;
	v53 =	vld [tilespmem:s21+$0xFFFFFFF0]  }
0x76: {  	v55 =	vadd.s32 v3, v26;
	v56 =	vadd.f32 v47, v4;
	[tilespmem:v45+s25+$0x0] =	vst.idx.msk $0xffff, v5;
	v5 =	vld [tilespmem:s21+$0x30]  }
0x77: {  	v58 =	vadd.s32 v3, v27;
	[tilespmem:v46+s25+$0x0] =	vst.idx.msk $0xffff, v51;
	v54 =	vadd.f32 v21, v4;
	v57 =	vld [tilespmem:s21+$0xFFFFFFB0]  }
0x78: {  	v60 =	vadd.s32 v3, v30;
	v59 =	vadd.f32 v18, v4;
	[tilespmem:v50+s25+$0x0] =	vst.idx.msk $0xffff, v56  }
0x79: {  	v62 =	vadd.s32 v3, v13;
	[tilespmem:v48+s25+$0x0] =	vst.idx.msk $0xffff, v54;
	v61 =	vadd.f32 v12, v4  }
0x7a: {  	[tilespmem:v52+s25+$0x0] =	vst.idx.msk $0xffff, v59;
	v63 =	vadd.f32 v53, v4  }
0x7b: {  	s13 =	sshll.u32 s19, $0x7;
	[tilespmem:v55+s25+$0x0] =	vst.idx.msk $0xffff, v61;
	v5 =	vadd.f32 v5, v4  }
0x7c: {  	s21 =	sand.u32 $0x300, s13;
	v4 =	vadd.f32 v57, v4;
	[tilespmem:v58+s25+$0x0] =	vst.idx.msk $0xffff, v63  }
0x7d: {  	s22 =	sshll.u32 s22, $0xD;
	s6 =	sadd.s32 s2, s21;
	[tilespmem:v60+s25+$0x0] =	vst.idx.msk $0xffff, v5  }
0x7e: {  	s14 =	simm.s32 $0x9900;
	s7 =	sadd.s32 s22, s6;
	[tilespmem:v62+s25+$0x0] =	vst.idx.msk $0xffff, v4  }
0x7f: {  	[hbm4b:s7+s3] =	stream.linear.scatter [tilespmem:s14], [sflag:$0x5], $0x80, $0x38;
	[tilespmem:$0x10F00] =	vst v63  }
0x80: {  	s23 =	simm.s32 $0x9988;
	s9 =	sadd.s32 $0x10, s7  }
0x81: {  	[hbm4b:s9+s3] =	stream.linear.scatter [tilespmem:s23], [sflag:$0x5], $0x80, $0x38;
	[tilespmem:$0x10F00] =	vst v63  }
0x82: {  	s13 =	simm.s32 $0x9A10;
	s14 =	sadd.s32 $0x20, s7  }
0x83: {  	[hbm4b:s14+s3] =	stream.linear.scatter [tilespmem:s13], [sflag:$0x5], $0x80, $0x38;
	[tilespmem:$0x10F00] =	vst v63  }
0x84: {  	s23 =	simm.s32 $0x9A98;
	s9 =	sadd.s32 $0x30, s7  }
0x85: {  	[hbm4b:s9+s3] =	stream.linear.scatter [tilespmem:s23], [sflag:$0x5], $0x80, $0x38;
	[tilespmem:$0x10F00] =	vst v63  }
0x86: {  	s13 =	simm.s32 $0x9B20;
	s14 =	sadd.s32 $0x40, s7  }
0x87: {  	[hbm4b:s14+s3] =	stream.linear.scatter [tilespmem:s13], [sflag:$0x5], $0x80, $0x38;
	[tilespmem:$0x10F00] =	vst v63  }
0x88: {  	s6 =	simm.s32 $0x440;
	s23 =	simm.s32 $0x9BA8;
	s9 =	sadd.s32 $0x50, s7  }
0x89: {  	[hbm4b:s9+s3] =	stream.linear.scatter [tilespmem:s23], [sflag:$0x5], $0x80, $0x38;
	[tilespmem:$0x10F00] =	vst v63  }
0x8a: {  	s14 =	simm.s32 $0x9C30;
	s13 =	simm.s32 $0x2200;
	s23 =	sadd.s32 $0x60, s7  }
0x8b: {  	[hbm4b:s23+s3] =	stream.linear.scatter [tilespmem:s14], [sflag:$0x5], $0x80, $0x38;
	[tilespmem:$0x10F00] =	vst v63  }
0x8c: {  	s14 =	simm.s32 $0x9CB8;
	s23 =	sadd.s32 $0x70, s7;
	s7 =	sadd.s32 $0x400, s7  }
.LBB2_5:
0x8d: {  	[hbm4b:s23+s3] =	stream.linear.scatter [tilespmem:s14], [sflag:$0x5], $0x80, $0x38;
	[tilespmem:$0x10F00] =	vst v63  }
0x8e: {  	s14 =	smov.u32 s6;
	s6 =	smov.u32 s13  }
0x8f: {  	s9 =	sadd.s32 $0x1100, s13;
	s6 =	sshra.s32 s6, $0x2;
	s23 =	sadd.s32 $0x9900, s14  }
0x90: {  	[hbm4b:s7+s3] =	stream.linear.scatter [tilespmem:s23], [sflag:$0x5], $0x80, $0x38;
	[tilespmem:$0x10F00] =	vst v63  }
0x91: {  	p1 =	sne.s32 s13, $0x7700;
	s13 =	sadd.s32 $0x9988, s14;
	s23 =	sadd.s32 $0x10, s7  }
0x92: {  	[hbm4b:s23+s3] =	stream.linear.scatter [tilespmem:s13], [sflag:$0x5], $0x80, $0x38;
	[tilespmem:$0x10F00] =	vst v63  }
0x93: {  	s13 =	sadd.s32 $0x9A10, s14;
	s23 =	sadd.s32 $0x20, s7  }
0x94: {  	[hbm4b:s23+s3] =	stream.linear.scatter [tilespmem:s13], [sflag:$0x5], $0x80, $0x38;
	[tilespmem:$0x10F00] =	vst v63  }
0x95: {  	s13 =	sadd.s32 $0x9A98, s14;
	s23 =	sadd.s32 $0x30, s7  }
0x96: {  	[hbm4b:s23+s3] =	stream.linear.scatter [tilespmem:s13], [sflag:$0x5], $0x80, $0x38;
	[tilespmem:$0x10F00] =	vst v63  }
0x97: {  	s13 =	sadd.s32 $0x9B20, s14;
	s23 =	sadd.s32 $0x40, s7  }
0x98: {  	[hbm4b:s23+s3] =	stream.linear.scatter [tilespmem:s13], [sflag:$0x5], $0x80, $0x38;
	[tilespmem:$0x10F00] =	vst v63  }
.Ltmp1:
0x99: {  	s13 =	sadd.s32 $0x9BA8, s14;
	s23 =	sadd.s32 $0x50, s7;
	(pc) =	sbr.rel @p1 .LBB2_5-.Ltmp1, $4  }
0x9a: {  	[hbm4b:s23+s3] =	stream.linear.scatter [tilespmem:s13], [sflag:$0x5], $0x80, $0x38;
	[tilespmem:$0x10F00] =	vst v63  }
0x9b: {  	s13 =	sadd.s32 $0x9C30, s14;
	s23 =	sadd.s32 $0x60, s7;
	s14 =	sadd.s32 $0x9CB8, s14  }
0x9c: {  	[hbm4b:s23+s3] =	stream.linear.scatter [tilespmem:s13], [sflag:$0x5], $0x80, $0x38;
	[tilespmem:$0x10F00] =	vst v63  }
0x9d: {  	s23 =	sadd.s32 $0x70, s7;
	s7 =	sadd.s32 $0x400, s7;
	s13 =	smov.u32 s9  }
0x9e: {  	[hbm4b:s23+s3] =	stream.linear.scatter [tilespmem:s14], [sflag:$0x5], $0x80, $0x38;
	[tilespmem:$0x10F00] =	vst v63  }
0x9f: {  	s9 =	sadd.s32 $0x9900, s6  }
0xa0: {  	[hbm4b:s7+s3] =	stream.linear.scatter [tilespmem:s9], [sflag:$0x5], $0x80, $0x38;
	[tilespmem:$0x10F00] =	vst v63  }
0xa1: {  	s23 =	sadd.s32 $0x9988, s6;
	s13 =	sadd.s32 $0x10, s7  }
0xa2: {  	[hbm4b:s13+s3] =	stream.linear.scatter [tilespmem:s23], [sflag:$0x5], $0x80, $0x38;
	[tilespmem:$0x10F00] =	vst v63  }
0xa3: {  	s14 =	sadd.s32 $0x9A10, s6;
	s23 =	sadd.s32 $0x20, s7  }
0xa4: {  	[hbm4b:s23+s3] =	stream.linear.scatter [tilespmem:s14], [sflag:$0x5], $0x80, $0x38;
	[tilespmem:$0x10F00] =	vst v63  }
0xa5: {  	s14 =	sadd.s32 $0x9A98, s6;
	s23 =	sadd.s32 $0x30, s7  }
0xa6: {  	[hbm4b:s23+s3] =	stream.linear.scatter [tilespmem:s14], [sflag:$0x5], $0x80, $0x38;
	[tilespmem:$0x10F00] =	vst v63  }
0xa7: {  	s14 =	sadd.s32 $0x9B20, s6;
	s23 =	sadd.s32 $0x40, s7  }
0xa8: {  	[hbm4b:s23+s3] =	stream.linear.scatter [tilespmem:s14], [sflag:$0x5], $0x80, $0x38;
	[tilespmem:$0x10F00] =	vst v63  }
0xa9: {  	s14 =	sadd.s32 $0x9BA8, s6;
	s23 =	sadd.s32 $0x50, s7  }
0xaa: {  	[hbm4b:s23+s3] =	stream.linear.scatter [tilespmem:s14], [sflag:$0x5], $0x80, $0x38;
	[tilespmem:$0x10F00] =	vst v63  }
0xab: {  	s13 =	sadd.s32 $0x9C30, s6;
	s14 =	sadd.s32 $0x60, s7  }
0xac: {  	[hbm4b:s14+s3] =	stream.linear.scatter [tilespmem:s13], [sflag:$0x5], $0x80, $0x38;
	[tilespmem:$0x10F00] =	vst v63  }
0xad: {  	s13 =	sshll.u32 s15, $0xB  }
0xae: {  	s9 =	sadd.s32 $0x70, s7;
	s23 =	sadd.s32 $0x9CB8, s6;
	s6 =	sshra.s32 s13, $0x2  }
0xaf: {  	[hbm4b:s9+s3] =	stream.linear.scatter [tilespmem:s23], [sflag:$0x5], $0x80, $0x38;
	[tilespmem:$0x10F00] =	vst v63  }
0xb0: {  	s14 =	sadd.s32 $0x200, s6  }
0xb1: {  	[tilespmem:s17], [sflag:$0x1] =	stream.indirect.gather [hbm4b:s4+s16], $0x40, s14, s16, $0xb8;
	[tilespmem:$0x10F00] =	vst v63  }
0xb2: {  	_ =	swait.ge [sflag:s26], $0x2000  }
0xb3: {  	[sflag:s26] =	ssyncset.done $0x0  }
0xb4: {  	s7 =	simm.s32 @!p0 $0x6;
	[sflag:s26] =	ssyncadd.s32 $0xFFFFE000  }
0xb5: {  	_ =	swait.ge @!p0 [sflag:s7], $0x2000  }
0xb6: {  	[sflag:s7] =	ssyncset.done @!p0 $0x0  }
0xb7: {  	[sflag:s7] =	ssyncadd.s32 @!p0 $0xFFFFE000  }
0xb8: {  	s23 =	simm.s32 $0x3;
	s14 =	simm.s32 $0x3980;
	v9 =	vld [tilespmem:s20+$0xDD00]  }
0xb9: {  	v4 =	vmov s23;
	v7 =	vld [tilespmem:s14+$0x40]  }
0xba: {  	v13 =	vand.u32 $0x7F, v4  }
0xbb: {  	s9 =	simm.s32 $0x0;
	v8 =	vadd.s32 v0, v13;
	v6 =	vld [tilespmem:s20+$0xDD10]  }
0xbc: {  	s13 =	simm.s32 $0x1;
	s23 =	simm.s32 $0x2;
	v4 =	vmov s9;
	v10 =	vld [tilespmem:s14+$0xFFFFFF80]  }
0xbd: {  	v14 =	vmov s23;
	v12 =	vand.u32 $0x7C, v4;
	v4 =	vmov s13;
	v11 =	vld [tilespmem:s14+$0xFFFFFFC0]  }
0xbe: {  	v15 =	vadd.s32 v0, v12;
	v19 =	vand.u32 $0x7D, v4;
	v16 =	vld [tilespmem:s14+$0x0];
	v7 =	vadd.f32 v7, v9  }
0xbf: {  	v20 =	vand.u32 $0x7E, v14;
	v17 =	vadd.s32 v0, v19;
	v5 =	vld [tilespmem:s20+$0xDD20]  }
0xc0: {  	v14 =	vadd.s32 v0, v20;
	v4 =	vld [tilespmem:s20+$0xDD30];
	[tilespmem:v8+s28+$0x0] =	vst.idx.msk $0xffff, v7  }
0xc1: {  	v7 =	vadd.f32 v10, v9;
	v8 =	vld [tilespmem:s14+$0x50]  }
0xc2: {  	v10 =	vadd.f32 v11, v9  }
0xc3: {  	v11 =	vadd.s32 v1, v13;
	[tilespmem:v15+s28+$0x0] =	vst.idx.msk $0xffff, v7;
	v7 =	vadd.f32 v16, v9  }
0xc4: {  	[tilespmem:v17+s28+$0x0] =	vst.idx.msk $0xffff, v10;
	v15 =	vld [tilespmem:s14+$0xFFFFFF90]  }
0xc5: {  	v10 =	vld [tilespmem:s14+$0xFFFFFFD0];
	[tilespmem:v14+s28+$0x0] =	vst.idx.msk $0xffff, v7  }
0xc6: {  	v14 =	vld [tilespmem:s14+$0x10];
	v7 =	vadd.f32 v8, v6  }
0xc7: {  	s23 =	simm.s32 $0x7;
	s20 =	simm.s32 $0x3A80;
	v16 =	vadd.s32 v1, v19  }
0xc8: {  	s13 =	simm.s32 $0x4;
	v26 =	vadd.s32 v2, v13;
	v18 =	vld [tilespmem:s20+$0x40];
	v17 =	vadd.s32 v1, v20;
	[tilespmem:v11+s28+$0x0] =	vst.idx.msk $0xffff, v7;
	v7 =	vmov s23  }
0xc9: {  	v21 =	vadd.s32 v1, v12;
	v8 =	vmov s13;
	v7 =	vand.u32 $0x7F, v7;
	v22 =	vld [tilespmem:s14+$0x60]  }
0xca: {  	s9 =	simm.s32 $0x5;
	v23 =	vld [tilespmem:s20+$0xFFFFFF80];
	v8 =	vand.u32 $0x7C, v8;
	v10 =	vadd.f32 v10, v6;
	v24 =	vadd.s32 v0, v7  }
0xcb: {  	v25 =	vld [tilespmem:s20+$0xFFFFFFC0];
	s13 =	simm.s32 $0x6;
	v15 =	vadd.f32 v15, v6;
	v11 =	vadd.f32 v14, v6;
	v14 =	vmov s9  }
0xcc: {  	v27 =	vadd.s32 v0, v8;
	[tilespmem:v16+s28+$0x0] =	vst.idx.msk $0xffff, v10;
	v16 =	vmov s13;
	v10 =	vand.u32 $0x7D, v14;
	v14 =	vld [tilespmem:s20+$0x0]  }
0xcd: {  	[tilespmem:v17+s28+$0x0] =	vst.idx.msk $0xffff, v11;
	v17 =	vadd.s32 v0, v10;
	v11 =	vand.u32 $0x7E, v16;
	v16 =	vadd.f32 v18, v9;
	v18 =	vld [tilespmem:s14+$0xFFFFFFE0]  }
0xce: {  	[tilespmem:v21+s28+$0x0] =	vst.idx.msk $0xffff, v15;
	v15 =	vadd.s32 v0, v11;
	v21 =	vld [tilespmem:s14+$0x20];
	v22 =	vadd.f32 v22, v5  }
0xcf: {  	v23 =	vadd.f32 v23, v9;
	[tilespmem:v24+s28+$0x0] =	vst.idx.msk $0xffff, v16;
	v16 =	vld [tilespmem:s14+$0xFFFFFFA0];
	v24 =	vadd.s32 v2, v19  }
0xd0: {  	v29 =	vadd.s32 v2, v20;
	v25 =	vadd.f32 v25, v9;
	v28 =	vld [tilespmem:s20+$0x50];
	[tilespmem:v26+s28+$0x0] =	vst.idx.msk $0xffff, v22  }
0xd1: {  	[tilespmem:v27+s28+$0x0] =	vst.idx.msk $0xffff, v23;
	v23 =	vadd.s32 v2, v12;
	v14 =	vadd.f32 v14, v9;
	v26 =	vld [tilespmem:s14+$0x70]  }
0xd2: {  	v27 =	vld [tilespmem:s20+$0xFFFFFF90];
	[tilespmem:v17+s28+$0x0] =	vst.idx.msk $0xffff, v25;
	v25 =	vadd.s32 v1, v7;
	v18 =	vadd.f32 v18, v5  }
0xd3: {  	v31 =	vadd.s32 v3, v13;
	v30 =	vld [tilespmem:s20+$0xFFFFFFD0];
	[tilespmem:v15+s28+$0x0] =	vst.idx.msk $0xffff, v14;
	v14 =	vadd.f32 v21, v5  }
0xd4: {  	v22 =	vadd.s32 v1, v8;
	v17 =	vld [tilespmem:s20+$0x10];
	v13 =	vadd.f32 v16, v5;
	[tilespmem:v24+s28+$0x0] =	vst.idx.msk $0xffff, v18  }
0xd5: {  	s13 =	simm.s32 $0x8;
	v21 =	vadd.s32 v1, v10;
	[tilespmem:v29+s28+$0x0] =	vst.idx.msk $0xffff, v14;
	v18 =	vadd.f32 v28, v6;
	v16 =	vld [tilespmem:s14+$0xFFFFFFF0]  }
0xd6: {  	v24 =	vmov s13;
	v14 =	vadd.s32 v1, v11;
	v15 =	vld [tilespmem:s14+$0x30];
	[tilespmem:v23+s28+$0x0] =	vst.idx.msk $0xffff, v13;
	v63 =	vadd.f32 v26, v4  }
0xd7: {  	s7 =	simm.s32 $0x3B80;
	s23 =	simm.s32 $0xB;
	v19 =	vadd.s32 v3, v19;
	v13 =	vand.u32 $0x7C, v24;
	v24 =	vadd.f32 v27, v6;
	[tilespmem:v25+s28+$0x0] =	vst.idx.msk $0xffff, v18;
	v18 =	vld [tilespmem:s14+$0xFFFFFFB0]  }
0xd8: {  	v20 =	vadd.s32 v3, v20;
	v26 =	vmov s23;
	v23 =	vld [tilespmem:s7+$0x40];
	s14 =	simm.s32 $0xC;
	v25 =	vadd.f32 v30, v6;
	[tilespmem:v31+s28+$0x0] =	vst.idx.msk $0xffff, v63  }
.LBB2_7:
0xd9: {  	p0 =	slt.u32 s14, $0x7C;
	s9 =	sadd.s32 $0x1, s13;
	v26 =	vand.u32 $0x7F, v26;
	[tilespmem:v22+s28+$0x0] =	vst.idx.msk $0xffff, v24;
	v17 =	vadd.f32 v17, v6;
	v22 =	vld [tilespmem:s20+$0x60];
	v24 =	vadd.s32 v3, v12  }
0xda: {  	v30 =	vmovc v11;
	v27 =	vld [tilespmem:s7+$0xFFFFFF80];
	v28 =	vmov s9;
	s9 =	sadd.s32 $0x2, s13;
	v29 =	vadd.s32 v0, v26;
	[tilespmem:v21+s28+$0x0] =	vst.idx.msk $0xffff, v25;
	v16 =	vadd.f32 v16, v4;
	s13 =	smov.u32 s14  }
0xdb: {  	v12 =	vmovc v8;
	v21 =	vld [tilespmem:s7+$0xFFFFFFC0];
	v11 =	vmov s9;
	[tilespmem:v14+s28+$0x0] =	vst.idx.msk $0xffff, v17;
	v14 =	vadd.s32 v2, v7;
	v15 =	vadd.f32 v15, v4  }
0xdc: {  	v17 =	vadd.s32 v0, v13;
	v28 =	vand.u32 $0x7D, v28;
	v25 =	vld [tilespmem:s7+$0x0];
	v31 =	vadd.f32 v18, v4;
	[tilespmem:v19+s28+$0x0] =	vst.idx.msk $0xffff, v16  }
0xdd: {  	v16 =	vadd.s32 v0, v28;
	v11 =	vand.u32 $0x7E, v11;
	v18 =	vadd.f32 v23, v9;
	v19 =	vld [tilespmem:s20+$0xFFFFFFE0];
	[tilespmem:v20+s28+$0x0] =	vst.idx.msk $0xffff, v15  }
0xde: {  	v8 =	vmov v13;
	v15 =	vadd.s32 v0, v11;
	v20 =	vld [tilespmem:s20+$0x20];
	v22 =	vadd.f32 v22, v5;
	[tilespmem:v24+s28+$0x0] =	vst.idx.msk $0xffff, v31  }
0xdf: {  	v23 =	vadd.s32 v2, v10;
	v13 =	vadd.f32 v27, v9;
	[tilespmem:v29+s28+$0x0] =	vst.idx.msk $0xffff, v18;
	v18 =	vld [tilespmem:s20+$0xFFFFFFA0]  }
0xe0: {  	v27 =	vadd.s32 v2, v30;
	v21 =	vadd.f32 v21, v9;
	v24 =	vld [tilespmem:s7+$0x50];
	[tilespmem:v14+s28+$0x0] =	vst.idx.msk $0xffff, v22  }
0xe1: {  	[tilespmem:v17+s28+$0x0] =	vst.idx.msk $0xffff, v13;
	v13 =	vadd.f32 v25, v9;
	v25 =	vadd.s32 v2, v12;
	v29 =	vld [tilespmem:s20+$0x70]  }
0xe2: {  	v32 =	vadd.s32 v1, v26;
	v31 =	vld [tilespmem:s7+$0xFFFFFF90];
	[tilespmem:v16+s28+$0x0] =	vst.idx.msk $0xffff, v21;
	v14 =	vadd.f32 v19, v5  }
0xe3: {  	v34 =	vadd.s32 v3, v7;
	v7 =	vmov v26;
	v33 =	vld [tilespmem:s7+$0xFFFFFFD0];
	[tilespmem:v15+s28+$0x0] =	vst.idx.msk $0xffff, v13;
	v13 =	vadd.f32 v20, v5  }
.Ltmp2:
0xe4: {  	v22 =	vadd.s32 v1, v8;
	v17 =	vld [tilespmem:s7+$0x10];
	v15 =	vadd.f32 v18, v5;
	[tilespmem:v23+s28+$0x0] =	vst.idx.msk $0xffff, v14;
	(pc) =	sbr.rel @p0 .LBB2_7-.Ltmp2, $4  }
0xe5: {  	v21 =	vadd.s32 v1, v28;
	v18 =	vadd.f32 v24, v6;
	v16 =	vld [tilespmem:s20+$0xFFFFFFF0];
	[tilespmem:v27+s28+$0x0] =	vst.idx.msk $0xffff, v13  }
0xe6: {  	v14 =	vadd.s32 v1, v11;
	v13 =	vmov s14;
	[tilespmem:v25+s28+$0x0] =	vst.idx.msk $0xffff, v15;
	v15 =	vld [tilespmem:s20+$0x30];
	v27 =	vadd.f32 v29, v4  }
0xe7: {  	s9 =	sadd.s32 $0x3, s14;
	v19 =	vadd.s32 v3, v10;
	v13 =	vand.u32 $0x7C, v13;
	v24 =	vadd.f32 v31, v6;
	[tilespmem:v32+s28+$0x0] =	vst.idx.msk $0xffff, v18;
	v18 =	vld [tilespmem:s20+$0xFFFFFFB0];
	s20 =	smov.u32 s7;
	s7 =	sadd.s32 $0x100, s7  }
0xe8: {  	v26 =	vmov s9;
	v10 =	vmovc v28;
	v20 =	vadd.s32 v3, v30;
	s14 =	sadd.s32 $0x4, s14;
	v23 =	vld [tilespmem:s7+$0x40];
	v25 =	vadd.f32 v33, v6;
	[tilespmem:v34+s28+$0x0] =	vst.idx.msk $0xffff, v27  }
0xe9: {  	s9 =	sadd.s32 $0x1, s13  }
0xea: {  	v26 =	vand.u32 $0x7F, v26;
	s14 =	sadd.s32 $0x2, s13;
	v28 =	vld [tilespmem:s7+$0xFFFFFFC0];
	v27 =	vmov s9  }
0xeb: {  	v31 =	vld [tilespmem:s7+$0x0];
	v29 =	vadd.s32 v0, v26;
	v30 =	vmov s14;
	v27 =	vand.u32 $0x7D, v27  }
0xec: {  	v32 =	vld [tilespmem:s7+$0xFFFFFF80];
	v30 =	vand.u32 $0x7E, v30;
	v33 =	vadd.s32 v0, v27  }
0xed: {  	v34 =	vadd.s32 v0, v30  }
0xee: {  	[tilespmem:v22+s28+$0x0] =	vst.idx.msk $0xffff, v24;
	v44 =	vadd.s32 v0, v13;
	v23 =	vadd.f32 v23, v9  }
0xef: {  	[tilespmem:v21+s28+$0x0] =	vst.idx.msk $0xffff, v25;
	v45 =	vadd.f32 v28, v9  }
0xf0: {  	v46 =	vadd.f32 v31, v9;
	[tilespmem:v29+s28+$0x0] =	vst.idx.msk $0xffff, v23  }
0xf1: {  	v47 =	vadd.f32 v32, v9;
	v48 =	vld [tilespmem:s7+$0x50];
	[tilespmem:v33+s28+$0x0] =	vst.idx.msk $0xffff, v45  }
0xf2: {  	v17 =	vadd.f32 v17, v6;
	v12 =	vadd.s32 v3, v12;
	[tilespmem:v34+s28+$0x0] =	vst.idx.msk $0xffff, v46;
	v21 =	vld [tilespmem:s7+$0xFFFFFFD0]  }
0xf3: {  	v16 =	vadd.f32 v16, v4;
	v49 =	vadd.s32 v1, v26;
	[tilespmem:v44+s28+$0x0] =	vst.idx.msk $0xffff, v47;
	v50 =	vld [tilespmem:s7+$0x10]  }
0xf4: {  	[tilespmem:v14+s28+$0x0] =	vst.idx.msk $0xffff, v17;
	v51 =	vadd.f32 v15, v4;
	v53 =	vadd.s32 v1, v27;
	v52 =	vld [tilespmem:s7+$0xFFFFFF90]  }
0xf5: {  	v54 =	vld [tilespmem:s20+$0x60];
	v18 =	vadd.f32 v18, v4;
	[tilespmem:v19+s28+$0x0] =	vst.idx.msk $0xffff, v16;
	v55 =	vadd.s32 v1, v30  }
0xf6: {  	v57 =	vadd.s32 v1, v13;
	v60 =	vld [tilespmem:s20+$0x20];
	[tilespmem:v20+s28+$0x0] =	vst.idx.msk $0xffff, v51;
	v58 =	vadd.f32 v48, v6  }
0xf7: {  	v59 =	vadd.s32 v2, v7;
	v56 =	vld [tilespmem:s20+$0xFFFFFFE0];
	[tilespmem:v12+s28+$0x0] =	vst.idx.msk $0xffff, v18;
	v61 =	vadd.f32 v21, v6  }
0xf8: {  	v62 =	vld [tilespmem:s20+$0xFFFFFFA0];
	v29 =	vadd.s32 v2, v11;
	[tilespmem:v49+s28+$0x0] =	vst.idx.msk $0xffff, v58;
	v28 =	vadd.f32 v50, v6  }
0xf9: {  	v63 =	vadd.s32 v2, v10;
	v31 =	vadd.f32 v52, v6;
	v32 =	vld [tilespmem:s7+$0x60];
	[tilespmem:v53+s28+$0x0] =	vst.idx.msk $0xffff, v61  }
0xfa: {  	v33 =	vadd.f32 v54, v5;
	v34 =	vadd.s32 v2, v8;
	[tilespmem:v55+s28+$0x0] =	vst.idx.msk $0xffff, v28;
	v35 =	vld [tilespmem:s7+$0xFFFFFFE0]  }
0xfb: {  	v37 =	vadd.s32 v2, v26;
	v39 =	vadd.f32 v60, v5;
	[tilespmem:v57+s28+$0x0] =	vst.idx.msk $0xffff, v31;
	v38 =	vld [tilespmem:s7+$0x20]  }
0xfc: {  	v41 =	vadd.s32 v2, v27;
	v36 =	vadd.f32 v56, v5;
	[tilespmem:v59+s28+$0x0] =	vst.idx.msk $0xffff, v33;
	v40 =	vld [tilespmem:s7+$0xFFFFFFA0]  }
0xfd: {  	v43 =	vadd.s32 v2, v30;
	v18 =	vadd.f32 v62, v5;
	v42 =	vld [tilespmem:s20+$0x70];
	[tilespmem:v29+s28+$0x0] =	vst.idx.msk $0xffff, v39  }
0xfe: {  	v45 =	vadd.s32 v2, v13;
	[tilespmem:v63+s28+$0x0] =	vst.idx.msk $0xffff, v36;
	v47 =	vld [tilespmem:s20+$0x30];
	v44 =	vadd.f32 v32, v5  }
0xff: {  	v46 =	vadd.s32 v3, v7;
	[tilespmem:v34+s28+$0x0] =	vst.idx.msk $0xffff, v18;
	v21 =	vld [tilespmem:s20+$0xFFFFFFF0];
	v9 =	vadd.f32 v35, v5  }
0x100: {  	v18 =	vld [tilespmem:s20+$0xFFFFFFB0];
	v50 =	vadd.s32 v3, v11;
	[tilespmem:v37+s28+$0x0] =	vst.idx.msk $0xffff, v44;
	v49 =	vadd.f32 v38, v5  }
0x101: {  	v48 =	vadd.s32 v3, v10;
	v5 =	vadd.f32 v40, v5;
	v12 =	vld [tilespmem:s7+$0x70];
	[tilespmem:v41+s28+$0x0] =	vst.idx.msk $0xffff, v9  }
0x102: {  	v52 =	vadd.s32 v3, v8;
	v51 =	vadd.f32 v42, v4;
	[tilespmem:v43+s28+$0x0] =	vst.idx.msk $0xffff, v49;
	v53 =	vld [tilespmem:s7+$0xFFFFFFF0]  }
0x103: {  	v55 =	vadd.s32 v3, v26;
	v56 =	vadd.f32 v47, v4;
	[tilespmem:v45+s28+$0x0] =	vst.idx.msk $0xffff, v5;
	v5 =	vld [tilespmem:s7+$0x30]  }
0x104: {  	v58 =	vadd.s32 v3, v27;
	[tilespmem:v46+s28+$0x0] =	vst.idx.msk $0xffff, v51;
	v54 =	vadd.f32 v21, v4;
	v57 =	vld [tilespmem:s7+$0xFFFFFFB0]  }
0x105: {  	v60 =	vadd.s32 v3, v30;
	v59 =	vadd.f32 v18, v4;
	[tilespmem:v50+s28+$0x0] =	vst.idx.msk $0xffff, v56  }
0x106: {  	v62 =	vadd.s32 v3, v13;
	[tilespmem:v48+s28+$0x0] =	vst.idx.msk $0xffff, v54;
	v61 =	vadd.f32 v12, v4  }
0x107: {  	[tilespmem:v52+s28+$0x0] =	vst.idx.msk $0xffff, v59;
	v63 =	vadd.f32 v53, v4  }
0x108: {  	[tilespmem:v55+s28+$0x0] =	vst.idx.msk $0xffff, v61;
	v5 =	vadd.f32 v5, v4  }
0x109: {  	s22 =	sadd.s32 s2, s22;
	v4 =	vadd.f32 v57, v4;
	[tilespmem:v58+s28+$0x0] =	vst.idx.msk $0xffff, v63  }
0x10a: {  	s7 =	sadd.s32 s21, s22;
	[tilespmem:v60+s28+$0x0] =	vst.idx.msk $0xffff, v5  }
0x10b: {  	s23 =	simm.s32 $0xBB00;
	s9 =	sadd.s32 $0x80, s7;
	[tilespmem:v62+s28+$0x0] =	vst.idx.msk $0xffff, v4  }
0x10c: {  	[hbm4b:s9+s3] =	stream.linear.scatter [tilespmem:s23], [sflag:$0x6], $0x80, $0x38;
	[tilespmem:$0x10F00] =	vst v63  }
0x10d: {  	s13 =	simm.s32 $0xBB88;
	s14 =	sadd.s32 $0x10, s9  }
0x10e: {  	[hbm4b:s14+s3] =	stream.linear.scatter [tilespmem:s13], [sflag:$0x6], $0x80, $0x38;
	[tilespmem:$0x10F00] =	vst v63  }
0x10f: {  	s20 =	simm.s32 $0xBC10;
	s22 =	simm.s32 $0xBC98;
	s21 =	sadd.s32 $0x20, s9  }
0x110: {  	[hbm4b:s21+s3] =	stream.linear.scatter [tilespmem:s20], [sflag:$0x6], $0x80, $0x38;
	[tilespmem:$0x10F00] =	vst v63  }
0x111: {  	s7 =	simm.s32 $0x440;
	s23 =	sadd.s32 $0x30, s9;
	s13 =	simm.s32 $0xBD20  }
0x112: {  	[hbm4b:s23+s3] =	stream.linear.scatter [tilespmem:s22], [sflag:$0x6], $0x80, $0x38;
	[tilespmem:$0x10F00] =	vst v63  }
0x113: {  	s14 =	sadd.s32 $0x40, s9;
	s20 =	simm.s32 $0xBDA8;
	s21 =	sadd.s32 $0x50, s9  }
0x114: {  	[hbm4b:s14+s3] =	stream.linear.scatter [tilespmem:s13], [sflag:$0x6], $0x80, $0x38;
	[tilespmem:$0x10F00] =	vst v63  }
0x115: {  	s22 =	simm.s32 $0xBE30;
	s23 =	sadd.s32 $0x60, s9;
	s14 =	simm.s32 $0x2200  }
0x116: {  	[hbm4b:s21+s3] =	stream.linear.scatter [tilespmem:s20], [sflag:$0x6], $0x80, $0x38;
	[tilespmem:$0x10F00] =	vst v63  }
0x117: {  	s13 =	sadd.s32 $0x400, s9;
	s20 =	simm.s32 $0xBEB8;
	s21 =	sadd.s32 $0x70, s9  }
0x118: {  	[hbm4b:s23+s3] =	stream.linear.scatter [tilespmem:s22], [sflag:$0x6], $0x80, $0x38;
	[tilespmem:$0x10F00] =	vst v63  }
.LBB2_9:
0x119: {  	[hbm4b:s21+s3] =	stream.linear.scatter [tilespmem:s20], [sflag:$0x6], $0x80, $0x38;
	[tilespmem:$0x10F00] =	vst v63  }
0x11a: {  	s9 =	smov.u32 s7;
	s7 =	smov.u32 s14  }
0x11b: {  	s22 =	sadd.s32 $0x1100, s14;
	s7 =	sshra.s32 s7, $0x2;
	s20 =	sadd.s32 $0xBB00, s9  }
0x11c: {  	[hbm4b:s13+s3] =	stream.linear.scatter [tilespmem:s20], [sflag:$0x6], $0x80, $0x38;
	[tilespmem:$0x10F00] =	vst v63  }
0x11d: {  	p0 =	sne.s32 s14, $0x7700;
	s14 =	sadd.s32 $0xBB88, s9;
	s20 =	sadd.s32 $0x10, s13  }
0x11e: {  	[hbm4b:s20+s3] =	stream.linear.scatter [tilespmem:s14], [sflag:$0x6], $0x80, $0x38;
	[tilespmem:$0x10F00] =	vst v63  }
0x11f: {  	s14 =	sadd.s32 $0xBC10, s9;
	s20 =	sadd.s32 $0x20, s13  }
0x120: {  	[hbm4b:s20+s3] =	stream.linear.scatter [tilespmem:s14], [sflag:$0x6], $0x80, $0x38;
	[tilespmem:$0x10F00] =	vst v63  }
0x121: {  	s14 =	sadd.s32 $0xBC98, s9;
	s20 =	sadd.s32 $0x30, s13  }
0x122: {  	[hbm4b:s20+s3] =	stream.linear.scatter [tilespmem:s14], [sflag:$0x6], $0x80, $0x38;
	[tilespmem:$0x10F00] =	vst v63  }
0x123: {  	s14 =	sadd.s32 $0xBD20, s9;
	s20 =	sadd.s32 $0x40, s13  }
0x124: {  	[hbm4b:s20+s3] =	stream.linear.scatter [tilespmem:s14], [sflag:$0x6], $0x80, $0x38;
	[tilespmem:$0x10F00] =	vst v63  }
.Ltmp3:
0x125: {  	s14 =	sadd.s32 $0xBDA8, s9;
	s20 =	sadd.s32 $0x50, s13;
	(pc) =	sbr.rel @p0 .LBB2_9-.Ltmp3, $4  }
0x126: {  	[hbm4b:s20+s3] =	stream.linear.scatter [tilespmem:s14], [sflag:$0x6], $0x80, $0x38;
	[tilespmem:$0x10F00] =	vst v63  }
0x127: {  	s21 =	sadd.s32 $0x70, s13;
	s14 =	sadd.s32 $0xBE30, s9;
	s20 =	sadd.s32 $0x60, s13  }
0x128: {  	[hbm4b:s20+s3] =	stream.linear.scatter [tilespmem:s14], [sflag:$0x6], $0x80, $0x38;
	[tilespmem:$0x10F00] =	vst v63  }
0x129: {  	s13 =	sadd.s32 $0x400, s13;
	s20 =	sadd.s32 $0xBEB8, s9;
	s14 =	smov.u32 s22  }
0x12a: {  	[hbm4b:s21+s3] =	stream.linear.scatter [tilespmem:s20], [sflag:$0x6], $0x80, $0x38;
	[tilespmem:$0x10F00] =	vst v63  }
0x12b: {  	s9 =	sadd.s32 $0xBB00, s7  }
0x12c: {  	[hbm4b:s13+s3] =	stream.linear.scatter [tilespmem:s9], [sflag:$0x6], $0x80, $0x38;
	[tilespmem:$0x10F00] =	vst v63  }
0x12d: {  	s21 =	sadd.s32 $0xBB88, s7;
	s14 =	sadd.s32 $0x10, s13  }
0x12e: {  	[hbm4b:s14+s3] =	stream.linear.scatter [tilespmem:s21], [sflag:$0x6], $0x80, $0x38;
	[tilespmem:$0x10F00] =	vst v63  }
0x12f: {  	s22 =	sadd.s32 $0xBC10, s7;
	s23 =	sadd.s32 $0x20, s13  }
0x130: {  	[hbm4b:s23+s3] =	stream.linear.scatter [tilespmem:s22], [sflag:$0x6], $0x80, $0x38;
	[tilespmem:$0x10F00] =	vst v63  }
0x131: {  	s20 =	sadd.s32 $0xBC98, s7;
	s21 =	sadd.s32 $0x30, s13  }
0x132: {  	[hbm4b:s21+s3] =	stream.linear.scatter [tilespmem:s20], [sflag:$0x6], $0x80, $0x38;
	[tilespmem:$0x10F00] =	vst v63  }
0x133: {  	s22 =	sadd.s32 $0xBD20, s7;
	s23 =	sadd.s32 $0x40, s13  }
0x134: {  	[hbm4b:s23+s3] =	stream.linear.scatter [tilespmem:s22], [sflag:$0x6], $0x80, $0x38;
	[tilespmem:$0x10F00] =	vst v63  }
0x135: {  	s20 =	sadd.s32 $0xBDA8, s7;
	s21 =	sadd.s32 $0x50, s13  }
0x136: {  	[hbm4b:s21+s3] =	stream.linear.scatter [tilespmem:s20], [sflag:$0x6], $0x80, $0x38;
	[tilespmem:$0x10F00] =	vst v63  }
0x137: {  	s22 =	sadd.s32 $0xBE30, s7;
	s23 =	sadd.s32 $0x60, s13  }
0x138: {  	[hbm4b:s23+s3] =	stream.linear.scatter [tilespmem:s22], [sflag:$0x6], $0x80, $0x38;
	[tilespmem:$0x10F00] =	vst v63  }
0x139: {  	s14 =	sadd.s32 $0xBEB8, s7;
	s20 =	sadd.s32 $0x70, s13  }
0x13a: {  	[hbm4b:s20+s3] =	stream.linear.scatter [tilespmem:s14], [sflag:$0x6], $0x80, $0x38;
	[tilespmem:$0x10F00] =	vst v63  }
0x13b: {  	s6 =	sadd.s32 $0x280, s6  }
0x13c: {  	[tilespmem:s18], [sflag:$0x2] =	stream.indirect.gather [hbm4b:s4+s16], $0x40, s6, s16, $0xb8;
	[tilespmem:$0x10F00] =	vst v63  }
0x13d: {  	_ =	swait.ge [sflag:s29], $0x2000  }
0x13e: {  	[sflag:s29] =	ssyncset.done $0x0  }
0x13f: {  	s6 =	sadd.s32 $0x2, s19;
	[sflag:s29] =	ssyncadd.s32 $0xFFFFE000  }
0x140: {  	s20 =	sshrl.u32 s6, $0x3;
	_ =	swait.ge [sflag:s30], $0x2000  }
0x141: {  	s21 =	sshll.u32 s20, $0x8;
	[sflag:s30] =	ssyncset.done $0x0  }
0x142: {  	s7 =	sshra.s32 s21, $0x2;
	[sflag:s30] =	ssyncadd.s32 $0xFFFFE000  }
0x143: {  	s22 =	simm.s32 $0x3;
	s14 =	simm.s32 $0x5980;
	v9 =	vld [tilespmem:s7+$0xDD00]  }
0x144: {  	v4 =	vmov s22;
	v7 =	vld [tilespmem:s14+$0x40]  }
0x145: {  	s23 =	simm.s32 $0x0;
	v13 =	vand.u32 $0x7F, v4  }
0x146: {  	v4 =	vmov s23;
	v8 =	vadd.s32 v0, v13;
	v6 =	vld [tilespmem:s7+$0xDD10]  }
0x147: {  	s13 =	simm.s32 $0x1;
	v12 =	vand.u32 $0x7C, v4;
	v10 =	vld [tilespmem:s14+$0xFFFFFF80]  }
0x148: {  	v4 =	vmov s13;
	v15 =	vadd.s32 v0, v12;
	s21 =	simm.s32 $0x2;
	v11 =	vld [tilespmem:s14+$0xFFFFFFC0]  }
0x149: {  	v19 =	vand.u32 $0x7D, v4;
	v14 =	vmov s21;
	v16 =	vld [tilespmem:s14+$0x0];
	v7 =	vadd.f32 v7, v9  }
0x14a: {  	v17 =	vadd.s32 v0, v19;
	v20 =	vand.u32 $0x7E, v14;
	v5 =	vld [tilespmem:s7+$0xDD20]  }
0x14b: {  	v14 =	vadd.s32 v0, v20;
	v4 =	vld [tilespmem:s7+$0xDD30];
	[tilespmem:v8+s25+$0x0] =	vst.idx.msk $0xffff, v7  }
0x14c: {  	v7 =	vadd.f32 v10, v9;
	v8 =	vld [tilespmem:s14+$0x50]  }
0x14d: {  	v10 =	vadd.f32 v11, v9  }
0x14e: {  	v11 =	vadd.s32 v1, v13;
	[tilespmem:v15+s25+$0x0] =	vst.idx.msk $0xffff, v7;
	v7 =	vadd.f32 v16, v9  }
0x14f: {  	[tilespmem:v17+s25+$0x0] =	vst.idx.msk $0xffff, v10;
	v15 =	vld [tilespmem:s14+$0xFFFFFF90]  }
0x150: {  	v10 =	vld [tilespmem:s14+$0xFFFFFFD0];
	[tilespmem:v14+s25+$0x0] =	vst.idx.msk $0xffff, v7  }
0x151: {  	v14 =	vld [tilespmem:s14+$0x10];
	v7 =	vadd.f32 v8, v6  }
0x152: {  	s23 =	simm.s32 $0x7;
	s21 =	simm.s32 $0x5A80;
	v16 =	vadd.s32 v1, v19  }
0x153: {  	s22 =	simm.s32 $0x4;
	v26 =	vadd.s32 v2, v13;
	v18 =	vld [tilespmem:s21+$0x40];
	v17 =	vadd.s32 v1, v20;
	[tilespmem:v11+s25+$0x0] =	vst.idx.msk $0xffff, v7;
	v7 =	vmov s23  }
0x154: {  	v21 =	vadd.s32 v1, v12;
	v8 =	vmov s22;
	v7 =	vand.u32 $0x7F, v7;
	v22 =	vld [tilespmem:s14+$0x60]  }
0x155: {  	s13 =	simm.s32 $0x5;
	v23 =	vld [tilespmem:s21+$0xFFFFFF80];
	v8 =	vand.u32 $0x7C, v8;
	v10 =	vadd.f32 v10, v6;
	v24 =	vadd.s32 v0, v7  }
0x156: {  	v25 =	vld [tilespmem:s21+$0xFFFFFFC0];
	s22 =	simm.s32 $0x6;
	v15 =	vadd.f32 v15, v6;
	v11 =	vadd.f32 v14, v6;
	v14 =	vmov s13  }
0x157: {  	v27 =	vadd.s32 v0, v8;
	[tilespmem:v16+s25+$0x0] =	vst.idx.msk $0xffff, v10;
	v16 =	vmov s22;
	v10 =	vand.u32 $0x7D, v14;
	v14 =	vld [tilespmem:s21+$0x0]  }
0x158: {  	[tilespmem:v17+s25+$0x0] =	vst.idx.msk $0xffff, v11;
	v17 =	vadd.s32 v0, v10;
	v11 =	vand.u32 $0x7E, v16;
	v16 =	vadd.f32 v18, v9;
	v18 =	vld [tilespmem:s14+$0xFFFFFFE0]  }
0x159: {  	[tilespmem:v21+s25+$0x0] =	vst.idx.msk $0xffff, v15;
	v15 =	vadd.s32 v0, v11;
	v21 =	vld [tilespmem:s14+$0x20];
	v22 =	vadd.f32 v22, v5  }
0x15a: {  	v23 =	vadd.f32 v23, v9;
	[tilespmem:v24+s25+$0x0] =	vst.idx.msk $0xffff, v16;
	v16 =	vld [tilespmem:s14+$0xFFFFFFA0];
	v24 =	vadd.s32 v2, v19  }
0x15b: {  	v29 =	vadd.s32 v2, v20;
	v25 =	vadd.f32 v25, v9;
	v28 =	vld [tilespmem:s21+$0x50];
	[tilespmem:v26+s25+$0x0] =	vst.idx.msk $0xffff, v22  }
0x15c: {  	[tilespmem:v27+s25+$0x0] =	vst.idx.msk $0xffff, v23;
	v23 =	vadd.s32 v2, v12;
	v14 =	vadd.f32 v14, v9;
	v26 =	vld [tilespmem:s14+$0x70]  }
0x15d: {  	v27 =	vld [tilespmem:s21+$0xFFFFFF90];
	[tilespmem:v17+s25+$0x0] =	vst.idx.msk $0xffff, v25;
	v25 =	vadd.s32 v1, v7;
	v18 =	vadd.f32 v18, v5  }
0x15e: {  	v31 =	vadd.s32 v3, v13;
	v30 =	vld [tilespmem:s21+$0xFFFFFFD0];
	[tilespmem:v15+s25+$0x0] =	vst.idx.msk $0xffff, v14;
	v14 =	vadd.f32 v21, v5  }
0x15f: {  	v22 =	vadd.s32 v1, v8;
	v17 =	vld [tilespmem:s21+$0x10];
	v13 =	vadd.f32 v16, v5;
	[tilespmem:v24+s25+$0x0] =	vst.idx.msk $0xffff, v18  }
0x160: {  	s13 =	simm.s32 $0x8;
	v21 =	vadd.s32 v1, v10;
	[tilespmem:v29+s25+$0x0] =	vst.idx.msk $0xffff, v14;
	v18 =	vadd.f32 v28, v6;
	v16 =	vld [tilespmem:s14+$0xFFFFFFF0]  }
0x161: {  	v24 =	vmov s13;
	v14 =	vadd.s32 v1, v11;
	v15 =	vld [tilespmem:s14+$0x30];
	[tilespmem:v23+s25+$0x0] =	vst.idx.msk $0xffff, v13;
	v63 =	vadd.f32 v26, v4  }
0x162: {  	s7 =	simm.s32 $0x5B80;
	s23 =	simm.s32 $0xB;
	v19 =	vadd.s32 v3, v19;
	v13 =	vand.u32 $0x7C, v24;
	v24 =	vadd.f32 v27, v6;
	[tilespmem:v25+s25+$0x0] =	vst.idx.msk $0xffff, v18;
	v18 =	vld [tilespmem:s14+$0xFFFFFFB0]  }
0x163: {  	v20 =	vadd.s32 v3, v20;
	v26 =	vmov s23;
	v23 =	vld [tilespmem:s7+$0x40];
	s14 =	simm.s32 $0xC;
	v25 =	vadd.f32 v30, v6;
	[tilespmem:v31+s25+$0x0] =	vst.idx.msk $0xffff, v63  }
.LBB2_11:
0x164: {  	p0 =	slt.u32 s14, $0x7C;
	s9 =	sadd.s32 $0x1, s13;
	v26 =	vand.u32 $0x7F, v26;
	[tilespmem:v22+s25+$0x0] =	vst.idx.msk $0xffff, v24;
	v17 =	vadd.f32 v17, v6;
	v22 =	vld [tilespmem:s21+$0x60];
	v24 =	vadd.s32 v3, v12  }
0x165: {  	v30 =	vmovc v11;
	v27 =	vld [tilespmem:s7+$0xFFFFFF80];
	v28 =	vmov s9;
	s9 =	sadd.s32 $0x2, s13;
	v29 =	vadd.s32 v0, v26;
	[tilespmem:v21+s25+$0x0] =	vst.idx.msk $0xffff, v25;
	v16 =	vadd.f32 v16, v4;
	s13 =	smov.u32 s14  }
0x166: {  	v12 =	vmovc v8;
	v21 =	vld [tilespmem:s7+$0xFFFFFFC0];
	v11 =	vmov s9;
	[tilespmem:v14+s25+$0x0] =	vst.idx.msk $0xffff, v17;
	v14 =	vadd.s32 v2, v7;
	v15 =	vadd.f32 v15, v4  }
0x167: {  	v17 =	vadd.s32 v0, v13;
	v28 =	vand.u32 $0x7D, v28;
	v25 =	vld [tilespmem:s7+$0x0];
	v31 =	vadd.f32 v18, v4;
	[tilespmem:v19+s25+$0x0] =	vst.idx.msk $0xffff, v16  }
0x168: {  	v16 =	vadd.s32 v0, v28;
	v11 =	vand.u32 $0x7E, v11;
	v18 =	vadd.f32 v23, v9;
	v19 =	vld [tilespmem:s21+$0xFFFFFFE0];
	[tilespmem:v20+s25+$0x0] =	vst.idx.msk $0xffff, v15  }
0x169: {  	v8 =	vmov v13;
	v15 =	vadd.s32 v0, v11;
	v20 =	vld [tilespmem:s21+$0x20];
	v22 =	vadd.f32 v22, v5;
	[tilespmem:v24+s25+$0x0] =	vst.idx.msk $0xffff, v31  }
0x16a: {  	v23 =	vadd.s32 v2, v10;
	v13 =	vadd.f32 v27, v9;
	[tilespmem:v29+s25+$0x0] =	vst.idx.msk $0xffff, v18;
	v18 =	vld [tilespmem:s21+$0xFFFFFFA0]  }
0x16b: {  	v27 =	vadd.s32 v2, v30;
	v21 =	vadd.f32 v21, v9;
	v24 =	vld [tilespmem:s7+$0x50];
	[tilespmem:v14+s25+$0x0] =	vst.idx.msk $0xffff, v22  }
0x16c: {  	[tilespmem:v17+s25+$0x0] =	vst.idx.msk $0xffff, v13;
	v13 =	vadd.f32 v25, v9;
	v25 =	vadd.s32 v2, v12;
	v29 =	vld [tilespmem:s21+$0x70]  }
0x16d: {  	v32 =	vadd.s32 v1, v26;
	v31 =	vld [tilespmem:s7+$0xFFFFFF90];
	[tilespmem:v16+s25+$0x0] =	vst.idx.msk $0xffff, v21;
	v14 =	vadd.f32 v19, v5  }
0x16e: {  	v34 =	vadd.s32 v3, v7;
	v7 =	vmov v26;
	v33 =	vld [tilespmem:s7+$0xFFFFFFD0];
	[tilespmem:v15+s25+$0x0] =	vst.idx.msk $0xffff, v13;
	v13 =	vadd.f32 v20, v5  }
.Ltmp4:
0x16f: {  	v22 =	vadd.s32 v1, v8;
	v17 =	vld [tilespmem:s7+$0x10];
	v15 =	vadd.f32 v18, v5;
	[tilespmem:v23+s25+$0x0] =	vst.idx.msk $0xffff, v14;
	(pc) =	sbr.rel @p0 .LBB2_11-.Ltmp4, $4  }
0x170: {  	v21 =	vadd.s32 v1, v28;
	v18 =	vadd.f32 v24, v6;
	v16 =	vld [tilespmem:s21+$0xFFFFFFF0];
	[tilespmem:v27+s25+$0x0] =	vst.idx.msk $0xffff, v13  }
0x171: {  	v14 =	vadd.s32 v1, v11;
	v13 =	vmov s14;
	[tilespmem:v25+s25+$0x0] =	vst.idx.msk $0xffff, v15;
	v15 =	vld [tilespmem:s21+$0x30];
	v27 =	vadd.f32 v29, v4  }
0x172: {  	s9 =	sadd.s32 $0x3, s14;
	v19 =	vadd.s32 v3, v10;
	v13 =	vand.u32 $0x7C, v13;
	v24 =	vadd.f32 v31, v6;
	[tilespmem:v32+s25+$0x0] =	vst.idx.msk $0xffff, v18;
	v18 =	vld [tilespmem:s21+$0xFFFFFFB0];
	s21 =	smov.u32 s7;
	s7 =	sadd.s32 $0x100, s7  }
0x173: {  	v26 =	vmov s9;
	v10 =	vmovc v28;
	v20 =	vadd.s32 v3, v30;
	s14 =	sadd.s32 $0x4, s14;
	v23 =	vld [tilespmem:s7+$0x40];
	v25 =	vadd.f32 v33, v6;
	[tilespmem:v34+s25+$0x0] =	vst.idx.msk $0xffff, v27  }
0x174: {  	s9 =	sadd.s32 $0x1, s13  }
0x175: {  	v26 =	vand.u32 $0x7F, v26;
	s22 =	sadd.s32 $0x2, s13;
	v28 =	vld [tilespmem:s7+$0xFFFFFFC0];
	v27 =	vmov s9  }
0x176: {  	v31 =	vld [tilespmem:s7+$0x0];
	v29 =	vadd.s32 v0, v26;
	v30 =	vmov s22;
	v27 =	vand.u32 $0x7D, v27  }
0x177: {  	v32 =	vld [tilespmem:s7+$0xFFFFFF80];
	v30 =	vand.u32 $0x7E, v30;
	v33 =	vadd.s32 v0, v27  }
0x178: {  	v34 =	vadd.s32 v0, v30  }
0x179: {  	[tilespmem:v22+s25+$0x0] =	vst.idx.msk $0xffff, v24;
	v44 =	vadd.s32 v0, v13;
	v23 =	vadd.f32 v23, v9  }
0x17a: {  	[tilespmem:v21+s25+$0x0] =	vst.idx.msk $0xffff, v25;
	v45 =	vadd.f32 v28, v9  }
0x17b: {  	v46 =	vadd.f32 v31, v9;
	[tilespmem:v29+s25+$0x0] =	vst.idx.msk $0xffff, v23  }
0x17c: {  	v47 =	vadd.f32 v32, v9;
	v48 =	vld [tilespmem:s7+$0x50];
	[tilespmem:v33+s25+$0x0] =	vst.idx.msk $0xffff, v45  }
0x17d: {  	v17 =	vadd.f32 v17, v6;
	v12 =	vadd.s32 v3, v12;
	[tilespmem:v34+s25+$0x0] =	vst.idx.msk $0xffff, v46;
	v21 =	vld [tilespmem:s7+$0xFFFFFFD0]  }
0x17e: {  	v16 =	vadd.f32 v16, v4;
	v49 =	vadd.s32 v1, v26;
	[tilespmem:v44+s25+$0x0] =	vst.idx.msk $0xffff, v47;
	v50 =	vld [tilespmem:s7+$0x10]  }
0x17f: {  	[tilespmem:v14+s25+$0x0] =	vst.idx.msk $0xffff, v17;
	v51 =	vadd.f32 v15, v4;
	v53 =	vadd.s32 v1, v27;
	v52 =	vld [tilespmem:s7+$0xFFFFFF90]  }
0x180: {  	v54 =	vld [tilespmem:s21+$0x60];
	v18 =	vadd.f32 v18, v4;
	[tilespmem:v19+s25+$0x0] =	vst.idx.msk $0xffff, v16;
	v55 =	vadd.s32 v1, v30  }
0x181: {  	v57 =	vadd.s32 v1, v13;
	v60 =	vld [tilespmem:s21+$0x20];
	[tilespmem:v20+s25+$0x0] =	vst.idx.msk $0xffff, v51;
	v58 =	vadd.f32 v48, v6  }
0x182: {  	v59 =	vadd.s32 v2, v7;
	v56 =	vld [tilespmem:s21+$0xFFFFFFE0];
	[tilespmem:v12+s25+$0x0] =	vst.idx.msk $0xffff, v18;
	v61 =	vadd.f32 v21, v6  }
0x183: {  	v62 =	vld [tilespmem:s21+$0xFFFFFFA0];
	v29 =	vadd.s32 v2, v11;
	[tilespmem:v49+s25+$0x0] =	vst.idx.msk $0xffff, v58;
	v28 =	vadd.f32 v50, v6  }
0x184: {  	v63 =	vadd.s32 v2, v10;
	v31 =	vadd.f32 v52, v6;
	v32 =	vld [tilespmem:s7+$0x60];
	[tilespmem:v53+s25+$0x0] =	vst.idx.msk $0xffff, v61  }
0x185: {  	v33 =	vadd.f32 v54, v5;
	v34 =	vadd.s32 v2, v8;
	[tilespmem:v55+s25+$0x0] =	vst.idx.msk $0xffff, v28;
	v35 =	vld [tilespmem:s7+$0xFFFFFFE0]  }
0x186: {  	v37 =	vadd.s32 v2, v26;
	v39 =	vadd.f32 v60, v5;
	[tilespmem:v57+s25+$0x0] =	vst.idx.msk $0xffff, v31;
	v38 =	vld [tilespmem:s7+$0x20]  }
0x187: {  	v41 =	vadd.s32 v2, v27;
	v36 =	vadd.f32 v56, v5;
	[tilespmem:v59+s25+$0x0] =	vst.idx.msk $0xffff, v33;
	v40 =	vld [tilespmem:s7+$0xFFFFFFA0]  }
0x188: {  	v43 =	vadd.s32 v2, v30;
	v18 =	vadd.f32 v62, v5;
	v42 =	vld [tilespmem:s21+$0x70];
	[tilespmem:v29+s25+$0x0] =	vst.idx.msk $0xffff, v39  }
0x189: {  	v45 =	vadd.s32 v2, v13;
	[tilespmem:v63+s25+$0x0] =	vst.idx.msk $0xffff, v36;
	v47 =	vld [tilespmem:s21+$0x30];
	v44 =	vadd.f32 v32, v5  }
0x18a: {  	v46 =	vadd.s32 v3, v7;
	[tilespmem:v34+s25+$0x0] =	vst.idx.msk $0xffff, v18;
	v21 =	vld [tilespmem:s21+$0xFFFFFFF0];
	v9 =	vadd.f32 v35, v5  }
0x18b: {  	v18 =	vld [tilespmem:s21+$0xFFFFFFB0];
	v50 =	vadd.s32 v3, v11;
	[tilespmem:v37+s25+$0x0] =	vst.idx.msk $0xffff, v44;
	v49 =	vadd.f32 v38, v5  }
0x18c: {  	v48 =	vadd.s32 v3, v10;
	v5 =	vadd.f32 v40, v5;
	v12 =	vld [tilespmem:s7+$0x70];
	[tilespmem:v41+s25+$0x0] =	vst.idx.msk $0xffff, v9  }
0x18d: {  	v52 =	vadd.s32 v3, v8;
	v51 =	vadd.f32 v42, v4;
	[tilespmem:v43+s25+$0x0] =	vst.idx.msk $0xffff, v49;
	v53 =	vld [tilespmem:s7+$0xFFFFFFF0]  }
0x18e: {  	v55 =	vadd.s32 v3, v26;
	v56 =	vadd.f32 v47, v4;
	[tilespmem:v45+s25+$0x0] =	vst.idx.msk $0xffff, v5;
	v5 =	vld [tilespmem:s7+$0x30]  }
0x18f: {  	v58 =	vadd.s32 v3, v27;
	[tilespmem:v46+s25+$0x0] =	vst.idx.msk $0xffff, v51;
	v54 =	vadd.f32 v21, v4;
	v57 =	vld [tilespmem:s7+$0xFFFFFFB0]  }
0x190: {  	v60 =	vadd.s32 v3, v30;
	v59 =	vadd.f32 v18, v4;
	[tilespmem:v50+s25+$0x0] =	vst.idx.msk $0xffff, v56  }
0x191: {  	v62 =	vadd.s32 v3, v13;
	[tilespmem:v48+s25+$0x0] =	vst.idx.msk $0xffff, v54;
	v61 =	vadd.f32 v12, v4  }
0x192: {  	s6 =	sshll.u32 s6, $0xA;
	[tilespmem:v52+s25+$0x0] =	vst.idx.msk $0xffff, v59;
	v63 =	vadd.f32 v53, v4  }
0x193: {  	s23 =	sshll.u32 s20, $0x10;
	s6 =	sand.u32 $0x1800, s6;
	[tilespmem:v55+s25+$0x0] =	vst.idx.msk $0xffff, v61;
	v5 =	vadd.f32 v5, v4  }
0x194: {  	s6 =	sor.u32 s6, s23;
	v4 =	vadd.f32 v57, v4;
	[tilespmem:v58+s25+$0x0] =	vst.idx.msk $0xffff, v63  }
0x195: {  	s6 =	sshrl.u32 s6, $0x3;
	[tilespmem:v60+s25+$0x0] =	vst.idx.msk $0xffff, v5  }
0x196: {  	s9 =	simm.s32 $0x9900;
	s7 =	sadd.s32 s2, s6;
	[tilespmem:v62+s25+$0x0] =	vst.idx.msk $0xffff, v4  }
0x197: {  	[hbm4b:s7+s3] =	stream.linear.scatter [tilespmem:s9], [sflag:$0x5], $0x80, $0x38;
	[tilespmem:$0x10F00] =	vst v63  }
0x198: {  	s13 =	simm.s32 $0x9988;
	s14 =	sadd.s32 $0x10, s7  }
0x199: {  	[hbm4b:s14+s3] =	stream.linear.scatter [tilespmem:s13], [sflag:$0x5], $0x80, $0x38;
	[tilespmem:$0x10F00] =	vst v63  }
0x19a: {  	s20 =	simm.s32 $0x9A10;
	s22 =	simm.s32 $0x9A98;
	s21 =	sadd.s32 $0x20, s7  }
0x19b: {  	[hbm4b:s21+s3] =	stream.linear.scatter [tilespmem:s20], [sflag:$0x5], $0x80, $0x38;
	[tilespmem:$0x10F00] =	vst v63  }
0x19c: {  	s6 =	simm.s32 $0x440;
	s23 =	sadd.s32 $0x30, s7;
	s13 =	simm.s32 $0x9B20  }
0x19d: {  	[hbm4b:s23+s3] =	stream.linear.scatter [tilespmem:s22], [sflag:$0x5], $0x80, $0x38;
	[tilespmem:$0x10F00] =	vst v63  }
0x19e: {  	s14 =	sadd.s32 $0x40, s7;
	s20 =	simm.s32 $0x9BA8;
	s21 =	sadd.s32 $0x50, s7  }
0x19f: {  	[hbm4b:s14+s3] =	stream.linear.scatter [tilespmem:s13], [sflag:$0x5], $0x80, $0x38;
	[tilespmem:$0x10F00] =	vst v63  }
0x1a0: {  	s22 =	simm.s32 $0x9C30;
	s23 =	sadd.s32 $0x60, s7;
	s13 =	simm.s32 $0x2200  }
0x1a1: {  	[hbm4b:s21+s3] =	stream.linear.scatter [tilespmem:s20], [sflag:$0x5], $0x80, $0x38;
	[tilespmem:$0x10F00] =	vst v63  }
0x1a2: {  	s14 =	simm.s32 $0x9CB8;
	s20 =	sadd.s32 $0x70, s7;
	s7 =	sadd.s32 $0x400, s7  }
0x1a3: {  	[hbm4b:s23+s3] =	stream.linear.scatter [tilespmem:s22], [sflag:$0x5], $0x80, $0x38;
	[tilespmem:$0x10F00] =	vst v63  }
.LBB2_13:
0x1a4: {  	[hbm4b:s20+s3] =	stream.linear.scatter [tilespmem:s14], [sflag:$0x5], $0x80, $0x38;
	[tilespmem:$0x10F00] =	vst v63  }
0x1a5: {  	s9 =	smov.u32 s6;
	s6 =	smov.u32 s13  }
0x1a6: {  	s21 =	sadd.s32 $0x1100, s13;
	s6 =	sshra.s32 s6, $0x2;
	s14 =	sadd.s32 $0x9900, s9  }
0x1a7: {  	[hbm4b:s7+s3] =	stream.linear.scatter [tilespmem:s14], [sflag:$0x5], $0x80, $0x38;
	[tilespmem:$0x10F00] =	vst v63  }
0x1a8: {  	p0 =	sne.s32 s13, $0x7700;
	s13 =	sadd.s32 $0x9988, s9;
	s14 =	sadd.s32 $0x10, s7  }
0x1a9: {  	[hbm4b:s14+s3] =	stream.linear.scatter [tilespmem:s13], [sflag:$0x5], $0x80, $0x38;
	[tilespmem:$0x10F00] =	vst v63  }
0x1aa: {  	s13 =	sadd.s32 $0x9A10, s9;
	s14 =	sadd.s32 $0x20, s7  }
0x1ab: {  	[hbm4b:s14+s3] =	stream.linear.scatter [tilespmem:s13], [sflag:$0x5], $0x80, $0x38;
	[tilespmem:$0x10F00] =	vst v63  }
0x1ac: {  	s13 =	sadd.s32 $0x9A98, s9;
	s14 =	sadd.s32 $0x30, s7  }
0x1ad: {  	[hbm4b:s14+s3] =	stream.linear.scatter [tilespmem:s13], [sflag:$0x5], $0x80, $0x38;
	[tilespmem:$0x10F00] =	vst v63  }
0x1ae: {  	s13 =	sadd.s32 $0x9B20, s9;
	s14 =	sadd.s32 $0x40, s7  }
0x1af: {  	[hbm4b:s14+s3] =	stream.linear.scatter [tilespmem:s13], [sflag:$0x5], $0x80, $0x38;
	[tilespmem:$0x10F00] =	vst v63  }
.Ltmp5:
0x1b0: {  	s13 =	sadd.s32 $0x9BA8, s9;
	s14 =	sadd.s32 $0x50, s7;
	(pc) =	sbr.rel @p0 .LBB2_13-.Ltmp5, $4  }
0x1b1: {  	[hbm4b:s14+s3] =	stream.linear.scatter [tilespmem:s13], [sflag:$0x5], $0x80, $0x38;
	[tilespmem:$0x10F00] =	vst v63  }
0x1b2: {  	s20 =	sadd.s32 $0x70, s7;
	s13 =	sadd.s32 $0x9C30, s9;
	s14 =	sadd.s32 $0x60, s7  }
0x1b3: {  	[hbm4b:s14+s3] =	stream.linear.scatter [tilespmem:s13], [sflag:$0x5], $0x80, $0x38;
	[tilespmem:$0x10F00] =	vst v63  }
0x1b4: {  	s7 =	sadd.s32 $0x400, s7;
	s14 =	sadd.s32 $0x9CB8, s9;
	s13 =	smov.u32 s21  }
0x1b5: {  	[hbm4b:s20+s3] =	stream.linear.scatter [tilespmem:s14], [sflag:$0x5], $0x80, $0x38;
	[tilespmem:$0x10F00] =	vst v63  }
0x1b6: {  	s9 =	sadd.s32 $0x9900, s6  }
0x1b7: {  	[hbm4b:s7+s3] =	stream.linear.scatter [tilespmem:s9], [sflag:$0x5], $0x80, $0x38;
	[tilespmem:$0x10F00] =	vst v63  }
0x1b8: {  	s14 =	sadd.s32 $0x9988, s6;
	s13 =	sadd.s32 $0x10, s7  }
0x1b9: {  	[hbm4b:s13+s3] =	stream.linear.scatter [tilespmem:s14], [sflag:$0x5], $0x80, $0x38;
	[tilespmem:$0x10F00] =	vst v63  }
0x1ba: {  	s20 =	sadd.s32 $0x9A10, s6;
	s21 =	sadd.s32 $0x20, s7  }
0x1bb: {  	[hbm4b:s21+s3] =	stream.linear.scatter [tilespmem:s20], [sflag:$0x5], $0x80, $0x38;
	[tilespmem:$0x10F00] =	vst v63  }
0x1bc: {  	s22 =	sadd.s32 $0x9A98, s6;
	s23 =	sadd.s32 $0x30, s7  }
0x1bd: {  	[hbm4b:s23+s3] =	stream.linear.scatter [tilespmem:s22], [sflag:$0x5], $0x80, $0x38;
	[tilespmem:$0x10F00] =	vst v63  }
0x1be: {  	s13 =	sadd.s32 $0x9B20, s6;
	s14 =	sadd.s32 $0x40, s7;
	s20 =	sadd.s32 $0x9BA8, s6  }
0x1bf: {  	[hbm4b:s14+s3] =	stream.linear.scatter [tilespmem:s13], [sflag:$0x5], $0x80, $0x38;
	[tilespmem:$0x10F00] =	vst v63  }
0x1c0: {  	s22 =	sadd.s32 $0x9C30, s6;
	s14 =	sadd.s32 $0x9CB8, s6;
	s6 =	sadd.s32 $0x6, s19  }
0x1c1: {  	s21 =	sadd.s32 $0x50, s7;
	p0 =	sge.u32 s6, s8  }
0x1c2: {  	[hbm4b:s21+s3] =	stream.linear.scatter [tilespmem:s20], [sflag:$0x5], $0x80, $0x38;
	[tilespmem:$0x10F00] =	vst v63  }
0x1c3: {  	s23 =	sadd.s32 $0x60, s7;
	s6 =	ssub.s32 @!p0 s6, s5  }
0x1c4: {  	[hbm4b:s23+s3] =	stream.linear.scatter [tilespmem:s22], [sflag:$0x5], $0x80, $0x38;
	[tilespmem:$0x10F00] =	vst v63  }
0x1c5: {  	s20 =	sadd.s32 $0x70, s7;
	s6 =	sshll.u32 @!p0 s6, $0x9  }
0x1c6: {  	[hbm4b:s20+s3] =	stream.linear.scatter [tilespmem:s14], [sflag:$0x5], $0x80, $0x38;
	[tilespmem:$0x10F00] =	vst v63  }
0x1c7: {  	s7 =	simm.s32 @!p0 $0x80;
	s9 =	simm.s32 @!p0 $0x5900;
	s6 =	sshra.s32 @!p0 s6, $0x2  }
0x1c8: {  	[tilespmem:s9], [sflag:$0x3] =	stream.indirect.gather @!p0 [hbm4b:s4+s7], $0x40, s6, s7, $0xb8;
	[tilespmem:$0x10F00] =	vst v63  }
0x1c9: {  	_ =	swait.ge [sflag:s31], $0x2000  }
0x1ca: {  	[sflag:s31] =	ssyncset.done $0x0  }
0x1cb: {  	s6 =	sadd.s32 $0x3, s19;
	[sflag:s31] =	ssyncadd.s32 $0xFFFFE000  }
0x1cc: {  	s20 =	sshrl.u32 s6, $0x3;
	_ =	swait.ge [sflag:s1], $0x2000  }
0x1cd: {  	s21 =	sshll.u32 s20, $0x8;
	[sflag:s1] =	ssyncset.done $0x0  }
0x1ce: {  	s7 =	sshra.s32 s21, $0x2;
	[sflag:s1] =	ssyncadd.s32 $0xFFFFE000  }
0x1cf: {  	s22 =	simm.s32 $0x3;
	s14 =	simm.s32 $0x7980;
	v9 =	vld [tilespmem:s7+$0xDD00]  }
0x1d0: {  	v4 =	vmov s22;
	v7 =	vld [tilespmem:s14+$0x40]  }
0x1d1: {  	s23 =	simm.s32 $0x0;
	v13 =	vand.u32 $0x7F, v4  }
0x1d2: {  	v4 =	vmov s23;
	v8 =	vadd.s32 v0, v13;
	v6 =	vld [tilespmem:s7+$0xDD10]  }
0x1d3: {  	s13 =	simm.s32 $0x1;
	v12 =	vand.u32 $0x7C, v4;
	v10 =	vld [tilespmem:s14+$0xFFFFFF80]  }
0x1d4: {  	v4 =	vmov s13;
	v15 =	vadd.s32 v0, v12;
	s21 =	simm.s32 $0x2;
	v11 =	vld [tilespmem:s14+$0xFFFFFFC0]  }
0x1d5: {  	v19 =	vand.u32 $0x7D, v4;
	v14 =	vmov s21;
	v16 =	vld [tilespmem:s14+$0x0];
	v7 =	vadd.f32 v7, v9  }
0x1d6: {  	v17 =	vadd.s32 v0, v19;
	v20 =	vand.u32 $0x7E, v14;
	v5 =	vld [tilespmem:s7+$0xDD20]  }
0x1d7: {  	v14 =	vadd.s32 v0, v20;
	v4 =	vld [tilespmem:s7+$0xDD30];
	[tilespmem:v8+s28+$0x0] =	vst.idx.msk $0xffff, v7  }
0x1d8: {  	v7 =	vadd.f32 v10, v9;
	v8 =	vld [tilespmem:s14+$0x50]  }
0x1d9: {  	v10 =	vadd.f32 v11, v9  }
0x1da: {  	v11 =	vadd.s32 v1, v13;
	[tilespmem:v15+s28+$0x0] =	vst.idx.msk $0xffff, v7;
	v7 =	vadd.f32 v16, v9  }
0x1db: {  	[tilespmem:v17+s28+$0x0] =	vst.idx.msk $0xffff, v10;
	v15 =	vld [tilespmem:s14+$0xFFFFFF90]  }
0x1dc: {  	v10 =	vld [tilespmem:s14+$0xFFFFFFD0];
	[tilespmem:v14+s28+$0x0] =	vst.idx.msk $0xffff, v7  }
0x1dd: {  	v14 =	vld [tilespmem:s14+$0x10];
	v7 =	vadd.f32 v8, v6  }
0x1de: {  	s23 =	simm.s32 $0x7;
	s21 =	simm.s32 $0x7A80;
	v16 =	vadd.s32 v1, v19  }
0x1df: {  	s22 =	simm.s32 $0x4;
	v26 =	vadd.s32 v2, v13;
	v18 =	vld [tilespmem:s21+$0x40];
	v17 =	vadd.s32 v1, v20;
	[tilespmem:v11+s28+$0x0] =	vst.idx.msk $0xffff, v7;
	v7 =	vmov s23  }
0x1e0: {  	v21 =	vadd.s32 v1, v12;
	v8 =	vmov s22;
	v7 =	vand.u32 $0x7F, v7;
	v22 =	vld [tilespmem:s14+$0x60]  }
0x1e1: {  	s13 =	simm.s32 $0x5;
	v23 =	vld [tilespmem:s21+$0xFFFFFF80];
	v8 =	vand.u32 $0x7C, v8;
	v10 =	vadd.f32 v10, v6;
	v24 =	vadd.s32 v0, v7  }
0x1e2: {  	v25 =	vld [tilespmem:s21+$0xFFFFFFC0];
	s22 =	simm.s32 $0x6;
	v15 =	vadd.f32 v15, v6;
	v11 =	vadd.f32 v14, v6;
	v14 =	vmov s13  }
0x1e3: {  	v27 =	vadd.s32 v0, v8;
	[tilespmem:v16+s28+$0x0] =	vst.idx.msk $0xffff, v10;
	v16 =	vmov s22;
	v10 =	vand.u32 $0x7D, v14;
	v14 =	vld [tilespmem:s21+$0x0]  }
0x1e4: {  	[tilespmem:v17+s28+$0x0] =	vst.idx.msk $0xffff, v11;
	v17 =	vadd.s32 v0, v10;
	v11 =	vand.u32 $0x7E, v16;
	v16 =	vadd.f32 v18, v9;
	v18 =	vld [tilespmem:s14+$0xFFFFFFE0]  }
0x1e5: {  	[tilespmem:v21+s28+$0x0] =	vst.idx.msk $0xffff, v15;
	v15 =	vadd.s32 v0, v11;
	v21 =	vld [tilespmem:s14+$0x20];
	v22 =	vadd.f32 v22, v5  }
0x1e6: {  	v23 =	vadd.f32 v23, v9;
	[tilespmem:v24+s28+$0x0] =	vst.idx.msk $0xffff, v16;
	v16 =	vld [tilespmem:s14+$0xFFFFFFA0];
	v24 =	vadd.s32 v2, v19  }
0x1e7: {  	v29 =	vadd.s32 v2, v20;
	v25 =	vadd.f32 v25, v9;
	v28 =	vld [tilespmem:s21+$0x50];
	[tilespmem:v26+s28+$0x0] =	vst.idx.msk $0xffff, v22  }
0x1e8: {  	[tilespmem:v27+s28+$0x0] =	vst.idx.msk $0xffff, v23;
	v23 =	vadd.s32 v2, v12;
	v14 =	vadd.f32 v14, v9;
	v26 =	vld [tilespmem:s14+$0x70]  }
0x1e9: {  	v27 =	vld [tilespmem:s21+$0xFFFFFF90];
	[tilespmem:v17+s28+$0x0] =	vst.idx.msk $0xffff, v25;
	v25 =	vadd.s32 v1, v7;
	v18 =	vadd.f32 v18, v5  }
0x1ea: {  	v31 =	vadd.s32 v3, v13;
	v30 =	vld [tilespmem:s21+$0xFFFFFFD0];
	[tilespmem:v15+s28+$0x0] =	vst.idx.msk $0xffff, v14;
	v14 =	vadd.f32 v21, v5  }
0x1eb: {  	v22 =	vadd.s32 v1, v8;
	v17 =	vld [tilespmem:s21+$0x10];
	v13 =	vadd.f32 v16, v5;
	[tilespmem:v24+s28+$0x0] =	vst.idx.msk $0xffff, v18  }
0x1ec: {  	s13 =	simm.s32 $0x8;
	v21 =	vadd.s32 v1, v10;
	[tilespmem:v29+s28+$0x0] =	vst.idx.msk $0xffff, v14;
	v18 =	vadd.f32 v28, v6;
	v16 =	vld [tilespmem:s14+$0xFFFFFFF0]  }
0x1ed: {  	v24 =	vmov s13;
	v14 =	vadd.s32 v1, v11;
	v15 =	vld [tilespmem:s14+$0x30];
	[tilespmem:v23+s28+$0x0] =	vst.idx.msk $0xffff, v13;
	v63 =	vadd.f32 v26, v4  }
0x1ee: {  	s7 =	simm.s32 $0x7B80;
	s23 =	simm.s32 $0xB;
	v19 =	vadd.s32 v3, v19;
	v13 =	vand.u32 $0x7C, v24;
	v24 =	vadd.f32 v27, v6;
	[tilespmem:v25+s28+$0x0] =	vst.idx.msk $0xffff, v18;
	v18 =	vld [tilespmem:s14+$0xFFFFFFB0]  }
0x1ef: {  	v20 =	vadd.s32 v3, v20;
	v26 =	vmov s23;
	v23 =	vld [tilespmem:s7+$0x40];
	s14 =	simm.s32 $0xC;
	v25 =	vadd.f32 v30, v6;
	[tilespmem:v31+s28+$0x0] =	vst.idx.msk $0xffff, v63  }
.LBB2_15:
0x1f0: {  	p0 =	slt.u32 s14, $0x7C;
	s9 =	sadd.s32 $0x1, s13;
	v26 =	vand.u32 $0x7F, v26;
	[tilespmem:v22+s28+$0x0] =	vst.idx.msk $0xffff, v24;
	v17 =	vadd.f32 v17, v6;
	v22 =	vld [tilespmem:s21+$0x60];
	v24 =	vadd.s32 v3, v12  }
0x1f1: {  	v30 =	vmovc v11;
	v27 =	vld [tilespmem:s7+$0xFFFFFF80];
	v28 =	vmov s9;
	s9 =	sadd.s32 $0x2, s13;
	v29 =	vadd.s32 v0, v26;
	[tilespmem:v21+s28+$0x0] =	vst.idx.msk $0xffff, v25;
	v16 =	vadd.f32 v16, v4;
	s13 =	smov.u32 s14  }
0x1f2: {  	v12 =	vmovc v8;
	v21 =	vld [tilespmem:s7+$0xFFFFFFC0];
	v11 =	vmov s9;
	[tilespmem:v14+s28+$0x0] =	vst.idx.msk $0xffff, v17;
	v14 =	vadd.s32 v2, v7;
	v15 =	vadd.f32 v15, v4  }
0x1f3: {  	v17 =	vadd.s32 v0, v13;
	v28 =	vand.u32 $0x7D, v28;
	v25 =	vld [tilespmem:s7+$0x0];
	v31 =	vadd.f32 v18, v4;
	[tilespmem:v19+s28+$0x0] =	vst.idx.msk $0xffff, v16  }
0x1f4: {  	v16 =	vadd.s32 v0, v28;
	v11 =	vand.u32 $0x7E, v11;
	v18 =	vadd.f32 v23, v9;
	v19 =	vld [tilespmem:s21+$0xFFFFFFE0];
	[tilespmem:v20+s28+$0x0] =	vst.idx.msk $0xffff, v15  }
0x1f5: {  	v8 =	vmov v13;
	v15 =	vadd.s32 v0, v11;
	v20 =	vld [tilespmem:s21+$0x20];
	v22 =	vadd.f32 v22, v5;
	[tilespmem:v24+s28+$0x0] =	vst.idx.msk $0xffff, v31  }
0x1f6: {  	v23 =	vadd.s32 v2, v10;
	v13 =	vadd.f32 v27, v9;
	[tilespmem:v29+s28+$0x0] =	vst.idx.msk $0xffff, v18;
	v18 =	vld [tilespmem:s21+$0xFFFFFFA0]  }
0x1f7: {  	v27 =	vadd.s32 v2, v30;
	v21 =	vadd.f32 v21, v9;
	v24 =	vld [tilespmem:s7+$0x50];
	[tilespmem:v14+s28+$0x0] =	vst.idx.msk $0xffff, v22  }
0x1f8: {  	[tilespmem:v17+s28+$0x0] =	vst.idx.msk $0xffff, v13;
	v13 =	vadd.f32 v25, v9;
	v25 =	vadd.s32 v2, v12;
	v29 =	vld [tilespmem:s21+$0x70]  }
0x1f9: {  	v32 =	vadd.s32 v1, v26;
	v31 =	vld [tilespmem:s7+$0xFFFFFF90];
	[tilespmem:v16+s28+$0x0] =	vst.idx.msk $0xffff, v21;
	v14 =	vadd.f32 v19, v5  }
0x1fa: {  	v34 =	vadd.s32 v3, v7;
	v7 =	vmov v26;
	v33 =	vld [tilespmem:s7+$0xFFFFFFD0];
	[tilespmem:v15+s28+$0x0] =	vst.idx.msk $0xffff, v13;
	v13 =	vadd.f32 v20, v5  }
.Ltmp6:
0x1fb: {  	v22 =	vadd.s32 v1, v8;
	v17 =	vld [tilespmem:s7+$0x10];
	v15 =	vadd.f32 v18, v5;
	[tilespmem:v23+s28+$0x0] =	vst.idx.msk $0xffff, v14;
	(pc) =	sbr.rel @p0 .LBB2_15-.Ltmp6, $4  }
0x1fc: {  	v21 =	vadd.s32 v1, v28;
	v18 =	vadd.f32 v24, v6;
	v16 =	vld [tilespmem:s21+$0xFFFFFFF0];
	[tilespmem:v27+s28+$0x0] =	vst.idx.msk $0xffff, v13  }
0x1fd: {  	v14 =	vadd.s32 v1, v11;
	v13 =	vmov s14;
	[tilespmem:v25+s28+$0x0] =	vst.idx.msk $0xffff, v15;
	v15 =	vld [tilespmem:s21+$0x30];
	v27 =	vadd.f32 v29, v4  }
0x1fe: {  	s9 =	sadd.s32 $0x3, s14;
	v19 =	vadd.s32 v3, v10;
	v13 =	vand.u32 $0x7C, v13;
	v24 =	vadd.f32 v31, v6;
	[tilespmem:v32+s28+$0x0] =	vst.idx.msk $0xffff, v18;
	v18 =	vld [tilespmem:s21+$0xFFFFFFB0];
	s21 =	smov.u32 s7;
	s7 =	sadd.s32 $0x100, s7  }
0x1ff: {  	v26 =	vmov s9;
	v10 =	vmovc v28;
	v20 =	vadd.s32 v3, v30;
	s14 =	sadd.s32 $0x4, s14;
	v23 =	vld [tilespmem:s7+$0x40];
	v25 =	vadd.f32 v33, v6;
	[tilespmem:v34+s28+$0x0] =	vst.idx.msk $0xffff, v27  }
0x200: {  	s9 =	sadd.s32 $0x1, s13  }
0x201: {  	v26 =	vand.u32 $0x7F, v26;
	s22 =	sadd.s32 $0x2, s13;
	v28 =	vld [tilespmem:s7+$0xFFFFFFC0];
	v27 =	vmov s9  }
0x202: {  	v31 =	vld [tilespmem:s7+$0x0];
	v29 =	vadd.s32 v0, v26;
	v30 =	vmov s22;
	v27 =	vand.u32 $0x7D, v27  }
0x203: {  	v32 =	vld [tilespmem:s7+$0xFFFFFF80];
	v30 =	vand.u32 $0x7E, v30;
	v33 =	vadd.s32 v0, v27  }
0x204: {  	v34 =	vadd.s32 v0, v30  }
0x205: {  	[tilespmem:v22+s28+$0x0] =	vst.idx.msk $0xffff, v24;
	v44 =	vadd.s32 v0, v13;
	v23 =	vadd.f32 v23, v9  }
0x206: {  	[tilespmem:v21+s28+$0x0] =	vst.idx.msk $0xffff, v25;
	v45 =	vadd.f32 v28, v9  }
0x207: {  	v46 =	vadd.f32 v31, v9;
	[tilespmem:v29+s28+$0x0] =	vst.idx.msk $0xffff, v23  }
0x208: {  	v47 =	vadd.f32 v32, v9;
	v48 =	vld [tilespmem:s7+$0x50];
	[tilespmem:v33+s28+$0x0] =	vst.idx.msk $0xffff, v45  }
0x209: {  	v17 =	vadd.f32 v17, v6;
	v12 =	vadd.s32 v3, v12;
	[tilespmem:v34+s28+$0x0] =	vst.idx.msk $0xffff, v46;
	v21 =	vld [tilespmem:s7+$0xFFFFFFD0]  }
0x20a: {  	v16 =	vadd.f32 v16, v4;
	v49 =	vadd.s32 v1, v26;
	[tilespmem:v44+s28+$0x0] =	vst.idx.msk $0xffff, v47;
	v50 =	vld [tilespmem:s7+$0x10]  }
0x20b: {  	[tilespmem:v14+s28+$0x0] =	vst.idx.msk $0xffff, v17;
	v51 =	vadd.f32 v15, v4;
	v53 =	vadd.s32 v1, v27;
	v52 =	vld [tilespmem:s7+$0xFFFFFF90]  }
0x20c: {  	v54 =	vld [tilespmem:s21+$0x60];
	v18 =	vadd.f32 v18, v4;
	[tilespmem:v19+s28+$0x0] =	vst.idx.msk $0xffff, v16;
	v55 =	vadd.s32 v1, v30  }
0x20d: {  	v57 =	vadd.s32 v1, v13;
	v60 =	vld [tilespmem:s21+$0x20];
	[tilespmem:v20+s28+$0x0] =	vst.idx.msk $0xffff, v51;
	v58 =	vadd.f32 v48, v6  }
0x20e: {  	v59 =	vadd.s32 v2, v7;
	v56 =	vld [tilespmem:s21+$0xFFFFFFE0];
	[tilespmem:v12+s28+$0x0] =	vst.idx.msk $0xffff, v18;
	v61 =	vadd.f32 v21, v6  }
0x20f: {  	v62 =	vld [tilespmem:s21+$0xFFFFFFA0];
	v29 =	vadd.s32 v2, v11;
	[tilespmem:v49+s28+$0x0] =	vst.idx.msk $0xffff, v58;
	v28 =	vadd.f32 v50, v6  }
0x210: {  	v63 =	vadd.s32 v2, v10;
	v31 =	vadd.f32 v52, v6;
	v32 =	vld [tilespmem:s7+$0x60];
	[tilespmem:v53+s28+$0x0] =	vst.idx.msk $0xffff, v61  }
0x211: {  	v33 =	vadd.f32 v54, v5;
	v34 =	vadd.s32 v2, v8;
	[tilespmem:v55+s28+$0x0] =	vst.idx.msk $0xffff, v28;
	v35 =	vld [tilespmem:s7+$0xFFFFFFE0]  }
0x212: {  	v37 =	vadd.s32 v2, v26;
	v39 =	vadd.f32 v60, v5;
	[tilespmem:v57+s28+$0x0] =	vst.idx.msk $0xffff, v31;
	v38 =	vld [tilespmem:s7+$0x20]  }
0x213: {  	v41 =	vadd.s32 v2, v27;
	v36 =	vadd.f32 v56, v5;
	[tilespmem:v59+s28+$0x0] =	vst.idx.msk $0xffff, v33;
	v40 =	vld [tilespmem:s7+$0xFFFFFFA0]  }
0x214: {  	v43 =	vadd.s32 v2, v30;
	v18 =	vadd.f32 v62, v5;
	v42 =	vld [tilespmem:s21+$0x70];
	[tilespmem:v29+s28+$0x0] =	vst.idx.msk $0xffff, v39  }
0x215: {  	v45 =	vadd.s32 v2, v13;
	[tilespmem:v63+s28+$0x0] =	vst.idx.msk $0xffff, v36;
	v47 =	vld [tilespmem:s21+$0x30];
	v44 =	vadd.f32 v32, v5  }
0x216: {  	v46 =	vadd.s32 v3, v7;
	[tilespmem:v34+s28+$0x0] =	vst.idx.msk $0xffff, v18;
	v21 =	vld [tilespmem:s21+$0xFFFFFFF0];
	v9 =	vadd.f32 v35, v5  }
0x217: {  	v18 =	vld [tilespmem:s21+$0xFFFFFFB0];
	v50 =	vadd.s32 v3, v11;
	[tilespmem:v37+s28+$0x0] =	vst.idx.msk $0xffff, v44;
	v49 =	vadd.f32 v38, v5  }
0x218: {  	v48 =	vadd.s32 v3, v10;
	v5 =	vadd.f32 v40, v5;
	v12 =	vld [tilespmem:s7+$0x70];
	[tilespmem:v41+s28+$0x0] =	vst.idx.msk $0xffff, v9  }
0x219: {  	v52 =	vadd.s32 v3, v8;
	v51 =	vadd.f32 v42, v4;
	[tilespmem:v43+s28+$0x0] =	vst.idx.msk $0xffff, v49;
	v53 =	vld [tilespmem:s7+$0xFFFFFFF0]  }
0x21a: {  	v55 =	vadd.s32 v3, v26;
	v56 =	vadd.f32 v47, v4;
	[tilespmem:v45+s28+$0x0] =	vst.idx.msk $0xffff, v5;
	v5 =	vld [tilespmem:s7+$0x30]  }
0x21b: {  	v58 =	vadd.s32 v3, v27;
	[tilespmem:v46+s28+$0x0] =	vst.idx.msk $0xffff, v51;
	v54 =	vadd.f32 v21, v4;
	v57 =	vld [tilespmem:s7+$0xFFFFFFB0]  }
0x21c: {  	v60 =	vadd.s32 v3, v30;
	v59 =	vadd.f32 v18, v4;
	[tilespmem:v50+s28+$0x0] =	vst.idx.msk $0xffff, v56  }
0x21d: {  	v62 =	vadd.s32 v3, v13;
	[tilespmem:v48+s28+$0x0] =	vst.idx.msk $0xffff, v54;
	v61 =	vadd.f32 v12, v4  }
0x21e: {  	s6 =	sshll.u32 s6, $0xA;
	[tilespmem:v52+s28+$0x0] =	vst.idx.msk $0xffff, v59;
	v63 =	vadd.f32 v53, v4  }
0x21f: {  	s23 =	sshll.u32 s20, $0x10;
	s6 =	sand.u32 $0x1C00, s6;
	[tilespmem:v55+s28+$0x0] =	vst.idx.msk $0xffff, v61;
	v5 =	vadd.f32 v5, v4  }
0x220: {  	s6 =	sor.u32 s6, s23;
	v4 =	vadd.f32 v57, v4;
	[tilespmem:v58+s28+$0x0] =	vst.idx.msk $0xffff, v63  }
0x221: {  	s6 =	sshrl.u32 s6, $0x3;
	[tilespmem:v60+s28+$0x0] =	vst.idx.msk $0xffff, v5  }
0x222: {  	s9 =	simm.s32 $0xBB00;
	s7 =	sadd.s32 s2, s6;
	[tilespmem:v62+s28+$0x0] =	vst.idx.msk $0xffff, v4  }
0x223: {  	[hbm4b:s7+s3] =	stream.linear.scatter [tilespmem:s9], [sflag:$0x6], $0x80, $0x38;
	[tilespmem:$0x10F00] =	vst v63  }
0x224: {  	s13 =	simm.s32 $0xBB88;
	s14 =	sadd.s32 $0x10, s7  }
0x225: {  	[hbm4b:s14+s3] =	stream.linear.scatter [tilespmem:s13], [sflag:$0x6], $0x80, $0x38;
	[tilespmem:$0x10F00] =	vst v63  }
0x226: {  	s20 =	simm.s32 $0xBC10;
	s22 =	simm.s32 $0xBC98;
	s21 =	sadd.s32 $0x20, s7  }
0x227: {  	[hbm4b:s21+s3] =	stream.linear.scatter [tilespmem:s20], [sflag:$0x6], $0x80, $0x38;
	[tilespmem:$0x10F00] =	vst v63  }
0x228: {  	s6 =	simm.s32 $0x440;
	s23 =	sadd.s32 $0x30, s7;
	s13 =	simm.s32 $0xBD20  }
0x229: {  	[hbm4b:s23+s3] =	stream.linear.scatter [tilespmem:s22], [sflag:$0x6], $0x80, $0x38;
	[tilespmem:$0x10F00] =	vst v63  }
0x22a: {  	s14 =	sadd.s32 $0x40, s7;
	s20 =	simm.s32 $0xBDA8;
	s21 =	sadd.s32 $0x50, s7  }
0x22b: {  	[hbm4b:s14+s3] =	stream.linear.scatter [tilespmem:s13], [sflag:$0x6], $0x80, $0x38;
	[tilespmem:$0x10F00] =	vst v63  }
0x22c: {  	s22 =	simm.s32 $0xBE30;
	s23 =	sadd.s32 $0x60, s7;
	s13 =	simm.s32 $0x2200  }
0x22d: {  	[hbm4b:s21+s3] =	stream.linear.scatter [tilespmem:s20], [sflag:$0x6], $0x80, $0x38;
	[tilespmem:$0x10F00] =	vst v63  }
0x22e: {  	s14 =	simm.s32 $0xBEB8;
	s20 =	sadd.s32 $0x70, s7;
	s7 =	sadd.s32 $0x400, s7  }
0x22f: {  	[hbm4b:s23+s3] =	stream.linear.scatter [tilespmem:s22], [sflag:$0x6], $0x80, $0x38;
	[tilespmem:$0x10F00] =	vst v63  }
.LBB2_17:
0x230: {  	[hbm4b:s20+s3] =	stream.linear.scatter [tilespmem:s14], [sflag:$0x6], $0x80, $0x38;
	[tilespmem:$0x10F00] =	vst v63  }
0x231: {  	s9 =	smov.u32 s6;
	s6 =	smov.u32 s13  }
0x232: {  	s21 =	sadd.s32 $0x1100, s13;
	s6 =	sshra.s32 s6, $0x2;
	s14 =	sadd.s32 $0xBB00, s9  }
0x233: {  	[hbm4b:s7+s3] =	stream.linear.scatter [tilespmem:s14], [sflag:$0x6], $0x80, $0x38;
	[tilespmem:$0x10F00] =	vst v63  }
0x234: {  	p0 =	sne.s32 s13, $0x7700;
	s13 =	sadd.s32 $0xBB88, s9;
	s14 =	sadd.s32 $0x10, s7  }
0x235: {  	[hbm4b:s14+s3] =	stream.linear.scatter [tilespmem:s13], [sflag:$0x6], $0x80, $0x38;
	[tilespmem:$0x10F00] =	vst v63  }
0x236: {  	s13 =	sadd.s32 $0xBC10, s9;
	s14 =	sadd.s32 $0x20, s7  }
0x237: {  	[hbm4b:s14+s3] =	stream.linear.scatter [tilespmem:s13], [sflag:$0x6], $0x80, $0x38;
	[tilespmem:$0x10F00] =	vst v63  }
0x238: {  	s13 =	sadd.s32 $0xBC98, s9;
	s14 =	sadd.s32 $0x30, s7  }
0x239: {  	[hbm4b:s14+s3] =	stream.linear.scatter [tilespmem:s13], [sflag:$0x6], $0x80, $0x38;
	[tilespmem:$0x10F00] =	vst v63  }
0x23a: {  	s13 =	sadd.s32 $0xBD20, s9;
	s14 =	sadd.s32 $0x40, s7  }
0x23b: {  	[hbm4b:s14+s3] =	stream.linear.scatter [tilespmem:s13], [sflag:$0x6], $0x80, $0x38;
	[tilespmem:$0x10F00] =	vst v63  }
.Ltmp7:
0x23c: {  	s13 =	sadd.s32 $0xBDA8, s9;
	s14 =	sadd.s32 $0x50, s7;
	(pc) =	sbr.rel @p0 .LBB2_17-.Ltmp7, $4  }
0x23d: {  	[hbm4b:s14+s3] =	stream.linear.scatter [tilespmem:s13], [sflag:$0x6], $0x80, $0x38;
	[tilespmem:$0x10F00] =	vst v63  }
0x23e: {  	s20 =	sadd.s32 $0x70, s7;
	s13 =	sadd.s32 $0xBE30, s9;
	s14 =	sadd.s32 $0x60, s7  }
0x23f: {  	[hbm4b:s14+s3] =	stream.linear.scatter [tilespmem:s13], [sflag:$0x6], $0x80, $0x38;
	[tilespmem:$0x10F00] =	vst v63  }
0x240: {  	s7 =	sadd.s32 $0x400, s7;
	s14 =	sadd.s32 $0xBEB8, s9;
	s13 =	smov.u32 s21  }
0x241: {  	[hbm4b:s20+s3] =	stream.linear.scatter [tilespmem:s14], [sflag:$0x6], $0x80, $0x38;
	[tilespmem:$0x10F00] =	vst v63  }
0x242: {  	s9 =	sadd.s32 $0xBB00, s6  }
0x243: {  	[hbm4b:s7+s3] =	stream.linear.scatter [tilespmem:s9], [sflag:$0x6], $0x80, $0x38;
	[tilespmem:$0x10F00] =	vst v63  }
0x244: {  	s23 =	sadd.s32 $0xBB88, s6;
	s13 =	sadd.s32 $0x10, s7  }
0x245: {  	[hbm4b:s13+s3] =	stream.linear.scatter [tilespmem:s23], [sflag:$0x6], $0x80, $0x38;
	[tilespmem:$0x10F00] =	vst v63  }
0x246: {  	s14 =	sadd.s32 $0x20, s7;
	s13 =	sadd.s32 $0xBC10, s6  }
0x247: {  	[hbm4b:s14+s3] =	stream.linear.scatter [tilespmem:s13], [sflag:$0x6], $0x80, $0x38;
	[tilespmem:$0x10F00] =	vst v63  }
0x248: {  	s20 =	sadd.s32 $0xBC98, s6;
	s21 =	sadd.s32 $0x30, s7  }
0x249: {  	[hbm4b:s21+s3] =	stream.linear.scatter [tilespmem:s20], [sflag:$0x6], $0x80, $0x38;
	[tilespmem:$0x10F00] =	vst v63  }
0x24a: {  	s22 =	sadd.s32 $0xBD20, s6;
	s23 =	sadd.s32 $0x40, s7;
	s13 =	sadd.s32 $0xBDA8, s6  }
0x24b: {  	[hbm4b:s23+s3] =	stream.linear.scatter [tilespmem:s22], [sflag:$0x6], $0x80, $0x38;
	[tilespmem:$0x10F00] =	vst v63  }
0x24c: {  	s20 =	sadd.s32 $0xBE30, s6;
	s22 =	sadd.s32 $0xBEB8, s6;
	s6 =	sadd.s32 $0x7, s19  }
0x24d: {  	s14 =	sadd.s32 $0x50, s7;
	p0 =	sge.u32 s6, s8  }
0x24e: {  	[hbm4b:s14+s3] =	stream.linear.scatter [tilespmem:s13], [sflag:$0x6], $0x80, $0x38;
	[tilespmem:$0x10F00] =	vst v63  }
0x24f: {  	s21 =	sadd.s32 $0x60, s7;
	s6 =	ssub.s32 @!p0 s6, s5  }
0x250: {  	[hbm4b:s21+s3] =	stream.linear.scatter [tilespmem:s20], [sflag:$0x6], $0x80, $0x38;
	[tilespmem:$0x10F00] =	vst v63  }
0x251: {  	s15 =	sadd.s32 $0x1, s15;
	s23 =	sadd.s32 $0x70, s7;
	s6 =	sshll.u32 @!p0 s6, $0x9  }
0x252: {  	[hbm4b:s23+s3] =	stream.linear.scatter [tilespmem:s22], [sflag:$0x6], $0x80, $0x38;
	[tilespmem:$0x10F00] =	vst v63  }
0x253: {  	s7 =	simm.s32 @!p0 $0x80;
	s9 =	simm.s32 @!p0 $0x7900;
	s6 =	sshra.s32 @!p0 s6, $0x2  }
0x254: {  	[tilespmem:s9], [sflag:$0x4] =	stream.indirect.gather @!p0 [hbm4b:s4+s7], $0x40, s6, s7, $0xb8;
	[tilespmem:$0x10F00] =	vst v63  }
0x255: {  	p0 =	sne.s32 s15, $0xC  }
.Ltmp8:
0x256: {  	_ = 	snop;
	(pc) =	sbr.rel @p0 .LBB2_2-.Ltmp8, $1  }
0x257: {  	_ =	sdelay $0x3  }
0x258: {  	_ =	swait.ge [sflag:s24], $0x2000  }
0x259: {  	[sflag:s24] =	ssyncset.done $0x0  }
0x25a: {  	[sflag:s24] =	ssyncadd.s32 $0xFFFFE000  }
0x25b: {  	_ =	swait.ge [sflag:s30], $0x2000  }
0x25c: {  	[sflag:s30] =	ssyncset.done $0x0  }
0x25d: {  	s9 =	rddreg [dreg:$0x5];
	[sflag:s30] =	ssyncadd.s32 $0xFFFFE000  }
0x25e: {  	s14 =	simm.s32 $0x1980;
	s6 =	simm.s32 $0x3;
	v9 =	vld [tilespmem:s9+$0xDD00]  }
0x25f: {  	v4 =	vmov s6;
	v7 =	vld [tilespmem:s14+$0x40]  }
0x260: {  	v13 =	vand.u32 $0x7F, v4  }
0x261: {  	s13 =	simm.s32 $0x0;
	v8 =	vadd.s32 v0, v13;
	v6 =	vld [tilespmem:s9+$0xDD10]  }
0x262: {  	s15 =	simm.s32 $0x1;
	s7 =	simm.s32 $0x2;
	v4 =	vmov s13;
	v10 =	vld [tilespmem:s14+$0xFFFFFF80]  }
0x263: {  	v14 =	vmov s7;
	v12 =	vand.u32 $0x7C, v4;
	v4 =	vmov s15;
	v11 =	vld [tilespmem:s14+$0xFFFFFFC0]  }
0x264: {  	v15 =	vadd.s32 v0, v12;
	v19 =	vand.u32 $0x7D, v4;
	v16 =	vld [tilespmem:s14+$0x0];
	v7 =	vadd.f32 v7, v9  }
0x265: {  	v20 =	vand.u32 $0x7E, v14;
	v17 =	vadd.s32 v0, v19;
	v5 =	vld [tilespmem:s9+$0xDD20]  }
0x266: {  	v14 =	vadd.s32 v0, v20;
	v4 =	vld [tilespmem:s9+$0xDD30];
	[tilespmem:v8+s25+$0x0] =	vst.idx.msk $0xffff, v7  }
0x267: {  	v7 =	vadd.f32 v10, v9;
	v8 =	vld [tilespmem:s14+$0x50]  }
0x268: {  	v10 =	vadd.f32 v11, v9  }
0x269: {  	v11 =	vadd.s32 v1, v13;
	[tilespmem:v15+s25+$0x0] =	vst.idx.msk $0xffff, v7;
	v7 =	vadd.f32 v16, v9  }
0x26a: {  	[tilespmem:v17+s25+$0x0] =	vst.idx.msk $0xffff, v10;
	v15 =	vld [tilespmem:s14+$0xFFFFFF90]  }
0x26b: {  	v10 =	vld [tilespmem:s14+$0xFFFFFFD0];
	[tilespmem:v14+s25+$0x0] =	vst.idx.msk $0xffff, v7  }
0x26c: {  	v14 =	vld [tilespmem:s14+$0x10];
	v7 =	vadd.f32 v8, v6  }
0x26d: {  	s20 =	simm.s32 $0x7;
	s6 =	simm.s32 $0x1A80;
	v16 =	vadd.s32 v1, v19  }
0x26e: {  	s19 =	simm.s32 $0x4;
	v26 =	vadd.s32 v2, v13;
	v18 =	vld [tilespmem:s6+$0x40];
	v17 =	vadd.s32 v1, v20;
	[tilespmem:v11+s25+$0x0] =	vst.idx.msk $0xffff, v7;
	v7 =	vmov s20  }
0x26f: {  	v21 =	vadd.s32 v1, v12;
	v8 =	vmov s19;
	v7 =	vand.u32 $0x7F, v7;
	v22 =	vld [tilespmem:s14+$0x60]  }
0x270: {  	s21 =	simm.s32 $0x5;
	v23 =	vld [tilespmem:s6+$0xFFFFFF80];
	v8 =	vand.u32 $0x7C, v8;
	v10 =	vadd.f32 v10, v6;
	v24 =	vadd.s32 v0, v7  }
0x271: {  	s22 =	simm.s32 $0x6;
	v25 =	vld [tilespmem:s6+$0xFFFFFFC0];
	v15 =	vadd.f32 v15, v6;
	v11 =	vadd.f32 v14, v6;
	v14 =	vmov s21  }
0x272: {  	v27 =	vadd.s32 v0, v8;
	[tilespmem:v16+s25+$0x0] =	vst.idx.msk $0xffff, v10;
	v16 =	vmov s22;
	v10 =	vand.u32 $0x7D, v14;
	v14 =	vld [tilespmem:s6+$0x0]  }
0x273: {  	[tilespmem:v17+s25+$0x0] =	vst.idx.msk $0xffff, v11;
	v17 =	vadd.s32 v0, v10;
	v11 =	vand.u32 $0x7E, v16;
	v16 =	vadd.f32 v18, v9;
	v18 =	vld [tilespmem:s14+$0xFFFFFFE0]  }
0x274: {  	[tilespmem:v21+s25+$0x0] =	vst.idx.msk $0xffff, v15;
	v15 =	vadd.s32 v0, v11;
	v21 =	vld [tilespmem:s14+$0x20];
	v22 =	vadd.f32 v22, v5  }
0x275: {  	v23 =	vadd.f32 v23, v9;
	[tilespmem:v24+s25+$0x0] =	vst.idx.msk $0xffff, v16;
	v16 =	vld [tilespmem:s14+$0xFFFFFFA0];
	v24 =	vadd.s32 v2, v19  }
0x276: {  	v29 =	vadd.s32 v2, v20;
	v25 =	vadd.f32 v25, v9;
	v28 =	vld [tilespmem:s6+$0x50];
	[tilespmem:v26+s25+$0x0] =	vst.idx.msk $0xffff, v22  }
0x277: {  	[tilespmem:v27+s25+$0x0] =	vst.idx.msk $0xffff, v23;
	v23 =	vadd.s32 v2, v12;
	v14 =	vadd.f32 v14, v9;
	v26 =	vld [tilespmem:s14+$0x70]  }
0x278: {  	v27 =	vld [tilespmem:s6+$0xFFFFFF90];
	[tilespmem:v17+s25+$0x0] =	vst.idx.msk $0xffff, v25;
	v25 =	vadd.s32 v1, v7;
	v18 =	vadd.f32 v18, v5  }
0x279: {  	v31 =	vadd.s32 v3, v13;
	v30 =	vld [tilespmem:s6+$0xFFFFFFD0];
	[tilespmem:v15+s25+$0x0] =	vst.idx.msk $0xffff, v14;
	v14 =	vadd.f32 v21, v5  }
0x27a: {  	v22 =	vadd.s32 v1, v8;
	v17 =	vld [tilespmem:s6+$0x10];
	v13 =	vadd.f32 v16, v5;
	[tilespmem:v24+s25+$0x0] =	vst.idx.msk $0xffff, v18  }
0x27b: {  	s13 =	simm.s32 $0x8;
	v21 =	vadd.s32 v1, v10;
	[tilespmem:v29+s25+$0x0] =	vst.idx.msk $0xffff, v14;
	v18 =	vadd.f32 v28, v6;
	v16 =	vld [tilespmem:s14+$0xFFFFFFF0]  }
0x27c: {  	v24 =	vmov s13;
	v14 =	vadd.s32 v1, v11;
	v15 =	vld [tilespmem:s14+$0x30];
	[tilespmem:v23+s25+$0x0] =	vst.idx.msk $0xffff, v13;
	v63 =	vadd.f32 v26, v4  }
0x27d: {  	s23 =	simm.s32 $0xB;
	s7 =	simm.s32 $0x1B80;
	v19 =	vadd.s32 v3, v19;
	v13 =	vand.u32 $0x7C, v24;
	v24 =	vadd.f32 v27, v6;
	[tilespmem:v25+s25+$0x0] =	vst.idx.msk $0xffff, v18;
	v18 =	vld [tilespmem:s14+$0xFFFFFFB0]  }
0x27e: {  	v20 =	vadd.s32 v3, v20;
	v26 =	vmov s23;
	v23 =	vld [tilespmem:s7+$0x40];
	s14 =	simm.s32 $0xC;
	v25 =	vadd.f32 v30, v6;
	[tilespmem:v31+s25+$0x0] =	vst.idx.msk $0xffff, v63  }
.LBB2_20:
0x27f: {  	p0 =	slt.u32 s14, $0x7C;
	s9 =	sadd.s32 $0x1, s13;
	v26 =	vand.u32 $0x7F, v26;
	[tilespmem:v22+s25+$0x0] =	vst.idx.msk $0xffff, v24;
	v17 =	vadd.f32 v17, v6;
	v22 =	vld [tilespmem:s6+$0x60];
	v24 =	vadd.s32 v3, v12  }
0x280: {  	v30 =	vmovc v11;
	v27 =	vld [tilespmem:s7+$0xFFFFFF80];
	v28 =	vmov s9;
	s9 =	sadd.s32 $0x2, s13;
	v29 =	vadd.s32 v0, v26;
	[tilespmem:v21+s25+$0x0] =	vst.idx.msk $0xffff, v25;
	v16 =	vadd.f32 v16, v4;
	s13 =	smov.u32 s14  }
0x281: {  	v12 =	vmovc v8;
	v21 =	vld [tilespmem:s7+$0xFFFFFFC0];
	v11 =	vmov s9;
	[tilespmem:v14+s25+$0x0] =	vst.idx.msk $0xffff, v17;
	v14 =	vadd.s32 v2, v7;
	v15 =	vadd.f32 v15, v4  }
0x282: {  	v17 =	vadd.s32 v0, v13;
	v28 =	vand.u32 $0x7D, v28;
	v25 =	vld [tilespmem:s7+$0x0];
	v31 =	vadd.f32 v18, v4;
	[tilespmem:v19+s25+$0x0] =	vst.idx.msk $0xffff, v16  }
0x283: {  	v16 =	vadd.s32 v0, v28;
	v11 =	vand.u32 $0x7E, v11;
	v18 =	vadd.f32 v23, v9;
	v19 =	vld [tilespmem:s6+$0xFFFFFFE0];
	[tilespmem:v20+s25+$0x0] =	vst.idx.msk $0xffff, v15  }
0x284: {  	v8 =	vmov v13;
	v15 =	vadd.s32 v0, v11;
	v20 =	vld [tilespmem:s6+$0x20];
	v22 =	vadd.f32 v22, v5;
	[tilespmem:v24+s25+$0x0] =	vst.idx.msk $0xffff, v31  }
0x285: {  	v23 =	vadd.s32 v2, v10;
	v13 =	vadd.f32 v27, v9;
	[tilespmem:v29+s25+$0x0] =	vst.idx.msk $0xffff, v18;
	v18 =	vld [tilespmem:s6+$0xFFFFFFA0]  }
0x286: {  	v27 =	vadd.s32 v2, v30;
	v21 =	vadd.f32 v21, v9;
	v24 =	vld [tilespmem:s7+$0x50];
	[tilespmem:v14+s25+$0x0] =	vst.idx.msk $0xffff, v22  }
0x287: {  	[tilespmem:v17+s25+$0x0] =	vst.idx.msk $0xffff, v13;
	v13 =	vadd.f32 v25, v9;
	v25 =	vadd.s32 v2, v12;
	v29 =	vld [tilespmem:s6+$0x70]  }
0x288: {  	v32 =	vadd.s32 v1, v26;
	v31 =	vld [tilespmem:s7+$0xFFFFFF90];
	[tilespmem:v16+s25+$0x0] =	vst.idx.msk $0xffff, v21;
	v14 =	vadd.f32 v19, v5  }
0x289: {  	v34 =	vadd.s32 v3, v7;
	v7 =	vmov v26;
	v33 =	vld [tilespmem:s7+$0xFFFFFFD0];
	[tilespmem:v15+s25+$0x0] =	vst.idx.msk $0xffff, v13;
	v13 =	vadd.f32 v20, v5  }
.Ltmp9:
0x28a: {  	v22 =	vadd.s32 v1, v8;
	v17 =	vld [tilespmem:s7+$0x10];
	v15 =	vadd.f32 v18, v5;
	[tilespmem:v23+s25+$0x0] =	vst.idx.msk $0xffff, v14;
	(pc) =	sbr.rel @p0 .LBB2_20-.Ltmp9, $4  }
0x28b: {  	v21 =	vadd.s32 v1, v28;
	v18 =	vadd.f32 v24, v6;
	v16 =	vld [tilespmem:s6+$0xFFFFFFF0];
	[tilespmem:v27+s25+$0x0] =	vst.idx.msk $0xffff, v13  }
0x28c: {  	v14 =	vadd.s32 v1, v11;
	v13 =	vmov s14;
	[tilespmem:v25+s25+$0x0] =	vst.idx.msk $0xffff, v15;
	v15 =	vld [tilespmem:s6+$0x30];
	v27 =	vadd.f32 v29, v4  }
0x28d: {  	s9 =	sadd.s32 $0x3, s14;
	v19 =	vadd.s32 v3, v10;
	v13 =	vand.u32 $0x7C, v13;
	v24 =	vadd.f32 v31, v6;
	[tilespmem:v32+s25+$0x0] =	vst.idx.msk $0xffff, v18;
	v18 =	vld [tilespmem:s6+$0xFFFFFFB0];
	s6 =	smov.u32 s7;
	s7 =	sadd.s32 $0x100, s7  }
0x28e: {  	v26 =	vmov s9;
	v10 =	vmovc v28;
	v20 =	vadd.s32 v3, v30;
	s14 =	sadd.s32 $0x4, s14;
	v23 =	vld [tilespmem:s7+$0x40];
	v25 =	vadd.f32 v33, v6;
	[tilespmem:v34+s25+$0x0] =	vst.idx.msk $0xffff, v27  }
0x28f: {  	s9 =	sadd.s32 $0x1, s13  }
0x290: {  	v26 =	vand.u32 $0x7F, v26;
	s20 =	sadd.s32 $0x2, s13;
	v28 =	vld [tilespmem:s7+$0xFFFFFFC0];
	v27 =	vmov s9  }
0x291: {  	v31 =	vld [tilespmem:s7+$0x0];
	v29 =	vadd.s32 v0, v26;
	v30 =	vmov s20;
	v27 =	vand.u32 $0x7D, v27  }
0x292: {  	v32 =	vld [tilespmem:s7+$0xFFFFFF80];
	v30 =	vand.u32 $0x7E, v30;
	v33 =	vadd.s32 v0, v27  }
0x293: {  	v34 =	vadd.s32 v0, v30  }
0x294: {  	[tilespmem:v22+s25+$0x0] =	vst.idx.msk $0xffff, v24;
	v44 =	vadd.s32 v0, v13;
	v23 =	vadd.f32 v23, v9  }
0x295: {  	[tilespmem:v21+s25+$0x0] =	vst.idx.msk $0xffff, v25;
	v45 =	vadd.f32 v28, v9  }
0x296: {  	v46 =	vadd.f32 v31, v9;
	[tilespmem:v29+s25+$0x0] =	vst.idx.msk $0xffff, v23  }
0x297: {  	v47 =	vadd.f32 v32, v9;
	v48 =	vld [tilespmem:s7+$0x50];
	[tilespmem:v33+s25+$0x0] =	vst.idx.msk $0xffff, v45  }
0x298: {  	v17 =	vadd.f32 v17, v6;
	v12 =	vadd.s32 v3, v12;
	[tilespmem:v34+s25+$0x0] =	vst.idx.msk $0xffff, v46;
	v21 =	vld [tilespmem:s7+$0xFFFFFFD0]  }
0x299: {  	v16 =	vadd.f32 v16, v4;
	v49 =	vadd.s32 v1, v26;
	[tilespmem:v44+s25+$0x0] =	vst.idx.msk $0xffff, v47;
	v50 =	vld [tilespmem:s7+$0x10]  }
0x29a: {  	[tilespmem:v14+s25+$0x0] =	vst.idx.msk $0xffff, v17;
	v51 =	vadd.f32 v15, v4;
	v53 =	vadd.s32 v1, v27;
	v52 =	vld [tilespmem:s7+$0xFFFFFF90]  }
0x29b: {  	v54 =	vld [tilespmem:s6+$0x60];
	v18 =	vadd.f32 v18, v4;
	[tilespmem:v19+s25+$0x0] =	vst.idx.msk $0xffff, v16;
	v55 =	vadd.s32 v1, v30  }
0x29c: {  	v57 =	vadd.s32 v1, v13;
	v60 =	vld [tilespmem:s6+$0x20];
	[tilespmem:v20+s25+$0x0] =	vst.idx.msk $0xffff, v51;
	v58 =	vadd.f32 v48, v6  }
0x29d: {  	v59 =	vadd.s32 v2, v7;
	v56 =	vld [tilespmem:s6+$0xFFFFFFE0];
	[tilespmem:v12+s25+$0x0] =	vst.idx.msk $0xffff, v18;
	v61 =	vadd.f32 v21, v6  }
0x29e: {  	v62 =	vld [tilespmem:s6+$0xFFFFFFA0];
	v29 =	vadd.s32 v2, v11;
	[tilespmem:v49+s25+$0x0] =	vst.idx.msk $0xffff, v58;
	v28 =	vadd.f32 v50, v6  }
0x29f: {  	v63 =	vadd.s32 v2, v10;
	v31 =	vadd.f32 v52, v6;
	v32 =	vld [tilespmem:s7+$0x60];
	[tilespmem:v53+s25+$0x0] =	vst.idx.msk $0xffff, v61  }
0x2a0: {  	v33 =	vadd.f32 v54, v5;
	v34 =	vadd.s32 v2, v8;
	[tilespmem:v55+s25+$0x0] =	vst.idx.msk $0xffff, v28;
	v35 =	vld [tilespmem:s7+$0xFFFFFFE0]  }
0x2a1: {  	v37 =	vadd.s32 v2, v26;
	v39 =	vadd.f32 v60, v5;
	[tilespmem:v57+s25+$0x0] =	vst.idx.msk $0xffff, v31;
	v38 =	vld [tilespmem:s7+$0x20]  }
0x2a2: {  	v41 =	vadd.s32 v2, v27;
	v36 =	vadd.f32 v56, v5;
	[tilespmem:v59+s25+$0x0] =	vst.idx.msk $0xffff, v33;
	v40 =	vld [tilespmem:s7+$0xFFFFFFA0]  }
0x2a3: {  	v43 =	vadd.s32 v2, v30;
	v18 =	vadd.f32 v62, v5;
	v42 =	vld [tilespmem:s6+$0x70];
	[tilespmem:v29+s25+$0x0] =	vst.idx.msk $0xffff, v39  }
0x2a4: {  	v45 =	vadd.s32 v2, v13;
	[tilespmem:v63+s25+$0x0] =	vst.idx.msk $0xffff, v36;
	v47 =	vld [tilespmem:s6+$0x30];
	v44 =	vadd.f32 v32, v5  }
0x2a5: {  	v46 =	vadd.s32 v3, v7;
	[tilespmem:v34+s25+$0x0] =	vst.idx.msk $0xffff, v18;
	v21 =	vld [tilespmem:s6+$0xFFFFFFF0];
	v9 =	vadd.f32 v35, v5  }
0x2a6: {  	v18 =	vld [tilespmem:s6+$0xFFFFFFB0];
	v50 =	vadd.s32 v3, v11;
	[tilespmem:v37+s25+$0x0] =	vst.idx.msk $0xffff, v44;
	v49 =	vadd.f32 v38, v5  }
0x2a7: {  	v48 =	vadd.s32 v3, v10;
	v5 =	vadd.f32 v40, v5;
	v12 =	vld [tilespmem:s7+$0x70];
	[tilespmem:v41+s25+$0x0] =	vst.idx.msk $0xffff, v9  }
0x2a8: {  	v52 =	vadd.s32 v3, v8;
	v51 =	vadd.f32 v42, v4;
	[tilespmem:v43+s25+$0x0] =	vst.idx.msk $0xffff, v49;
	v53 =	vld [tilespmem:s7+$0xFFFFFFF0]  }
0x2a9: {  	v55 =	vadd.s32 v3, v26;
	v56 =	vadd.f32 v47, v4;
	[tilespmem:v45+s25+$0x0] =	vst.idx.msk $0xffff, v5;
	v5 =	vld [tilespmem:s7+$0x30]  }
0x2aa: {  	v58 =	vadd.s32 v3, v27;
	[tilespmem:v46+s25+$0x0] =	vst.idx.msk $0xffff, v51;
	v54 =	vadd.f32 v21, v4;
	v57 =	vld [tilespmem:s7+$0xFFFFFFB0]  }
0x2ab: {  	v60 =	vadd.s32 v3, v30;
	v59 =	vadd.f32 v18, v4;
	[tilespmem:v50+s25+$0x0] =	vst.idx.msk $0xffff, v56  }
0x2ac: {  	v62 =	vadd.s32 v3, v13;
	[tilespmem:v48+s25+$0x0] =	vst.idx.msk $0xffff, v54;
	v61 =	vadd.f32 v12, v4  }
0x2ad: {  	[tilespmem:v52+s25+$0x0] =	vst.idx.msk $0xffff, v59;
	v63 =	vadd.f32 v53, v4  }
0x2ae: {  	[tilespmem:v55+s25+$0x0] =	vst.idx.msk $0xffff, v61;
	v5 =	vadd.f32 v5, v4  }
0x2af: {  	v4 =	vadd.f32 v57, v4;
	[tilespmem:v58+s25+$0x0] =	vst.idx.msk $0xffff, v63  }
0x2b0: {  	[tilespmem:v60+s25+$0x0] =	vst.idx.msk $0xffff, v5  }
0x2b1: {  	s21 =	simm.s32 $0x9900;
	[tilespmem:v62+s25+$0x0] =	vst.idx.msk $0xffff, v4  }
0x2b2: {  	[hbm4b:s10+s3] =	stream.linear.scatter [tilespmem:s21], [sflag:$0x5], $0x80, $0x38;
	[tilespmem:$0x10F00] =	vst v63  }
0x2b3: {  	s22 =	simm.s32 $0x9988;
	s23 =	sadd.s32 $0x10, s10  }
0x2b4: {  	[hbm4b:s23+s3] =	stream.linear.scatter [tilespmem:s22], [sflag:$0x5], $0x80, $0x38;
	[tilespmem:$0x10F00] =	vst v63  }
0x2b5: {  	s13 =	simm.s32 $0x9A98;
	s9 =	sadd.s32 $0x20, s10;
	s7 =	simm.s32 $0x9A10  }
0x2b6: {  	[hbm4b:s9+s3] =	stream.linear.scatter [tilespmem:s7], [sflag:$0x5], $0x80, $0x38;
	[tilespmem:$0x10F00] =	vst v63  }
0x2b7: {  	s14 =	sadd.s32 $0x30, s10;
	s15 =	simm.s32 $0x9B20;
	s19 =	sadd.s32 $0x40, s10  }
0x2b8: {  	[hbm4b:s14+s3] =	stream.linear.scatter [tilespmem:s13], [sflag:$0x5], $0x80, $0x38;
	[tilespmem:$0x10F00] =	vst v63  }
0x2b9: {  	s20 =	simm.s32 $0x9BA8;
	s6 =	simm.s32 $0x440;
	s21 =	sadd.s32 $0x50, s10  }
0x2ba: {  	[hbm4b:s19+s3] =	stream.linear.scatter [tilespmem:s15], [sflag:$0x5], $0x80, $0x38;
	[tilespmem:$0x10F00] =	vst v63  }
0x2bb: {  	s22 =	simm.s32 $0x9C30;
	s23 =	sadd.s32 $0x60, s10;
	s7 =	sadd.s32 $0x400, s10  }
0x2bc: {  	[hbm4b:s21+s3] =	stream.linear.scatter [tilespmem:s20], [sflag:$0x5], $0x80, $0x38;
	[tilespmem:$0x10F00] =	vst v63  }
0x2bd: {  	s13 =	simm.s32 $0x2200;
	s14 =	simm.s32 $0x9CB8;
	s15 =	sadd.s32 $0x70, s10  }
0x2be: {  	[hbm4b:s23+s3] =	stream.linear.scatter [tilespmem:s22], [sflag:$0x5], $0x80, $0x38;
	[tilespmem:$0x10F00] =	vst v63  }
.LBB2_22:
0x2bf: {  	[hbm4b:s15+s3] =	stream.linear.scatter [tilespmem:s14], [sflag:$0x5], $0x80, $0x38;
	[tilespmem:$0x10F00] =	vst v63  }
0x2c0: {  	s9 =	smov.u32 s6;
	s6 =	smov.u32 s13  }
0x2c1: {  	s19 =	sadd.s32 $0x1100, s13;
	s6 =	sshra.s32 s6, $0x2;
	s14 =	sadd.s32 $0x9900, s9  }
0x2c2: {  	[hbm4b:s7+s3] =	stream.linear.scatter [tilespmem:s14], [sflag:$0x5], $0x80, $0x38;
	[tilespmem:$0x10F00] =	vst v63  }
0x2c3: {  	p0 =	sne.s32 s13, $0x7700;
	s13 =	sadd.s32 $0x9988, s9;
	s14 =	sadd.s32 $0x10, s7  }
0x2c4: {  	[hbm4b:s14+s3] =	stream.linear.scatter [tilespmem:s13], [sflag:$0x5], $0x80, $0x38;
	[tilespmem:$0x10F00] =	vst v63  }
0x2c5: {  	s13 =	sadd.s32 $0x9A10, s9;
	s14 =	sadd.s32 $0x20, s7  }
0x2c6: {  	[hbm4b:s14+s3] =	stream.linear.scatter [tilespmem:s13], [sflag:$0x5], $0x80, $0x38;
	[tilespmem:$0x10F00] =	vst v63  }
0x2c7: {  	s13 =	sadd.s32 $0x9A98, s9;
	s14 =	sadd.s32 $0x30, s7  }
0x2c8: {  	[hbm4b:s14+s3] =	stream.linear.scatter [tilespmem:s13], [sflag:$0x5], $0x80, $0x38;
	[tilespmem:$0x10F00] =	vst v63  }
0x2c9: {  	s13 =	sadd.s32 $0x9B20, s9;
	s14 =	sadd.s32 $0x40, s7  }
0x2ca: {  	[hbm4b:s14+s3] =	stream.linear.scatter [tilespmem:s13], [sflag:$0x5], $0x80, $0x38;
	[tilespmem:$0x10F00] =	vst v63  }
.Ltmp10:
0x2cb: {  	s13 =	sadd.s32 $0x9BA8, s9;
	s14 =	sadd.s32 $0x50, s7;
	(pc) =	sbr.rel @p0 .LBB2_22-.Ltmp10, $4  }
0x2cc: {  	[hbm4b:s14+s3] =	stream.linear.scatter [tilespmem:s13], [sflag:$0x5], $0x80, $0x38;
	[tilespmem:$0x10F00] =	vst v63  }
0x2cd: {  	s15 =	sadd.s32 $0x70, s7;
	s13 =	sadd.s32 $0x9C30, s9;
	s14 =	sadd.s32 $0x60, s7  }
0x2ce: {  	[hbm4b:s14+s3] =	stream.linear.scatter [tilespmem:s13], [sflag:$0x5], $0x80, $0x38;
	[tilespmem:$0x10F00] =	vst v63  }
0x2cf: {  	s7 =	sadd.s32 $0x400, s7;
	s14 =	sadd.s32 $0x9CB8, s9;
	s13 =	smov.u32 s19  }
0x2d0: {  	[hbm4b:s15+s3] =	stream.linear.scatter [tilespmem:s14], [sflag:$0x5], $0x80, $0x38;
	[tilespmem:$0x10F00] =	vst v63  }
0x2d1: {  	s9 =	sadd.s32 $0x9900, s6  }
0x2d2: {  	[hbm4b:s7+s3] =	stream.linear.scatter [tilespmem:s9], [sflag:$0x5], $0x80, $0x38;
	[tilespmem:$0x10F00] =	vst v63  }
0x2d3: {  	s19 =	sadd.s32 $0x9988, s6;
	s13 =	sadd.s32 $0x10, s7  }
0x2d4: {  	[hbm4b:s13+s3] =	stream.linear.scatter [tilespmem:s19], [sflag:$0x5], $0x80, $0x38;
	[tilespmem:$0x10F00] =	vst v63  }
0x2d5: {  	s20 =	sadd.s32 $0x9A10, s6;
	s21 =	sadd.s32 $0x20, s7  }
0x2d6: {  	[hbm4b:s21+s3] =	stream.linear.scatter [tilespmem:s20], [sflag:$0x5], $0x80, $0x38;
	[tilespmem:$0x10F00] =	vst v63  }
0x2d7: {  	s22 =	sadd.s32 $0x9A98, s6;
	s23 =	sadd.s32 $0x30, s7  }
0x2d8: {  	[hbm4b:s23+s3] =	stream.linear.scatter [tilespmem:s22], [sflag:$0x5], $0x80, $0x38;
	[tilespmem:$0x10F00] =	vst v63  }
0x2d9: {  	s14 =	sadd.s32 $0x40, s7;
	s13 =	sadd.s32 $0x9B20, s6  }
0x2da: {  	[hbm4b:s14+s3] =	stream.linear.scatter [tilespmem:s13], [sflag:$0x5], $0x80, $0x38;
	[tilespmem:$0x10F00] =	vst v63  }
0x2db: {  	s15 =	sadd.s32 $0x9BA8, s6;
	s19 =	sadd.s32 $0x50, s7  }
0x2dc: {  	[hbm4b:s19+s3] =	stream.linear.scatter [tilespmem:s15], [sflag:$0x5], $0x80, $0x38;
	[tilespmem:$0x10F00] =	vst v63  }
0x2dd: {  	s20 =	sadd.s32 $0x9C30, s6;
	s21 =	sadd.s32 $0x60, s7  }
0x2de: {  	[hbm4b:s21+s3] =	stream.linear.scatter [tilespmem:s20], [sflag:$0x5], $0x80, $0x38;
	[tilespmem:$0x10F00] =	vst v63  }
0x2df: {  	s22 =	sadd.s32 $0x9CB8, s6;
	s23 =	sadd.s32 $0x70, s7  }
0x2e0: {  	[hbm4b:s23+s3] =	stream.linear.scatter [tilespmem:s22], [sflag:$0x5], $0x80, $0x38;
	[tilespmem:$0x10F00] =	vst v63  }
0x2e1: {  	_ =	swait.ge [sflag:s26], $0x2000  }
0x2e2: {  	[sflag:s26] =	ssyncset.done $0x0  }
0x2e3: {  	[sflag:s26] =	ssyncadd.s32 $0xFFFFE000  }
0x2e4: {  	_ =	swait.ge [sflag:s1], $0x2000  }
0x2e5: {  	[sflag:s1] =	ssyncset.done $0x0  }
0x2e6: {  	[sflag:s1] =	ssyncadd.s32 $0xFFFFE000  }
0x2e7: {  	s7 =	simm.s32 $0x3;
	s14 =	simm.s32 $0x3980;
	v9 =	vld [tilespmem:s11+$0xDD00]  }
0x2e8: {  	v4 =	vmov s7;
	v7 =	vld [tilespmem:s14+$0x40]  }
0x2e9: {  	s9 =	simm.s32 $0x0;
	v13 =	vand.u32 $0x7F, v4  }
0x2ea: {  	v4 =	vmov s9;
	v8 =	vadd.s32 v0, v13;
	v6 =	vld [tilespmem:s11+$0xDD10]  }
0x2eb: {  	s13 =	simm.s32 $0x1;
	v12 =	vand.u32 $0x7C, v4;
	v10 =	vld [tilespmem:s14+$0xFFFFFF80]  }
0x2ec: {  	v4 =	vmov s13;
	s15 =	simm.s32 $0x2;
	v15 =	vadd.s32 v0, v12;
	v11 =	vld [tilespmem:s14+$0xFFFFFFC0]  }
0x2ed: {  	v19 =	vand.u32 $0x7D, v4;
	v14 =	vmov s15;
	v16 =	vld [tilespmem:s14+$0x0];
	v7 =	vadd.f32 v7, v9  }
0x2ee: {  	v17 =	vadd.s32 v0, v19;
	v20 =	vand.u32 $0x7E, v14;
	v5 =	vld [tilespmem:s11+$0xDD20]  }
0x2ef: {  	v14 =	vadd.s32 v0, v20;
	v4 =	vld [tilespmem:s11+$0xDD30];
	[tilespmem:v8+s28+$0x0] =	vst.idx.msk $0xffff, v7  }
0x2f0: {  	v7 =	vadd.f32 v10, v9;
	v8 =	vld [tilespmem:s14+$0x50]  }
0x2f1: {  	v10 =	vadd.f32 v11, v9  }
0x2f2: {  	v11 =	vadd.s32 v1, v13;
	[tilespmem:v15+s28+$0x0] =	vst.idx.msk $0xffff, v7;
	v7 =	vadd.f32 v16, v9  }
0x2f3: {  	[tilespmem:v17+s28+$0x0] =	vst.idx.msk $0xffff, v10;
	v15 =	vld [tilespmem:s14+$0xFFFFFF90]  }
0x2f4: {  	v10 =	vld [tilespmem:s14+$0xFFFFFFD0];
	[tilespmem:v14+s28+$0x0] =	vst.idx.msk $0xffff, v7  }
0x2f5: {  	v14 =	vld [tilespmem:s14+$0x10];
	v7 =	vadd.f32 v8, v6  }
0x2f6: {  	s6 =	simm.s32 $0x3A80;
	s20 =	simm.s32 $0x7;
	v16 =	vadd.s32 v1, v19  }
0x2f7: {  	v26 =	vadd.s32 v2, v13;
	s19 =	simm.s32 $0x4;
	v18 =	vld [tilespmem:s6+$0x40];
	v17 =	vadd.s32 v1, v20;
	[tilespmem:v11+s28+$0x0] =	vst.idx.msk $0xffff, v7;
	v7 =	vmov s20  }
0x2f8: {  	v21 =	vadd.s32 v1, v12;
	v8 =	vmov s19;
	v7 =	vand.u32 $0x7F, v7;
	v22 =	vld [tilespmem:s14+$0x60]  }
0x2f9: {  	s21 =	simm.s32 $0x5;
	v23 =	vld [tilespmem:s6+$0xFFFFFF80];
	v8 =	vand.u32 $0x7C, v8;
	v10 =	vadd.f32 v10, v6;
	v24 =	vadd.s32 v0, v7  }
0x2fa: {  	s22 =	simm.s32 $0x6;
	v25 =	vld [tilespmem:s6+$0xFFFFFFC0];
	v15 =	vadd.f32 v15, v6;
	v11 =	vadd.f32 v14, v6;
	v14 =	vmov s21  }
0x2fb: {  	v27 =	vadd.s32 v0, v8;
	[tilespmem:v16+s28+$0x0] =	vst.idx.msk $0xffff, v10;
	v16 =	vmov s22;
	v10 =	vand.u32 $0x7D, v14;
	v14 =	vld [tilespmem:s6+$0x0]  }
0x2fc: {  	[tilespmem:v17+s28+$0x0] =	vst.idx.msk $0xffff, v11;
	v17 =	vadd.s32 v0, v10;
	v11 =	vand.u32 $0x7E, v16;
	v16 =	vadd.f32 v18, v9;
	v18 =	vld [tilespmem:s14+$0xFFFFFFE0]  }
0x2fd: {  	[tilespmem:v21+s28+$0x0] =	vst.idx.msk $0xffff, v15;
	v15 =	vadd.s32 v0, v11;
	v21 =	vld [tilespmem:s14+$0x20];
	v22 =	vadd.f32 v22, v5  }
0x2fe: {  	v23 =	vadd.f32 v23, v9;
	[tilespmem:v24+s28+$0x0] =	vst.idx.msk $0xffff, v16;
	v16 =	vld [tilespmem:s14+$0xFFFFFFA0];
	v24 =	vadd.s32 v2, v19  }
0x2ff: {  	v29 =	vadd.s32 v2, v20;
	v25 =	vadd.f32 v25, v9;
	v28 =	vld [tilespmem:s6+$0x50];
	[tilespmem:v26+s28+$0x0] =	vst.idx.msk $0xffff, v22  }
0x300: {  	[tilespmem:v27+s28+$0x0] =	vst.idx.msk $0xffff, v23;
	v23 =	vadd.s32 v2, v12;
	v14 =	vadd.f32 v14, v9;
	v26 =	vld [tilespmem:s14+$0x70]  }
0x301: {  	v27 =	vld [tilespmem:s6+$0xFFFFFF90];
	[tilespmem:v17+s28+$0x0] =	vst.idx.msk $0xffff, v25;
	v25 =	vadd.s32 v1, v7;
	v18 =	vadd.f32 v18, v5  }
0x302: {  	v31 =	vadd.s32 v3, v13;
	v30 =	vld [tilespmem:s6+$0xFFFFFFD0];
	[tilespmem:v15+s28+$0x0] =	vst.idx.msk $0xffff, v14;
	v14 =	vadd.f32 v21, v5  }
0x303: {  	v22 =	vadd.s32 v1, v8;
	v17 =	vld [tilespmem:s6+$0x10];
	v13 =	vadd.f32 v16, v5;
	[tilespmem:v24+s28+$0x0] =	vst.idx.msk $0xffff, v18  }
0x304: {  	s13 =	simm.s32 $0x8;
	v21 =	vadd.s32 v1, v10;
	[tilespmem:v29+s28+$0x0] =	vst.idx.msk $0xffff, v14;
	v18 =	vadd.f32 v28, v6;
	v16 =	vld [tilespmem:s14+$0xFFFFFFF0]  }
0x305: {  	v24 =	vmov s13;
	v14 =	vadd.s32 v1, v11;
	v15 =	vld [tilespmem:s14+$0x30];
	[tilespmem:v23+s28+$0x0] =	vst.idx.msk $0xffff, v13;
	v63 =	vadd.f32 v26, v4  }
0x306: {  	s7 =	simm.s32 $0x3B80;
	s23 =	simm.s32 $0xB;
	v19 =	vadd.s32 v3, v19;
	v13 =	vand.u32 $0x7C, v24;
	v24 =	vadd.f32 v27, v6;
	[tilespmem:v25+s28+$0x0] =	vst.idx.msk $0xffff, v18;
	v18 =	vld [tilespmem:s14+$0xFFFFFFB0]  }
0x307: {  	v20 =	vadd.s32 v3, v20;
	v26 =	vmov s23;
	v23 =	vld [tilespmem:s7+$0x40];
	s14 =	simm.s32 $0xC;
	v25 =	vadd.f32 v30, v6;
	[tilespmem:v31+s28+$0x0] =	vst.idx.msk $0xffff, v63  }
.LBB2_24:
0x308: {  	p0 =	slt.u32 s14, $0x7C;
	s9 =	sadd.s32 $0x1, s13;
	v26 =	vand.u32 $0x7F, v26;
	[tilespmem:v22+s28+$0x0] =	vst.idx.msk $0xffff, v24;
	v17 =	vadd.f32 v17, v6;
	v22 =	vld [tilespmem:s6+$0x60];
	v24 =	vadd.s32 v3, v12  }
0x309: {  	v30 =	vmovc v11;
	v27 =	vld [tilespmem:s7+$0xFFFFFF80];
	v28 =	vmov s9;
	s9 =	sadd.s32 $0x2, s13;
	v29 =	vadd.s32 v0, v26;
	[tilespmem:v21+s28+$0x0] =	vst.idx.msk $0xffff, v25;
	v16 =	vadd.f32 v16, v4;
	s13 =	smov.u32 s14  }
0x30a: {  	v12 =	vmovc v8;
	v21 =	vld [tilespmem:s7+$0xFFFFFFC0];
	v11 =	vmov s9;
	[tilespmem:v14+s28+$0x0] =	vst.idx.msk $0xffff, v17;
	v14 =	vadd.s32 v2, v7;
	v15 =	vadd.f32 v15, v4  }
0x30b: {  	v17 =	vadd.s32 v0, v13;
	v28 =	vand.u32 $0x7D, v28;
	v25 =	vld [tilespmem:s7+$0x0];
	v31 =	vadd.f32 v18, v4;
	[tilespmem:v19+s28+$0x0] =	vst.idx.msk $0xffff, v16  }
0x30c: {  	v16 =	vadd.s32 v0, v28;
	v11 =	vand.u32 $0x7E, v11;
	v18 =	vadd.f32 v23, v9;
	v19 =	vld [tilespmem:s6+$0xFFFFFFE0];
	[tilespmem:v20+s28+$0x0] =	vst.idx.msk $0xffff, v15  }
0x30d: {  	v8 =	vmov v13;
	v15 =	vadd.s32 v0, v11;
	v20 =	vld [tilespmem:s6+$0x20];
	v22 =	vadd.f32 v22, v5;
	[tilespmem:v24+s28+$0x0] =	vst.idx.msk $0xffff, v31  }
0x30e: {  	v23 =	vadd.s32 v2, v10;
	v13 =	vadd.f32 v27, v9;
	[tilespmem:v29+s28+$0x0] =	vst.idx.msk $0xffff, v18;
	v18 =	vld [tilespmem:s6+$0xFFFFFFA0]  }
0x30f: {  	v27 =	vadd.s32 v2, v30;
	v21 =	vadd.f32 v21, v9;
	v24 =	vld [tilespmem:s7+$0x50];
	[tilespmem:v14+s28+$0x0] =	vst.idx.msk $0xffff, v22  }
0x310: {  	[tilespmem:v17+s28+$0x0] =	vst.idx.msk $0xffff, v13;
	v13 =	vadd.f32 v25, v9;
	v25 =	vadd.s32 v2, v12;
	v29 =	vld [tilespmem:s6+$0x70]  }
0x311: {  	v32 =	vadd.s32 v1, v26;
	v31 =	vld [tilespmem:s7+$0xFFFFFF90];
	[tilespmem:v16+s28+$0x0] =	vst.idx.msk $0xffff, v21;
	v14 =	vadd.f32 v19, v5  }
0x312: {  	v34 =	vadd.s32 v3, v7;
	v7 =	vmov v26;
	v33 =	vld [tilespmem:s7+$0xFFFFFFD0];
	[tilespmem:v15+s28+$0x0] =	vst.idx.msk $0xffff, v13;
	v13 =	vadd.f32 v20, v5  }
.Ltmp11:
0x313: {  	v22 =	vadd.s32 v1, v8;
	v17 =	vld [tilespmem:s7+$0x10];
	v15 =	vadd.f32 v18, v5;
	[tilespmem:v23+s28+$0x0] =	vst.idx.msk $0xffff, v14;
	(pc) =	sbr.rel @p0 .LBB2_24-.Ltmp11, $4  }
0x314: {  	v21 =	vadd.s32 v1, v28;
	v18 =	vadd.f32 v24, v6;
	v16 =	vld [tilespmem:s6+$0xFFFFFFF0];
	[tilespmem:v27+s28+$0x0] =	vst.idx.msk $0xffff, v13  }
0x315: {  	v14 =	vadd.s32 v1, v11;
	v13 =	vmov s14;
	[tilespmem:v25+s28+$0x0] =	vst.idx.msk $0xffff, v15;
	v15 =	vld [tilespmem:s6+$0x30];
	v27 =	vadd.f32 v29, v4  }
0x316: {  	s9 =	sadd.s32 $0x3, s14;
	v19 =	vadd.s32 v3, v10;
	v13 =	vand.u32 $0x7C, v13;
	v24 =	vadd.f32 v31, v6;
	[tilespmem:v32+s28+$0x0] =	vst.idx.msk $0xffff, v18;
	v18 =	vld [tilespmem:s6+$0xFFFFFFB0];
	s6 =	smov.u32 s7;
	s7 =	sadd.s32 $0x100, s7  }
0x317: {  	v26 =	vmov s9;
	v10 =	vmovc v28;
	v20 =	vadd.s32 v3, v30;
	s14 =	sadd.s32 $0x4, s14;
	v23 =	vld [tilespmem:s7+$0x40];
	v25 =	vadd.f32 v33, v6;
	[tilespmem:v34+s28+$0x0] =	vst.idx.msk $0xffff, v27  }
0x318: {  	s9 =	sadd.s32 $0x1, s13  }
0x319: {  	v26 =	vand.u32 $0x7F, v26;
	s20 =	sadd.s32 $0x2, s13;
	v28 =	vld [tilespmem:s7+$0xFFFFFFC0];
	v27 =	vmov s9  }
0x31a: {  	v31 =	vld [tilespmem:s7+$0x0];
	v29 =	vadd.s32 v0, v26;
	v30 =	vmov s20;
	v27 =	vand.u32 $0x7D, v27  }
0x31b: {  	v32 =	vld [tilespmem:s7+$0xFFFFFF80];
	v30 =	vand.u32 $0x7E, v30;
	v33 =	vadd.s32 v0, v27  }
0x31c: {  	v34 =	vadd.s32 v0, v30  }
0x31d: {  	[tilespmem:v22+s28+$0x0] =	vst.idx.msk $0xffff, v24;
	v44 =	vadd.s32 v0, v13;
	v23 =	vadd.f32 v23, v9  }
0x31e: {  	[tilespmem:v21+s28+$0x0] =	vst.idx.msk $0xffff, v25;
	v45 =	vadd.f32 v28, v9  }
0x31f: {  	v46 =	vadd.f32 v31, v9;
	[tilespmem:v29+s28+$0x0] =	vst.idx.msk $0xffff, v23  }
0x320: {  	v47 =	vadd.f32 v32, v9;
	v48 =	vld [tilespmem:s7+$0x50];
	[tilespmem:v33+s28+$0x0] =	vst.idx.msk $0xffff, v45  }
0x321: {  	v17 =	vadd.f32 v17, v6;
	v12 =	vadd.s32 v3, v12;
	[tilespmem:v34+s28+$0x0] =	vst.idx.msk $0xffff, v46;
	v21 =	vld [tilespmem:s7+$0xFFFFFFD0]  }
0x322: {  	v16 =	vadd.f32 v16, v4;
	v49 =	vadd.s32 v1, v26;
	[tilespmem:v44+s28+$0x0] =	vst.idx.msk $0xffff, v47;
	v50 =	vld [tilespmem:s7+$0x10]  }
0x323: {  	[tilespmem:v14+s28+$0x0] =	vst.idx.msk $0xffff, v17;
	v51 =	vadd.f32 v15, v4;
	v53 =	vadd.s32 v1, v27;
	v52 =	vld [tilespmem:s7+$0xFFFFFF90]  }
0x324: {  	v54 =	vld [tilespmem:s6+$0x60];
	v18 =	vadd.f32 v18, v4;
	[tilespmem:v19+s28+$0x0] =	vst.idx.msk $0xffff, v16;
	v55 =	vadd.s32 v1, v30  }
0x325: {  	v57 =	vadd.s32 v1, v13;
	v60 =	vld [tilespmem:s6+$0x20];
	[tilespmem:v20+s28+$0x0] =	vst.idx.msk $0xffff, v51;
	v58 =	vadd.f32 v48, v6  }
0x326: {  	v59 =	vadd.s32 v2, v7;
	v56 =	vld [tilespmem:s6+$0xFFFFFFE0];
	[tilespmem:v12+s28+$0x0] =	vst.idx.msk $0xffff, v18;
	v61 =	vadd.f32 v21, v6  }
0x327: {  	v62 =	vld [tilespmem:s6+$0xFFFFFFA0];
	v29 =	vadd.s32 v2, v11;
	[tilespmem:v49+s28+$0x0] =	vst.idx.msk $0xffff, v58;
	v28 =	vadd.f32 v50, v6  }
0x328: {  	v63 =	vadd.s32 v2, v10;
	v31 =	vadd.f32 v52, v6;
	v32 =	vld [tilespmem:s7+$0x60];
	[tilespmem:v53+s28+$0x0] =	vst.idx.msk $0xffff, v61  }
0x329: {  	v33 =	vadd.f32 v54, v5;
	v34 =	vadd.s32 v2, v8;
	[tilespmem:v55+s28+$0x0] =	vst.idx.msk $0xffff, v28;
	v35 =	vld [tilespmem:s7+$0xFFFFFFE0]  }
0x32a: {  	v37 =	vadd.s32 v2, v26;
	v39 =	vadd.f32 v60, v5;
	[tilespmem:v57+s28+$0x0] =	vst.idx.msk $0xffff, v31;
	v38 =	vld [tilespmem:s7+$0x20]  }
0x32b: {  	v41 =	vadd.s32 v2, v27;
	v36 =	vadd.f32 v56, v5;
	[tilespmem:v59+s28+$0x0] =	vst.idx.msk $0xffff, v33;
	v40 =	vld [tilespmem:s7+$0xFFFFFFA0]  }
0x32c: {  	v43 =	vadd.s32 v2, v30;
	v18 =	vadd.f32 v62, v5;
	v42 =	vld [tilespmem:s6+$0x70];
	[tilespmem:v29+s28+$0x0] =	vst.idx.msk $0xffff, v39  }
0x32d: {  	v45 =	vadd.s32 v2, v13;
	[tilespmem:v63+s28+$0x0] =	vst.idx.msk $0xffff, v36;
	v47 =	vld [tilespmem:s6+$0x30];
	v44 =	vadd.f32 v32, v5  }
0x32e: {  	v46 =	vadd.s32 v3, v7;
	[tilespmem:v34+s28+$0x0] =	vst.idx.msk $0xffff, v18;
	v21 =	vld [tilespmem:s6+$0xFFFFFFF0];
	v9 =	vadd.f32 v35, v5  }
0x32f: {  	v18 =	vld [tilespmem:s6+$0xFFFFFFB0];
	v50 =	vadd.s32 v3, v11;
	[tilespmem:v37+s28+$0x0] =	vst.idx.msk $0xffff, v44;
	v49 =	vadd.f32 v38, v5  }
0x330: {  	v48 =	vadd.s32 v3, v10;
	v5 =	vadd.f32 v40, v5;
	v12 =	vld [tilespmem:s7+$0x70];
	[tilespmem:v41+s28+$0x0] =	vst.idx.msk $0xffff, v9  }
0x331: {  	v52 =	vadd.s32 v3, v8;
	v51 =	vadd.f32 v42, v4;
	[tilespmem:v43+s28+$0x0] =	vst.idx.msk $0xffff, v49;
	v53 =	vld [tilespmem:s7+$0xFFFFFFF0]  }
0x332: {  	v55 =	vadd.s32 v3, v26;
	v56 =	vadd.f32 v47, v4;
	[tilespmem:v45+s28+$0x0] =	vst.idx.msk $0xffff, v5;
	v5 =	vld [tilespmem:s7+$0x30]  }
0x333: {  	v58 =	vadd.s32 v3, v27;
	[tilespmem:v46+s28+$0x0] =	vst.idx.msk $0xffff, v51;
	v54 =	vadd.f32 v21, v4;
	v57 =	vld [tilespmem:s7+$0xFFFFFFB0]  }
0x334: {  	v60 =	vadd.s32 v3, v30;
	v59 =	vadd.f32 v18, v4;
	[tilespmem:v50+s28+$0x0] =	vst.idx.msk $0xffff, v56  }
0x335: {  	v62 =	vadd.s32 v3, v13;
	[tilespmem:v48+s28+$0x0] =	vst.idx.msk $0xffff, v54;
	v61 =	vadd.f32 v12, v4  }
0x336: {  	[tilespmem:v52+s28+$0x0] =	vst.idx.msk $0xffff, v59;
	v63 =	vadd.f32 v53, v4  }
0x337: {  	[tilespmem:v55+s28+$0x0] =	vst.idx.msk $0xffff, v61;
	v5 =	vadd.f32 v5, v4  }
0x338: {  	v4 =	vadd.f32 v57, v4;
	[tilespmem:v58+s28+$0x0] =	vst.idx.msk $0xffff, v63  }
0x339: {  	[tilespmem:v60+s28+$0x0] =	vst.idx.msk $0xffff, v5  }
0x33a: {  	s21 =	simm.s32 $0xBB00;
	[tilespmem:v62+s28+$0x0] =	vst.idx.msk $0xffff, v4  }
0x33b: {  	[hbm4b:s12+s3] =	stream.linear.scatter [tilespmem:s21], [sflag:$0x6], $0x80, $0x38;
	[tilespmem:$0x10F00] =	vst v63  }
0x33c: {  	s22 =	simm.s32 $0xBB88;
	s23 =	sadd.s32 $0x10, s12  }
0x33d: {  	[hbm4b:s23+s3] =	stream.linear.scatter [tilespmem:s22], [sflag:$0x6], $0x80, $0x38;
	[tilespmem:$0x10F00] =	vst v63  }
0x33e: {  	s13 =	simm.s32 $0xBC98;
	s9 =	sadd.s32 $0x20, s12;
	s7 =	simm.s32 $0xBC10  }
0x33f: {  	[hbm4b:s9+s3] =	stream.linear.scatter [tilespmem:s7], [sflag:$0x6], $0x80, $0x38;
	[tilespmem:$0x10F00] =	vst v63  }
0x340: {  	s14 =	sadd.s32 $0x30, s12;
	s15 =	simm.s32 $0xBD20;
	s19 =	sadd.s32 $0x40, s12  }
0x341: {  	[hbm4b:s14+s3] =	stream.linear.scatter [tilespmem:s13], [sflag:$0x6], $0x80, $0x38;
	[tilespmem:$0x10F00] =	vst v63  }
0x342: {  	s20 =	simm.s32 $0xBDA8;
	s6 =	simm.s32 $0x440;
	s21 =	sadd.s32 $0x50, s12  }
0x343: {  	[hbm4b:s19+s3] =	stream.linear.scatter [tilespmem:s15], [sflag:$0x6], $0x80, $0x38;
	[tilespmem:$0x10F00] =	vst v63  }
0x344: {  	s22 =	simm.s32 $0xBE30;
	s23 =	sadd.s32 $0x60, s12;
	s7 =	sadd.s32 $0x400, s12  }
0x345: {  	[hbm4b:s21+s3] =	stream.linear.scatter [tilespmem:s20], [sflag:$0x6], $0x80, $0x38;
	[tilespmem:$0x10F00] =	vst v63  }
0x346: {  	s13 =	simm.s32 $0x2200;
	s14 =	simm.s32 $0xBEB8;
	s15 =	sadd.s32 $0x70, s12  }
0x347: {  	[hbm4b:s23+s3] =	stream.linear.scatter [tilespmem:s22], [sflag:$0x6], $0x80, $0x38;
	[tilespmem:$0x10F00] =	vst v63  }
.LBB2_26:
0x348: {  	[hbm4b:s15+s3] =	stream.linear.scatter [tilespmem:s14], [sflag:$0x6], $0x80, $0x38;
	[tilespmem:$0x10F00] =	vst v63  }
0x349: {  	s9 =	smov.u32 s6;
	s6 =	smov.u32 s13  }
0x34a: {  	s19 =	sadd.s32 $0x1100, s13;
	s6 =	sshra.s32 s6, $0x2;
	s14 =	sadd.s32 $0xBB00, s9  }
0x34b: {  	[hbm4b:s7+s3] =	stream.linear.scatter [tilespmem:s14], [sflag:$0x6], $0x80, $0x38;
	[tilespmem:$0x10F00] =	vst v63  }
0x34c: {  	p0 =	sne.s32 s13, $0x7700;
	s13 =	sadd.s32 $0xBB88, s9;
	s14 =	sadd.s32 $0x10, s7  }
0x34d: {  	[hbm4b:s14+s3] =	stream.linear.scatter [tilespmem:s13], [sflag:$0x6], $0x80, $0x38;
	[tilespmem:$0x10F00] =	vst v63  }
0x34e: {  	s13 =	sadd.s32 $0xBC10, s9;
	s14 =	sadd.s32 $0x20, s7  }
0x34f: {  	[hbm4b:s14+s3] =	stream.linear.scatter [tilespmem:s13], [sflag:$0x6], $0x80, $0x38;
	[tilespmem:$0x10F00] =	vst v63  }
0x350: {  	s13 =	sadd.s32 $0xBC98, s9;
	s14 =	sadd.s32 $0x30, s7  }
0x351: {  	[hbm4b:s14+s3] =	stream.linear.scatter [tilespmem:s13], [sflag:$0x6], $0x80, $0x38;
	[tilespmem:$0x10F00] =	vst v63  }
0x352: {  	s13 =	sadd.s32 $0xBD20, s9;
	s14 =	sadd.s32 $0x40, s7  }
0x353: {  	[hbm4b:s14+s3] =	stream.linear.scatter [tilespmem:s13], [sflag:$0x6], $0x80, $0x38;
	[tilespmem:$0x10F00] =	vst v63  }
.Ltmp12:
0x354: {  	s13 =	sadd.s32 $0xBDA8, s9;
	s14 =	sadd.s32 $0x50, s7;
	(pc) =	sbr.rel @p0 .LBB2_26-.Ltmp12, $4  }
0x355: {  	[hbm4b:s14+s3] =	stream.linear.scatter [tilespmem:s13], [sflag:$0x6], $0x80, $0x38;
	[tilespmem:$0x10F00] =	vst v63  }
0x356: {  	s15 =	sadd.s32 $0x70, s7;
	s13 =	sadd.s32 $0xBE30, s9;
	s14 =	sadd.s32 $0x60, s7  }
0x357: {  	[hbm4b:s14+s3] =	stream.linear.scatter [tilespmem:s13], [sflag:$0x6], $0x80, $0x38;
	[tilespmem:$0x10F00] =	vst v63  }
0x358: {  	s7 =	sadd.s32 $0x400, s7;
	s14 =	sadd.s32 $0xBEB8, s9;
	s13 =	smov.u32 s19  }
0x359: {  	[hbm4b:s15+s3] =	stream.linear.scatter [tilespmem:s14], [sflag:$0x6], $0x80, $0x38;
	[tilespmem:$0x10F00] =	vst v63  }
0x35a: {  	s9 =	sadd.s32 $0xBB00, s6  }
0x35b: {  	[hbm4b:s7+s3] =	stream.linear.scatter [tilespmem:s9], [sflag:$0x6], $0x80, $0x38;
	[tilespmem:$0x10F00] =	vst v63  }
0x35c: {  	s14 =	sadd.s32 $0xBB88, s6;
	s13 =	sadd.s32 $0x10, s7  }
0x35d: {  	[hbm4b:s13+s3] =	stream.linear.scatter [tilespmem:s14], [sflag:$0x6], $0x80, $0x38;
	[tilespmem:$0x10F00] =	vst v63  }
0x35e: {  	s15 =	sadd.s32 $0xBC10, s6;
	s19 =	sadd.s32 $0x20, s7  }
0x35f: {  	[hbm4b:s19+s3] =	stream.linear.scatter [tilespmem:s15], [sflag:$0x6], $0x80, $0x38;
	[tilespmem:$0x10F00] =	vst v63  }
0x360: {  	s20 =	sadd.s32 $0xBC98, s6;
	s21 =	sadd.s32 $0x30, s7  }
0x361: {  	[hbm4b:s21+s3] =	stream.linear.scatter [tilespmem:s20], [sflag:$0x6], $0x80, $0x38;
	[tilespmem:$0x10F00] =	vst v63  }
0x362: {  	s22 =	sadd.s32 $0xBD20, s6;
	s23 =	sadd.s32 $0x40, s7  }
0x363: {  	[hbm4b:s23+s3] =	stream.linear.scatter [tilespmem:s22], [sflag:$0x6], $0x80, $0x38;
	[tilespmem:$0x10F00] =	vst v63  }
0x364: {  	s14 =	sadd.s32 $0xBDA8, s6;
	s15 =	sadd.s32 $0x50, s7  }
0x365: {  	[hbm4b:s15+s3] =	stream.linear.scatter [tilespmem:s14], [sflag:$0x6], $0x80, $0x38;
	[tilespmem:$0x10F00] =	vst v63  }
0x366: {  	s19 =	sadd.s32 $0xBE30, s6;
	s20 =	sadd.s32 $0x60, s7  }
0x367: {  	[hbm4b:s20+s3] =	stream.linear.scatter [tilespmem:s19], [sflag:$0x6], $0x80, $0x38;
	[tilespmem:$0x10F00] =	vst v63  }
0x368: {  	s21 =	sadd.s32 $0xBEB8, s6;
	s22 =	sadd.s32 $0x70, s7  }
0x369: {  	[hbm4b:s22+s3] =	stream.linear.scatter [tilespmem:s21], [sflag:$0x6], $0x80, $0x38;
	[tilespmem:$0x10F00] =	vst v63  }
0x36a: {  	_ =	swait.ge [sflag:s30], $0x2000  }
0x36b: {  	[sflag:s30] =	ssyncset.done $0x0  }
0x36c: {  	[sflag:s30] =	ssyncadd.s32 $0xFFFFE000  }
0x36d: {  	_ =	swait.ge [sflag:s1], $0x2000  }
0x36e: {  	s0 =	sadd.s32 $0x1, s0;
	s23 =	rddreg [dreg:$0x6]  }
0x36f: {  	p0 =	sne.s32 s0, s23  }
.Ltmp13:
0x370: {  	_ = 	snop;
	(pc) =	sbr.rel @p0 .LBB2_1-.Ltmp13, $3  }
0x371: {  	_ =	sdelay $0x1  }
0x372: {  	[sflag:s1] =	ssyncset.done $0x0  }
0x373: {  	[sflag:s1] =	ssyncadd.s32 $0xFFFFE000  }
0x374: {  	_ =	sfence.sel $0x180000  }
0x375: {  	[bflag:$0x0] =	sbarrier.arrive $0xFFFF  }
0x376: {  	_ =	strace $0x90000047  }
0x377: {  	s0 =	stileid.u32;
	[bflag:$0x2] =	sbarrier.arrive $0xFFFF  }
0x378: {  	p0 =	sne.s32 s0, $0x0;
	s0 =	rddreg [dreg:$0x2]  }
0x379: {  	s0 =	sadd.s32 @!p0 $0x100000, s0  }
0x37a: {  	[sflag:s0] =	ssyncadd.tile.s32 @!p0 $0x1;
	_ =	shalt  }
.Lfunc_end2:
_tile_overlayer_lowered:
.L_overlay_start_2:
0x37b: {  	(tag) =	ssettag $0x2  }
0x37c: {  	s0 =	rddreg [dreg:$0x0];
	s2 =	stileid.u32  }
0x37d: {  	s1 =	rddreg [dreg:$0x1];
	p0 =	sne.s32 s2, $0x0  }
0x37e: {  	s3 =	rddreg [dreg:$0x2];
	[bflag:$0x3] =	sbarrier.arrive $0xFFFF;
	s2 =	simm.s32 @!p0 $0x1C08  }
0x37f: {  	[timem:s3], [sflag:s2] =	dma.local @!p0 [hbm:s0], s1  }
0x380: {  	s0 =	simm.s32 @!p0 $0x8  }
0x381: {  	_ =	swait.ge @!p0 [sflag:s0], s1  }
0x382: {  	s1 =	ssub.s32 @!p0 $0x0, s1;
	[sflag:s0] =	ssyncset.done @!p0 $0x0  }
0x383: {  	[sflag:s0] =	ssyncadd.s32 @!p0 s1  }
0x384: {  	[bflag:$0x3] =	sbarrier.arrive $0xFFFF  }
0x385: {  	_ =	shalt  }

</sc_bundles>
